<compile_context>
chip_gen: v7x
topology: tpu7x:2x2x1
jax: 0.10.2.dev20260603
libtpu: 0.0.44.dev20260713+nightly
codegen_flags: <defaults>
</compile_context>

<pallas_src>
import functools

import jax
import jax.numpy as jnp
from jax import lax
from jax.experimental import pallas as pl
from jax.experimental.pallas import tpu as pltpu
from jax.experimental.pallas import tpu_sc as plsc

N = 512
E = 8192
D_IN = 128
H2 = 256
FLAT = N * H2

_NC = 2
_NS = 16
_NW = _NC * _NS

_NROWS_W = N // _NW
_EPW = E // _NW
_EROWS = _EPW // 128
_ASLICE = (N * N) // _NS


def _sc_body(obs_hbm, map_hbm, src_hbm, dst_hbm, x_hbm, a_hbm,
             idx_v, xrow_v, obs_v, se_v, de_v, ei_v, ones_v, zbuf_v, a_sh,
             sem, zsem, esem):
    c = lax.axis_index("c")
    s = lax.axis_index("s")
    wid = s * _NC + c

    base = wid * _NROWS_W
    ocp = pltpu.make_async_copy(obs_hbm, obs_v, sem)
    ocp.start()
    pltpu.sync_copy(map_hbm.at[pl.ds(base, _NROWS_W)], idx_v)

    def _zloop(i, carry):
        z = jnp.zeros((16,), jnp.float32)
        for t in range(8):
            zbuf_v[pl.ds((i * 8 + t) * 16, 16)] = z
        return carry

    lax.fori_loop(0, 16, _zloop, 0)
    zcps = [pltpu.make_async_copy(
        zbuf_v, a_sh.at[pl.ds(s * _ASLICE + t * 2048, 2048)], zsem)
        for t in range(_ASLICE // 2048)]
    for cp in zcps:
        cp.start()
    ebase = wid * _EROWS
    scp = pltpu.make_async_copy(src_hbm.at[pl.ds(ebase, _EROWS)], se_v, esem)
    dcp = pltpu.make_async_copy(dst_hbm.at[pl.ds(ebase, _EROWS)], de_v, esem)
    scp.start()
    dcp.start()
    one = jnp.ones((16,), jnp.float32)
    for j in range(_EROWS):
        for t in range(8):
            ones_v[j, pl.ds(t * 16, 16)] = one
    scp.wait()
    dcp.wait()
    for j in range(_EROWS):
        for t in range(8):
            sl = pl.ds(t * 16, 16)
            ei_v[j, sl] = de_v[j, sl] * N + se_v[j, sl]
    for cp in zcps:
        cp.wait()
    plsc.subcore_barrier()
    for j in range(_EROWS):
        pltpu.sync_copy(ones_v.at[j], a_sh.at[ei_v.at[j]], add=True)
    ocp.wait()
    for j in range(_NROWS_W):
        for t in range(8):
            sl = pl.ds(t * 16, 16)
            xrow_v[j, sl] = plsc.load_gather(obs_v, [idx_v[j, sl]])
    pltpu.sync_copy(xrow_v, x_hbm.at[pl.ds(base, _NROWS_W)])
    plsc.subcore_barrier()
    pltpu.sync_copy(a_sh.at[pl.ds(s * _ASLICE, _ASLICE)],
                    a_hbm.at[c, pl.ds(s * _ASLICE, _ASLICE)])


@functools.cache
def _sc_gather_adj():
    return pl.kernel(
        _sc_body,
        out_type=(jax.ShapeDtypeStruct((N, D_IN), jnp.float32),
                  jax.ShapeDtypeStruct((_NC, N * N), jnp.float32)),
        mesh=plsc.VectorSubcoreMesh(core_axis_name="c", subcore_axis_name="s"),
        compiler_params=pltpu.CompilerParams(needs_layout_passes=False),
        scratch_types=[
            pltpu.VMEM((_NROWS_W, D_IN), jnp.int32),
            pltpu.VMEM((_NROWS_W, D_IN), jnp.float32),
            pltpu.VMEM((2048,), jnp.float32),
            pltpu.VMEM((_EROWS, 128), jnp.int32),
            pltpu.VMEM((_EROWS, 128), jnp.int32),
            pltpu.VMEM((_EROWS, 128), jnp.int32),
            pltpu.VMEM((_EROWS, 128), jnp.float32),
            pltpu.VMEM((2048,), jnp.float32),
            pltpu.VMEM_SHARED((N * N,), jnp.float32),
            pltpu.SemaphoreType.DMA,
            pltpu.SemaphoreType.DMA,
            pltpu.SemaphoreType.DMA,
        ],
    )


_KB = 4096
_KSTEPS = FLAT // _KB
_ROWS = _KB // H2


def _fused_body(ap_ref, x_ref, w1_ref, b1_ref, w2_ref, b2_ref,
                bp1_ref, wp2_ref, bp2_ref, bv1_ref, wv2_ref, bv2_ref,
                wp1_ref, wv1_ref, pi_ref, vf_ref, h2_s, accp, accv):
    k = pl.program_id(0)

    @pl.when(k == 0)
    def _():
        a = ap_ref[0] + ap_ref[1]
        deg = jnp.sum(a, axis=1, keepdims=True)
        dis = jnp.where(deg > 0, lax.rsqrt(deg), 0.0)
        xw = jnp.dot(x_ref[...], w1_ref[...],
                     preferred_element_type=jnp.float32)
        t1 = jnp.dot(a, dis * xw, preferred_element_type=jnp.float32)
        h1 = jnp.tanh(dis * t1 + b1_ref[...])
        hw = jnp.dot(h1, w2_ref[...], preferred_element_type=jnp.float32)
        t2 = jnp.dot(a, dis * hw, preferred_element_type=jnp.float32)
        h2_s[...] = jnp.tanh(dis * t2 + b2_ref[...])
        accp[...] = bp1_ref[...]
        accv[...] = bv1_ref[...]

    f = h2_s[pl.ds(k * _ROWS, _ROWS), :].reshape(1, _KB)
    accp[...] += jnp.dot(f, wp1_ref[...], preferred_element_type=jnp.float32)
    accv[...] += jnp.dot(f, wv1_ref[...], preferred_element_type=jnp.float32)

    @pl.when(k == _KSTEPS - 1)
    def _():
        p = jnp.tanh(accp[...])
        pi_ref[...] = jnp.tanh(
            jnp.dot(p, wp2_ref[...], preferred_element_type=jnp.float32)
            + bp2_ref[...])
        v = jnp.tanh(accv[...])
        vf_ref[...] = jnp.tanh(
            jnp.dot(v, wv2_ref[...], preferred_element_type=jnp.float32)
            + bv2_ref[...])


_fused = pl.pallas_call(
    _fused_body,
    grid=(_KSTEPS,),
    in_specs=[
        pl.BlockSpec((2, N, N), lambda k: (0, 0, 0)),
        pl.BlockSpec((N, D_IN), lambda k: (0, 0)),
        pl.BlockSpec((D_IN, H2), lambda k: (0, 0)),
        pl.BlockSpec((1, H2), lambda k: (0, 0)),
        pl.BlockSpec((H2, H2), lambda k: (0, 0)),
        pl.BlockSpec((1, H2), lambda k: (0, 0)),
        pl.BlockSpec((1, 256), lambda k: (0, 0)),
        pl.BlockSpec((256, 256), lambda k: (0, 0)),
        pl.BlockSpec((1, 256), lambda k: (0, 0)),
        pl.BlockSpec((1, 256), lambda k: (0, 0)),
        pl.BlockSpec((256, 256), lambda k: (0, 0)),
        pl.BlockSpec((1, 256), lambda k: (0, 0)),
        pl.BlockSpec((_KB, 256), lambda k: (k, 0)),
        pl.BlockSpec((_KB, 256), lambda k: (k, 0)),
    ],
    out_specs=[pl.BlockSpec((1, 256), lambda k: (0, 0)),
               pl.BlockSpec((1, 256), lambda k: (0, 0))],
    out_shape=[jax.ShapeDtypeStruct((1, 256), jnp.float32),
               jax.ShapeDtypeStruct((1, 256), jnp.float32)],
    scratch_shapes=[pltpu.VMEM((N, H2), jnp.float32),
                    pltpu.VMEM((1, 256), jnp.float32),
                    pltpu.VMEM((1, 256), jnp.float32)],
)


def kernel(observations, mapping, edge_index, W1, b1, W2, b2,
           Wp1, bp1, Wp2, bp2, Wv1, bv1, Wv2, bv2):
    src2 = edge_index[0].reshape(E // 128, 128)
    dst2 = edge_index[1].reshape(E // 128, 128)
    x, a_part = _sc_gather_adj()(observations, mapping, src2, dst2)
    pi, vf = _fused(a_part.reshape(_NC, N, N), x, W1, b1.reshape(1, -1),
                    W2, b2.reshape(1, -1), bp1.reshape(1, -1), Wp2,
                    bp2.reshape(1, -1), bv1.reshape(1, -1), Wv2,
                    bv2.reshape(1, -1), Wp1, Wv1)
    return (pi, vf)

# --- scband reference (transcript-rebuilt; emitter-appended) ---
"""Pipeline reference for scband-nerve-net-gnn-86930138071273 (READ-ONLY COPY).

The authoritative reference and input builder live on the scoring server;
editing this copy changes nothing except your own understanding.
"""

import jax, jax.numpy as jnp
import numpy as np

N = 512          # num_nodes
E = 8192         # num edges (avg degree 16, self-loops included)
D_IN = 128       # num_node_features
H1 = 256
H2 = 256
OBS = 2048       # observation dim
PI1, PI2 = 256, 256
VF1, VF2 = 256, 256


def _gcn(x, W, b, src, dst):
    # GCNConv(add_self_loops=False): h = D^-1/2 A D^-1/2 (x W) + b
    h = x @ W
    deg = jnp.zeros((N,), dtype=x.dtype).at[dst].add(1.0)
    dis = jnp.where(deg > 0, 1.0 / jnp.sqrt(deg), 0.0)
    norm = dis[src] * dis[dst]
    msgs = h[src] * norm[:, None]
    out = jnp.zeros((N, W.shape[1]), dtype=x.dtype).at[dst].add(msgs)
    return out + b


def setup_inputs(seed: int = 0) -> dict:
    key = jax.random.key(seed)
    ks = jax.random.split(key, 16)
    observations = jax.random.normal(ks[0], (OBS,), dtype=jnp.float32)
    # obs_input_mapping: which observation entry feeds each node-feature slot (gather)
    mapping = jax.random.randint(ks[1], (N, D_IN), 0, OBS, dtype=jnp.int32)
    # edge_index with self loops appended
    src = jax.random.randint(ks[2], (E - N,), 0, N, dtype=jnp.int32)
    dst = jax.random.randint(ks[3], (E - N,), 0, N, dtype=jnp.int32)
    loops = jnp.arange(N, dtype=jnp.int32)
    edge_index = jnp.stack([jnp.concatenate([src, loops]), jnp.concatenate([dst, loops])], axis=0)
    s1 = 1.0 / np.sqrt(D_IN)
    s2 = 1.0 / np.sqrt(H1)
    W1 = jax.random.uniform(ks[4], (D_IN, H1), jnp.float32, -s1, s1)
    b1 = jnp.zeros((H1,), jnp.float32)
    W2 = jax.random.uniform(ks[5], (H1, H2), jnp.float32, -s2, s2)
    b2 = jnp.zeros((H2,), jnp.float32)
    FLAT = N * H2
    sf = 1.0 / np.sqrt(FLAT)
    sp = 1.0 / np.sqrt(PI1)
    Wp1 = jax.random.uniform(ks[6], (FLAT, PI1), jnp.float32, -sf, sf)
    bp1 = jnp.zeros((PI1,), jnp.float32)
    Wp2 = jax.random.uniform(ks[7], (PI1, PI2), jnp.float32, -sp, sp)
    bp2 = jnp.zeros((PI2,), jnp.float32)
    Wv1 = jax.random.uniform(ks[8], (FLAT, VF1), jnp.float32, -sf, sf)
    bv1 = jnp.zeros((VF1,), jnp.float32)
    Wv2 = jax.random.uniform(ks[9], (VF1, VF2), jnp.float32, -sp, sp)
    bv2 = jnp.zeros((VF2,), jnp.float32)
    return {"observations": observations, "mapping": mapping, "edge_index": edge_index,
            "W1": W1, "b1": b1, "W2": W2, "b2": b2,
            "Wp1": Wp1, "bp1": bp1, "Wp2": Wp2, "bp2": bp2,
            "Wv1": Wv1, "bv1": bv1, "Wv2": Wv2, "bv2": bv2}


def reference(observations, mapping, edge_index, W1, b1, W2, b2,
              Wp1, bp1, Wp2, bp2, Wv1, bv1, Wv2, bv2):
    src, dst = edge_index[0], edge_index[1]
    # observations_to_node_attributes: gather obs entries into node feature matrix
    x = observations[mapping]                     # [N, D_IN]
    h = jnp.tanh(_gcn(x, W1, b1, src, dst))       # GCNConv + Tanh
    h = jnp.tanh(_gcn(h, W2, b2, src, dst))       # GCNConv + Tanh
    flat = h.reshape(1, -1)                       # [1, N*H2]
    latent_pi = jnp.tanh(jnp.tanh(flat @ Wp1 + bp1) @ Wp2 + bp2)
    latent_vf = jnp.tanh(jnp.tanh(flat @ Wv1 + bv1) @ Wv2 + bv2)
    return (latent_pi, latent_vf)

if __name__ == "__main__":
    import jax
    _d = setup_inputs()
    print(jax.jit(kernel)(*tuple(_d.values())))

</pallas_src>

<mosaic_0001>
#map = affine_map<(d0, d1) -> (0)>
#map1 = affine_map<(d0, d1) -> (0, 0)>
module attributes {stable_mosaic.version = 14 : i64} {
  func.func @_sc_body(%arg0: i32, %arg1: i32, %arg2: memref<2048xf32, #tpu.memory_space<hbm>>, %arg3: memref<512x128xi32, #tpu.memory_space<hbm>>, %arg4: memref<64x128xi32, #tpu.memory_space<hbm>>, %arg5: memref<64x128xi32, #tpu.memory_space<hbm>>, %arg6: memref<512x128xf32, #tpu.memory_space<hbm>>, %arg7: memref<2x262144xf32, #tpu.memory_space<hbm>>, %arg8: memref<16x128xi32, #tpu.memory_space<vmem>>, %arg9: memref<16x128xf32, #tpu.memory_space<vmem>>, %arg10: memref<2048xf32, #tpu.memory_space<vmem>>, %arg11: memref<2x128xi32, #tpu.memory_space<vmem>>, %arg12: memref<2x128xi32, #tpu.memory_space<vmem>>, %arg13: memref<2x128xi32, #tpu.memory_space<vmem>>, %arg14: memref<2x128xf32, #tpu.memory_space<vmem>>, %arg15: memref<2048xf32, #tpu.memory_space<vmem>>, %arg16: memref<262144xf32, #tpu.memory_space<vmem_shared>>, %arg17: memref<!tpu.dma_semaphore, #tpu.memory_space<semaphore_mem>>, %arg18: memref<!tpu.dma_semaphore, #tpu.memory_space<semaphore_mem>>, %arg19: memref<!tpu.dma_semaphore, #tpu.memory_space<semaphore_mem>>) attributes {dimension_semantics = [#tpu.dimension_semantics<core_parallel>, #tpu.dimension_semantics<subcore_parallel>], iteration_bounds = array<i64: 2, 16>, scalar_prefetch = 0 : i64, scratch_operands = 12 : i64, tpu.core_type = #tpu.core_type<sc_vector_subcore>, window_params = [{transform_indices = #map}, {transform_indices = #map1}, {transform_indices = #map1}, {transform_indices = #map1}, {transform_indices = #map1}, {transform_indices = #map1}]} {
    %mul3A = arith.constant 2 : i32
    %mul3A_0 = arith.muli %arg1, %mul3A : i32
    %add3A = arith.addi %mul3A_0, %arg0 : i32
    %mul3A_1 = arith.constant 16 : i32
    %mul3A_2 = arith.muli %add3A, %mul3A_1 : i32
    tpu.enqueue_dma source(%arg2 : memref<2048xf32, #tpu.memory_space<hbm>>) target(%arg10 : memref<2048xf32, #tpu.memory_space<vmem>>) target_semaphore(%arg17 : memref<!tpu.dma_semaphore, #tpu.memory_space<semaphore_mem>>)
    "tpu.region"() ({
      %run_scoped3A_1566 = tpu.sem_alloc : memref<!tpu.dma_semaphore, #tpu.memory_space<semaphore_mem>>
      %dma_start3A_1567 = arith.constant 0 : i32
      %dma_start3A_1568 = tpu.memref_slice %arg3[%mul3A_2, %dma_start3A_1567] : memref<512x128xi32, #tpu.memory_space<hbm>> -> memref<16x128xi32, #tpu.memory_space<hbm>>
      %dma_start3A_1569 = arith.constant 0 : i32
      %dma_start3A_1570 = tpu.memref_slice %arg3[%mul3A_2, %dma_start3A_1569] : memref<512x128xi32, #tpu.memory_space<hbm>> -> memref<16x128xi32, #tpu.memory_space<hbm>>
      tpu.enqueue_dma source(%dma_start3A_1570 : memref<16x128xi32, #tpu.memory_space<hbm>>) target(%arg8 : memref<16x128xi32, #tpu.memory_space<vmem>>) target_semaphore(%run_scoped3A_1566 : memref<!tpu.dma_semaphore, #tpu.memory_space<semaphore_mem>>)
      %dma_wait3A_1571 = arith.constant 0 : i32
      %dma_wait3A_1572 = tpu.memref_slice %arg3[%mul3A_2, %dma_wait3A_1571] : memref<512x128xi32, #tpu.memory_space<hbm>> -> memref<16x128xi32, #tpu.memory_space<hbm>>
      %dma_wait3A_1573 = arith.constant 0 : i32
      %dma_wait3A_1574 = tpu.memref_slice %arg3[%mul3A_2, %dma_wait3A_1573] : memref<512x128xi32, #tpu.memory_space<hbm>> -> memref<16x128xi32, #tpu.memory_space<hbm>>
      tpu.wait_dma2 semaphore(%run_scoped3A_1566 : memref<!tpu.dma_semaphore, #tpu.memory_space<semaphore_mem>>) src(%dma_wait3A_1574 : memref<16x128xi32, #tpu.memory_space<hbm>>) dst(%arg8 : memref<16x128xi32, #tpu.memory_space<vmem>>)
      tpu.yield
    }) : () -> ()
    %scan3A = arith.constant 0 : i32
    %scan3A_3 = arith.constant 0 : i32
    %scan3A_4 = arith.constant 16 : i32
    %scan3A_5 = arith.addi %scan3A_3, %scan3A_4 : i32
    %scan3A_6 = arith.constant 1 : i32
    scf.for %scan3A_1566 = %scan3A_3 to %scan3A_5 step %scan3A_6  : i32 {
      %broadcast_in_dim3A_1567 = arith.constant 0.000000e+00 : f32
      %broadcast_in_dim3A_1568 = vector.broadcast %broadcast_in_dim3A_1567 : f32 to vector<16xf32>
      %mul3A_1569 = arith.constant 8 : i32
      %mul3A_1570 = arith.muli %scan3A_1566, %mul3A_1569 : i32
      %add3A_1571 = arith.constant 0 : i32
      %add3A_1572 = arith.addi %mul3A_1570, %add3A_1571 : i32
      %mul3A_1573 = arith.constant 16 : i32
      %mul3A_1574 = arith.muli %add3A_1572, %mul3A_1573 : i32
      %swap3A_1575 = arith.index_cast %mul3A_1574 : i32 to index
      %swap3A_1576 = tpu.vector_load %arg15[%swap3A_1575] {strides = array<i32>} : memref<2048xf32, #tpu.memory_space<vmem>>, vector<16xf32>,
      tpu.vector_store %arg15[%swap3A_1575], %broadcast_in_dim3A_1568 {strides = array<i32>} : memref<2048xf32, #tpu.memory_space<vmem>>, vector<16xf32>,
      %mul3A_1577 = arith.constant 8 : i32
      %mul3A_1578 = arith.muli %scan3A_1566, %mul3A_1577 : i32
      %add3A_1579 = arith.constant 1 : i32
      %add3A_1580 = arith.addi %mul3A_1578, %add3A_1579 : i32
      %mul3A_1581 = arith.constant 16 : i32
      %mul3A_1582 = arith.muli %add3A_1580, %mul3A_1581 : i32
      %swap3A_1583 = arith.index_cast %mul3A_1582 : i32 to index
      %swap3A_1584 = tpu.vector_load %arg15[%swap3A_1583] {strides = array<i32>} : memref<2048xf32, #tpu.memory_space<vmem>>, vector<16xf32>,
      tpu.vector_store %arg15[%swap3A_1583], %broadcast_in_dim3A_1568 {strides = array<i32>} : memref<2048xf32, #tpu.memory_space<vmem>>, vector<16xf32>,
      %mul3A_1585 = arith.constant 8 : i32
      %mul3A_1586 = arith.muli %scan3A_1566, %mul3A_1585 : i32
      %add3A_1587 = arith.constant 2 : i32
      %add3A_1588 = arith.addi %mul3A_1586, %add3A_1587 : i32
      %mul3A_1589 = arith.constant 16 : i32
      %mul3A_1590 = arith.muli %add3A_1588, %mul3A_1589 : i32
      %swap3A_1591 = arith.index_cast %mul3A_1590 : i32 to index
      %swap3A_1592 = tpu.vector_load %arg15[%swap3A_1591] {strides = array<i32>} : memref<2048xf32, #tpu.memory_space<vmem>>, vector<16xf32>,
      tpu.vector_store %arg15[%swap3A_1591], %broadcast_in_dim3A_1568 {strides = array<i32>} : memref<2048xf32, #tpu.memory_space<vmem>>, vector<16xf32>,
      %mul3A_1593 = arith.constant 8 : i32
      %mul3A_1594 = arith.muli %scan3A_1566, %mul3A_1593 : i32
      %add3A_1595 = arith.constant 3 : i32
      %add3A_1596 = arith.addi %mul3A_1594, %add3A_1595 : i32
      %mul3A_1597 = arith.constant 16 : i32
      %mul3A_1598 = arith.muli %add3A_1596, %mul3A_1597 : i32
      %swap3A_1599 = arith.index_cast %mul3A_1598 : i32 to index
      %swap3A_1600 = tpu.vector_load %arg15[%swap3A_1599] {strides = array<i32>} : memref<2048xf32, #tpu.memory_space<vmem>>, vector<16xf32>,
      tpu.vector_store %arg15[%swap3A_1599], %broadcast_in_dim3A_1568 {strides = array<i32>} : memref<2048xf32, #tpu.memory_space<vmem>>, vector<16xf32>,
      %mul3A_1601 = arith.constant 8 : i32
      %mul3A_1602 = arith.muli %scan3A_1566, %mul3A_1601 : i32
      %add3A_1603 = arith.constant 4 : i32
      %add3A_1604 = arith.addi %mul3A_1602, %add3A_1603 : i32
      %mul3A_1605 = arith.constant 16 : i32
      %mul3A_1606 = arith.muli %add3A_1604, %mul3A_1605 : i32
      %swap3A_1607 = arith.index_cast %mul3A_1606 : i32 to index
      %swap3A_1608 = tpu.vector_load %arg15[%swap3A_1607] {strides = array<i32>} : memref<2048xf32, #tpu.memory_space<vmem>>, vector<16xf32>,
      tpu.vector_store %arg15[%swap3A_1607], %broadcast_in_dim3A_1568 {strides = array<i32>} : memref<2048xf32, #tpu.memory_space<vmem>>, vector<16xf32>,
      %mul3A_1609 = arith.constant 8 : i32
      %mul3A_1610 = arith.muli %scan3A_1566, %mul3A_1609 : i32
      %add3A_1611 = arith.constant 5 : i32
      %add3A_1612 = arith.addi %mul3A_1610, %add3A_1611 : i32
      %mul3A_1613 = arith.constant 16 : i32
      %mul3A_1614 = arith.muli %add3A_1612, %mul3A_1613 : i32
      %swap3A_1615 = arith.index_cast %mul3A_1614 : i32 to index
      %swap3A_1616 = tpu.vector_load %arg15[%swap3A_1615] {strides = array<i32>} : memref<2048xf32, #tpu.memory_space<vmem>>, vector<16xf32>,
      tpu.vector_store %arg15[%swap3A_1615], %broadcast_in_dim3A_1568 {strides = array<i32>} : memref<2048xf32, #tpu.memory_space<vmem>>, vector<16xf32>,
      %mul3A_1617 = arith.constant 8 : i32
      %mul3A_1618 = arith.muli %scan3A_1566, %mul3A_1617 : i32
      %add3A_1619 = arith.constant 6 : i32
      %add3A_1620 = arith.addi %mul3A_1618, %add3A_1619 : i32
      %mul3A_1621 = arith.constant 16 : i32
      %mul3A_1622 = arith.muli %add3A_1620, %mul3A_1621 : i32
      %swap3A_1623 = arith.index_cast %mul3A_1622 : i32 to index
      %swap3A_1624 = tpu.vector_load %arg15[%swap3A_1623] {strides = array<i32>} : memref<2048xf32, #tpu.memory_space<vmem>>, vector<16xf32>,
      tpu.vector_store %arg15[%swap3A_1623], %broadcast_in_dim3A_1568 {strides = array<i32>} : memref<2048xf32, #tpu.memory_space<vmem>>, vector<16xf32>,
      %mul3A_1625 = arith.constant 8 : i32
      %mul3A_1626 = arith.muli %scan3A_1566, %mul3A_1625 : i32
      %add3A_1627 = arith.constant 7 : i32
      %add3A_1628 = arith.addi %mul3A_1626, %add3A_1627 : i32
      %mul3A_1629 = arith.constant 16 : i32
      %mul3A_1630 = arith.muli %add3A_1628, %mul3A_1629 : i32
      %swap3A_1631 = arith.index_cast %mul3A_1630 : i32 to index
      %swap3A_1632 = tpu.vector_load %arg15[%swap3A_1631] {strides = array<i32>} : memref<2048xf32, #tpu.memory_space<vmem>>, vector<16xf32>,
      tpu.vector_store %arg15[%swap3A_1631], %broadcast_in_dim3A_1568 {strides = array<i32>} : memref<2048xf32, #tpu.memory_space<vmem>>, vector<16xf32>,
    }
    %scan3A_7 = arith.constant 16 : i32
    %mul3A_8 = arith.constant 16384 : i32
    %mul3A_9 = arith.muli %arg1, %mul3A_8 : i32
    %add3A_10 = arith.constant 0 : i32
    %add3A_11 = arith.addi %mul3A_9, %add3A_10 : i32
    %mul3A_12 = arith.constant 16384 : i32
    %mul3A_13 = arith.muli %arg1, %mul3A_12 : i32
    %add3A_14 = arith.constant 2048 : i32
    %add3A_15 = arith.addi %mul3A_13, %add3A_14 : i32
    %mul3A_16 = arith.constant 16384 : i32
    %mul3A_17 = arith.muli %arg1, %mul3A_16 : i32
    %add3A_18 = arith.constant 4096 : i32
    %add3A_19 = arith.addi %mul3A_17, %add3A_18 : i32
    %mul3A_20 = arith.constant 16384 : i32
    %mul3A_21 = arith.muli %arg1, %mul3A_20 : i32
    %add3A_22 = arith.constant 6144 : i32
    %add3A_23 = arith.addi %mul3A_21, %add3A_22 : i32
    %mul3A_24 = arith.constant 16384 : i32
    %mul3A_25 = arith.muli %arg1, %mul3A_24 : i32
    %add3A_26 = arith.constant 8192 : i32
    %add3A_27 = arith.addi %mul3A_25, %add3A_26 : i32
    %mul3A_28 = arith.constant 16384 : i32
    %mul3A_29 = arith.muli %arg1, %mul3A_28 : i32
    %add3A_30 = arith.constant 10240 : i32
    %add3A_31 = arith.addi %mul3A_29, %add3A_30 : i32
    %mul3A_32 = arith.constant 16384 : i32
    %mul3A_33 = arith.muli %arg1, %mul3A_32 : i32
    %add3A_34 = arith.constant 12288 : i32
    %add3A_35 = arith.addi %mul3A_33, %add3A_34 : i32
    %mul3A_36 = arith.constant 16384 : i32
    %mul3A_37 = arith.muli %arg1, %mul3A_36 : i32
    %add3A_38 = arith.constant 14336 : i32
    %add3A_39 = arith.addi %mul3A_37, %add3A_38 : i32
    %dma_start3A = tpu.memref_slice %arg16[%add3A_11] : memref<262144xf32, #tpu.memory_space<vmem_shared>> -> memref<2048xf32, #tpu.memory_space<vmem_shared>>
    %dma_start3A_40 = tpu.memref_slice %arg16[%add3A_11] : memref<262144xf32, #tpu.memory_space<vmem_shared>> -> memref<2048xf32, #tpu.memory_space<vmem_shared>>
    tpu.enqueue_dma source(%arg15 : memref<2048xf32, #tpu.memory_space<vmem>>) target(%dma_start3A_40 : memref<2048xf32, #tpu.memory_space<vmem_shared>>) target_semaphore(%arg18 : memref<!tpu.dma_semaphore, #tpu.memory_space<semaphore_mem>>)
    %dma_start3A_41 = tpu.memref_slice %arg16[%add3A_15] : memref<262144xf32, #tpu.memory_space<vmem_shared>> -> memref<2048xf32, #tpu.memory_space<vmem_shared>>
    %dma_start3A_42 = tpu.memref_slice %arg16[%add3A_15] : memref<262144xf32, #tpu.memory_space<vmem_shared>> -> memref<2048xf32, #tpu.memory_space<vmem_shared>>
    tpu.enqueue_dma source(%arg15 : memref<2048xf32, #tpu.memory_space<vmem>>) target(%dma_start3A_42 : memref<2048xf32, #tpu.memory_space<vmem_shared>>) target_semaphore(%arg18 : memref<!tpu.dma_semaphore, #tpu.memory_space<semaphore_mem>>)
    %dma_start3A_43 = tpu.memref_slice %arg16[%add3A_19] : memref<262144xf32, #tpu.memory_space<vmem_shared>> -> memref<2048xf32, #tpu.memory_space<vmem_shared>>
    %dma_start3A_44 = tpu.memref_slice %arg16[%add3A_19] : memref<262144xf32, #tpu.memory_space<vmem_shared>> -> memref<2048xf32, #tpu.memory_space<vmem_shared>>
    tpu.enqueue_dma source(%arg15 : memref<2048xf32, #tpu.memory_space<vmem>>) target(%dma_start3A_44 : memref<2048xf32, #tpu.memory_space<vmem_shared>>) target_semaphore(%arg18 : memref<!tpu.dma_semaphore, #tpu.memory_space<semaphore_mem>>)
    %dma_start3A_45 = tpu.memref_slice %arg16[%add3A_23] : memref<262144xf32, #tpu.memory_space<vmem_shared>> -> memref<2048xf32, #tpu.memory_space<vmem_shared>>
    %dma_start3A_46 = tpu.memref_slice %arg16[%add3A_23] : memref<262144xf32, #tpu.memory_space<vmem_shared>> -> memref<2048xf32, #tpu.memory_space<vmem_shared>>
    tpu.enqueue_dma source(%arg15 : memref<2048xf32, #tpu.memory_space<vmem>>) target(%dma_start3A_46 : memref<2048xf32, #tpu.memory_space<vmem_shared>>) target_semaphore(%arg18 : memref<!tpu.dma_semaphore, #tpu.memory_space<semaphore_mem>>)
    %dma_start3A_47 = tpu.memref_slice %arg16[%add3A_27] : memref<262144xf32, #tpu.memory_space<vmem_shared>> -> memref<2048xf32, #tpu.memory_space<vmem_shared>>
    %dma_start3A_48 = tpu.memref_slice %arg16[%add3A_27] : memref<262144xf32, #tpu.memory_space<vmem_shared>> -> memref<2048xf32, #tpu.memory_space<vmem_shared>>
    tpu.enqueue_dma source(%arg15 : memref<2048xf32, #tpu.memory_space<vmem>>) target(%dma_start3A_48 : memref<2048xf32, #tpu.memory_space<vmem_shared>>) target_semaphore(%arg18 : memref<!tpu.dma_semaphore, #tpu.memory_space<semaphore_mem>>)
    %dma_start3A_49 = tpu.memref_slice %arg16[%add3A_31] : memref<262144xf32, #tpu.memory_space<vmem_shared>> -> memref<2048xf32, #tpu.memory_space<vmem_shared>>
    %dma_start3A_50 = tpu.memref_slice %arg16[%add3A_31] : memref<262144xf32, #tpu.memory_space<vmem_shared>> -> memref<2048xf32, #tpu.memory_space<vmem_shared>>
    tpu.enqueue_dma source(%arg15 : memref<2048xf32, #tpu.memory_space<vmem>>) target(%dma_start3A_50 : memref<2048xf32, #tpu.memory_space<vmem_shared>>) target_semaphore(%arg18 : memref<!tpu.dma_semaphore, #tpu.memory_space<semaphore_mem>>)
    %dma_start3A_51 = tpu.memref_slice %arg16[%add3A_35] : memref<262144xf32, #tpu.memory_space<vmem_shared>> -> memref<2048xf32, #tpu.memory_space<vmem_shared>>
    %dma_start3A_52 = tpu.memref_slice %arg16[%add3A_35] : memref<262144xf32, #tpu.memory_space<vmem_shared>> -> memref<2048xf32, #tpu.memory_space<vmem_shared>>
    tpu.enqueue_dma source(%arg15 : memref<2048xf32, #tpu.memory_space<vmem>>) target(%dma_start3A_52 : memref<2048xf32, #tpu.memory_space<vmem_shared>>) target_semaphore(%arg18 : memref<!tpu.dma_semaphore, #tpu.memory_space<semaphore_mem>>)
    %dma_start3A_53 = tpu.memref_slice %arg16[%add3A_39] : memref<262144xf32, #tpu.memory_space<vmem_shared>> -> memref<2048xf32, #tpu.memory_space<vmem_shared>>
    %dma_start3A_54 = tpu.memref_slice %arg16[%add3A_39] : memref<262144xf32, #tpu.memory_space<vmem_shared>> -> memref<2048xf32, #tpu.memory_space<vmem_shared>>
    tpu.enqueue_dma source(%arg15 : memref<2048xf32, #tpu.memory_space<vmem>>) target(%dma_start3A_54 : memref<2048xf32, #tpu.memory_space<vmem_shared>>) target_semaphore(%arg18 : memref<!tpu.dma_semaphore, #tpu.memory_space<semaphore_mem>>)
    %mul3A_55 = arith.constant 2 : i32
    %mul3A_56 = arith.muli %add3A, %mul3A_55 : i32
    %dma_start3A_57 = arith.constant 0 : i32
    %dma_start3A_58 = tpu.memref_slice %arg4[%mul3A_56, %dma_start3A_57] : memref<64x128xi32, #tpu.memory_space<hbm>> -> memref<2x128xi32, #tpu.memory_space<hbm>>
    %dma_start3A_59 = arith.constant 0 : i32
    %dma_start3A_60 = tpu.memref_slice %arg4[%mul3A_56, %dma_start3A_59] : memref<64x128xi32, #tpu.memory_space<hbm>> -> memref<2x128xi32, #tpu.memory_space<hbm>>
    tpu.enqueue_dma source(%dma_start3A_60 : memref<2x128xi32, #tpu.memory_space<hbm>>) target(%arg11 : memref<2x128xi32, #tpu.memory_space<vmem>>) target_semaphore(%arg19 : memref<!tpu.dma_semaphore, #tpu.memory_space<semaphore_mem>>)
    %dma_start3A_61 = arith.constant 0 : i32
    %dma_start3A_62 = tpu.memref_slice %arg5[%mul3A_56, %dma_start3A_61] : memref<64x128xi32, #tpu.memory_space<hbm>> -> memref<2x128xi32, #tpu.memory_space<hbm>>
    %dma_start3A_63 = arith.constant 0 : i32
    %dma_start3A_64 = tpu.memref_slice %arg5[%mul3A_56, %dma_start3A_63] : memref<64x128xi32, #tpu.memory_space<hbm>> -> memref<2x128xi32, #tpu.memory_space<hbm>>
    tpu.enqueue_dma source(%dma_start3A_64 : memref<2x128xi32, #tpu.memory_space<hbm>>) target(%arg12 : memref<2x128xi32, #tpu.memory_space<vmem>>) target_semaphore(%arg19 : memref<!tpu.dma_semaphore, #tpu.memory_space<semaphore_mem>>)
    %broadcast_in_dim3A = arith.constant 1.000000e+00 : f32
    %broadcast_in_dim3A_65 = vector.broadcast %broadcast_in_dim3A : f32 to vector<16xf32>
    %swap3A = arith.constant 0 : i32
    %swap3A_66 = arith.index_cast %swap3A : i32 to index
    %swap3A_67 = arith.constant 0 : index
    %swap3A_68 = tpu.vector_load %arg14[%swap3A_66, %swap3A_67] {strides = array<i32>} : memref<2x128xf32, #tpu.memory_space<vmem>>, vector<16xf32>,
    tpu.vector_store %arg14[%swap3A_66, %swap3A_67], %broadcast_in_dim3A_65 {strides = array<i32>} : memref<2x128xf32, #tpu.memory_space<vmem>>, vector<16xf32>,
    %swap3A_69 = arith.constant 0 : i32
    %swap3A_70 = arith.index_cast %swap3A_69 : i32 to index
    %swap3A_71 = arith.constant 16 : index
    %swap3A_72 = tpu.vector_load %arg14[%swap3A_70, %swap3A_71] {strides = array<i32>} : memref<2x128xf32, #tpu.memory_space<vmem>>, vector<16xf32>,
    tpu.vector_store %arg14[%swap3A_70, %swap3A_71], %broadcast_in_dim3A_65 {strides = array<i32>} : memref<2x128xf32, #tpu.memory_space<vmem>>, vector<16xf32>,
    %swap3A_73 = arith.constant 0 : i32
    %swap3A_74 = arith.index_cast %swap3A_73 : i32 to index
    %swap3A_75 = arith.constant 32 : index
    %swap3A_76 = tpu.vector_load %arg14[%swap3A_74, %swap3A_75] {strides = array<i32>} : memref<2x128xf32, #tpu.memory_space<vmem>>, vector<16xf32>,
    tpu.vector_store %arg14[%swap3A_74, %swap3A_75], %broadcast_in_dim3A_65 {strides = array<i32>} : memref<2x128xf32, #tpu.memory_space<vmem>>, vector<16xf32>,
    %swap3A_77 = arith.constant 0 : i32
    %swap3A_78 = arith.index_cast %swap3A_77 : i32 to index
    %swap3A_79 = arith.constant 48 : index
    %swap3A_80 = tpu.vector_load %arg14[%swap3A_78, %swap3A_79] {strides = array<i32>} : memref<2x128xf32, #tpu.memory_space<vmem>>, vector<16xf32>,
    tpu.vector_store %arg14[%swap3A_78, %swap3A_79], %broadcast_in_dim3A_65 {strides = array<i32>} : memref<2x128xf32, #tpu.memory_space<vmem>>, vector<16xf32>,
    %swap3A_81 = arith.constant 0 : i32
    %swap3A_82 = arith.index_cast %swap3A_81 : i32 to index
    %swap3A_83 = arith.constant 64 : index
    %swap3A_84 = tpu.vector_load %arg14[%swap3A_82, %swap3A_83] {strides = array<i32>} : memref<2x128xf32, #tpu.memory_space<vmem>>, vector<16xf32>,
    tpu.vector_store %arg14[%swap3A_82, %swap3A_83], %broadcast_in_dim3A_65 {strides = array<i32>} : memref<2x128xf32, #tpu.memory_space<vmem>>, vector<16xf32>,
    %swap3A_85 = arith.constant 0 : i32
    %swap3A_86 = arith.index_cast %swap3A_85 : i32 to index
    %swap3A_87 = arith.constant 80 : index
    %swap3A_88 = tpu.vector_load %arg14[%swap3A_86, %swap3A_87] {strides = array<i32>} : memref<2x128xf32, #tpu.memory_space<vmem>>, vector<16xf32>,
    tpu.vector_store %arg14[%swap3A_86, %swap3A_87], %broadcast_in_dim3A_65 {strides = array<i32>} : memref<2x128xf32, #tpu.memory_space<vmem>>, vector<16xf32>,
    %swap3A_89 = arith.constant 0 : i32
    %swap3A_90 = arith.index_cast %swap3A_89 : i32 to index
    %swap3A_91 = arith.constant 96 : index
    %swap3A_92 = tpu.vector_load %arg14[%swap3A_90, %swap3A_91] {strides = array<i32>} : memref<2x128xf32, #tpu.memory_space<vmem>>, vector<16xf32>,
    tpu.vector_store %arg14[%swap3A_90, %swap3A_91], %broadcast_in_dim3A_65 {strides = array<i32>} : memref<2x128xf32, #tpu.memory_space<vmem>>, vector<16xf32>,
    %swap3A_93 = arith.constant 0 : i32
    %swap3A_94 = arith.index_cast %swap3A_93 : i32 to index
    %swap3A_95 = arith.constant 112 : index
    %swap3A_96 = tpu.vector_load %arg14[%swap3A_94, %swap3A_95] {strides = array<i32>} : memref<2x128xf32, #tpu.memory_space<vmem>>, vector<16xf32>,
    tpu.vector_store %arg14[%swap3A_94, %swap3A_95], %broadcast_in_dim3A_65 {strides = array<i32>} : memref<2x128xf32, #tpu.memory_space<vmem>>, vector<16xf32>,
    %swap3A_97 = arith.constant 1 : i32
    %swap3A_98 = arith.index_cast %swap3A_97 : i32 to index
    %swap3A_99 = arith.constant 0 : index
    %swap3A_100 = tpu.vector_load %arg14[%swap3A_98, %swap3A_99] {strides = array<i32>} : memref<2x128xf32, #tpu.memory_space<vmem>>, vector<16xf32>,
    tpu.vector_store %arg14[%swap3A_98, %swap3A_99], %broadcast_in_dim3A_65 {strides = array<i32>} : memref<2x128xf32, #tpu.memory_space<vmem>>, vector<16xf32>,
    %swap3A_101 = arith.constant 1 : i32
    %swap3A_102 = arith.index_cast %swap3A_101 : i32 to index
    %swap3A_103 = arith.constant 16 : index
    %swap3A_104 = tpu.vector_load %arg14[%swap3A_102, %swap3A_103] {strides = array<i32>} : memref<2x128xf32, #tpu.memory_space<vmem>>, vector<16xf32>,
    tpu.vector_store %arg14[%swap3A_102, %swap3A_103], %broadcast_in_dim3A_65 {strides = array<i32>} : memref<2x128xf32, #tpu.memory_space<vmem>>, vector<16xf32>,
    %swap3A_105 = arith.constant 1 : i32
    %swap3A_106 = arith.index_cast %swap3A_105 : i32 to index
    %swap3A_107 = arith.constant 32 : index
    %swap3A_108 = tpu.vector_load %arg14[%swap3A_106, %swap3A_107] {strides = array<i32>} : memref<2x128xf32, #tpu.memory_space<vmem>>, vector<16xf32>,
    tpu.vector_store %arg14[%swap3A_106, %swap3A_107], %broadcast_in_dim3A_65 {strides = array<i32>} : memref<2x128xf32, #tpu.memory_space<vmem>>, vector<16xf32>,
    %swap3A_109 = arith.constant 1 : i32
    %swap3A_110 = arith.index_cast %swap3A_109 : i32 to index
    %swap3A_111 = arith.constant 48 : index
    %swap3A_112 = tpu.vector_load %arg14[%swap3A_110, %swap3A_111] {strides = array<i32>} : memref<2x128xf32, #tpu.memory_space<vmem>>, vector<16xf32>,
    tpu.vector_store %arg14[%swap3A_110, %swap3A_111], %broadcast_in_dim3A_65 {strides = array<i32>} : memref<2x128xf32, #tpu.memory_space<vmem>>, vector<16xf32>,
    %swap3A_113 = arith.constant 1 : i32
    %swap3A_114 = arith.index_cast %swap3A_113 : i32 to index
    %swap3A_115 = arith.constant 64 : index
    %swap3A_116 = tpu.vector_load %arg14[%swap3A_114, %swap3A_115] {strides = array<i32>} : memref<2x128xf32, #tpu.memory_space<vmem>>, vector<16xf32>,
    tpu.vector_store %arg14[%swap3A_114, %swap3A_115], %broadcast_in_dim3A_65 {strides = array<i32>} : memref<2x128xf32, #tpu.memory_space<vmem>>, vector<16xf32>,
    %swap3A_117 = arith.constant 1 : i32
    %swap3A_118 = arith.index_cast %swap3A_117 : i32 to index
    %swap3A_119 = arith.constant 80 : index
    %swap3A_120 = tpu.vector_load %arg14[%swap3A_118, %swap3A_119] {strides = array<i32>} : memref<2x128xf32, #tpu.memory_space<vmem>>, vector<16xf32>,
    tpu.vector_store %arg14[%swap3A_118, %swap3A_119], %broadcast_in_dim3A_65 {strides = array<i32>} : memref<2x128xf32, #tpu.memory_space<vmem>>, vector<16xf32>,
    %swap3A_121 = arith.constant 1 : i32
    %swap3A_122 = arith.index_cast %swap3A_121 : i32 to index
    %swap3A_123 = arith.constant 96 : index
    %swap3A_124 = tpu.vector_load %arg14[%swap3A_122, %swap3A_123] {strides = array<i32>} : memref<2x128xf32, #tpu.memory_space<vmem>>, vector<16xf32>,
    tpu.vector_store %arg14[%swap3A_122, %swap3A_123], %broadcast_in_dim3A_65 {strides = array<i32>} : memref<2x128xf32, #tpu.memory_space<vmem>>, vector<16xf32>,
    %swap3A_125 = arith.constant 1 : i32
    %swap3A_126 = arith.index_cast %swap3A_125 : i32 to index
    %swap3A_127 = arith.constant 112 : index
    %swap3A_128 = tpu.vector_load %arg14[%swap3A_126, %swap3A_127] {strides = array<i32>} : memref<2x128xf32, #tpu.memory_space<vmem>>, vector<16xf32>,
    tpu.vector_store %arg14[%swap3A_126, %swap3A_127], %broadcast_in_dim3A_65 {strides = array<i32>} : memref<2x128xf32, #tpu.memory_space<vmem>>, vector<16xf32>,
    %dma_wait3A = arith.constant 0 : i32
    %dma_wait3A_129 = tpu.memref_slice %arg4[%mul3A_56, %dma_wait3A] : memref<64x128xi32, #tpu.memory_space<hbm>> -> memref<2x128xi32, #tpu.memory_space<hbm>>
    %dma_wait3A_130 = arith.constant 0 : i32
    %dma_wait3A_131 = tpu.memref_slice %arg4[%mul3A_56, %dma_wait3A_130] : memref<64x128xi32, #tpu.memory_space<hbm>> -> memref<2x128xi32, #tpu.memory_space<hbm>>
    tpu.wait_dma2 semaphore(%arg19 : memref<!tpu.dma_semaphore, #tpu.memory_space<semaphore_mem>>) src(%dma_wait3A_131 : memref<2x128xi32, #tpu.memory_space<hbm>>) dst(%arg11 : memref<2x128xi32, #tpu.memory_space<vmem>>)
    %dma_wait3A_132 = arith.constant 0 : i32
    %dma_wait3A_133 = tpu.memref_slice %arg5[%mul3A_56, %dma_wait3A_132] : memref<64x128xi32, #tpu.memory_space<hbm>> -> memref<2x128xi32, #tpu.memory_space<hbm>>
    %dma_wait3A_134 = arith.constant 0 : i32
    %dma_wait3A_135 = tpu.memref_slice %arg5[%mul3A_56, %dma_wait3A_134] : memref<64x128xi32, #tpu.memory_space<hbm>> -> memref<2x128xi32, #tpu.memory_space<hbm>>
    tpu.wait_dma2 semaphore(%arg19 : memref<!tpu.dma_semaphore, #tpu.memory_space<semaphore_mem>>) src(%dma_wait3A_135 : memref<2x128xi32, #tpu.memory_space<hbm>>) dst(%arg12 : memref<2x128xi32, #tpu.memory_space<vmem>>)
    %get3A = arith.constant 0 : i32
    %get3A_136 = arith.index_cast %get3A : i32 to index
    %get3A_137 = arith.constant 0 : index
    %get3A_138 = tpu.vector_load %arg12[%get3A_136, %get3A_137] {strides = array<i32>} : memref<2x128xi32, #tpu.memory_space<vmem>>, vector<16xi32>,
    %mul3A_139 = arith.constant 512 : i32
    %mul3A_140 = vector.broadcast %mul3A_139 : i32 to vector<16xi32>
    %mul3A_141 = arith.muli %get3A_138, %mul3A_140 : vector<16xi32>
    %get3A_142 = arith.constant 0 : i32
    %get3A_143 = arith.index_cast %get3A_142 : i32 to index
    %get3A_144 = arith.constant 0 : index
    %get3A_145 = tpu.vector_load %arg11[%get3A_143, %get3A_144] {strides = array<i32>} : memref<2x128xi32, #tpu.memory_space<vmem>>, vector<16xi32>,
    %add3A_146 = arith.addi %mul3A_141, %get3A_145 : vector<16xi32>
    %swap3A_147 = arith.constant 0 : i32
    %swap3A_148 = arith.index_cast %swap3A_147 : i32 to index
    %swap3A_149 = arith.constant 0 : index
    %swap3A_150 = tpu.vector_load %arg13[%swap3A_148, %swap3A_149] {strides = array<i32>} : memref<2x128xi32, #tpu.memory_space<vmem>>, vector<16xi32>,
    tpu.vector_store %arg13[%swap3A_148, %swap3A_149], %add3A_146 {strides = array<i32>} : memref<2x128xi32, #tpu.memory_space<vmem>>, vector<16xi32>,
    %get3A_151 = arith.constant 0 : i32
    %get3A_152 = arith.index_cast %get3A_151 : i32 to index
    %get3A_153 = arith.constant 16 : index
    %get3A_154 = tpu.vector_load %arg12[%get3A_152, %get3A_153] {strides = array<i32>} : memref<2x128xi32, #tpu.memory_space<vmem>>, vector<16xi32>,
    %mul3A_155 = arith.constant 512 : i32
    %mul3A_156 = vector.broadcast %mul3A_155 : i32 to vector<16xi32>
    %mul3A_157 = arith.muli %get3A_154, %mul3A_156 : vector<16xi32>
    %get3A_158 = arith.constant 0 : i32
    %get3A_159 = arith.index_cast %get3A_158 : i32 to index
    %get3A_160 = arith.constant 16 : index
    %get3A_161 = tpu.vector_load %arg11[%get3A_159, %get3A_160] {strides = array<i32>} : memref<2x128xi32, #tpu.memory_space<vmem>>, vector<16xi32>,
    %add3A_162 = arith.addi %mul3A_157, %get3A_161 : vector<16xi32>
    %swap3A_163 = arith.constant 0 : i32
    %swap3A_164 = arith.index_cast %swap3A_163 : i32 to index
    %swap3A_165 = arith.constant 16 : index
    %swap3A_166 = tpu.vector_load %arg13[%swap3A_164, %swap3A_165] {strides = array<i32>} : memref<2x128xi32, #tpu.memory_space<vmem>>, vector<16xi32>,
    tpu.vector_store %arg13[%swap3A_164, %swap3A_165], %add3A_162 {strides = array<i32>} : memref<2x128xi32, #tpu.memory_space<vmem>>, vector<16xi32>,
    %get3A_167 = arith.constant 0 : i32
    %get3A_168 = arith.index_cast %get3A_167 : i32 to index
    %get3A_169 = arith.constant 32 : index
    %get3A_170 = tpu.vector_load %arg12[%get3A_168, %get3A_169] {strides = array<i32>} : memref<2x128xi32, #tpu.memory_space<vmem>>, vector<16xi32>,
    %mul3A_171 = arith.constant 512 : i32
    %mul3A_172 = vector.broadcast %mul3A_171 : i32 to vector<16xi32>
    %mul3A_173 = arith.muli %get3A_170, %mul3A_172 : vector<16xi32>
    %get3A_174 = arith.constant 0 : i32
    %get3A_175 = arith.index_cast %get3A_174 : i32 to index
    %get3A_176 = arith.constant 32 : index
    %get3A_177 = tpu.vector_load %arg11[%get3A_175, %get3A_176] {strides = array<i32>} : memref<2x128xi32, #tpu.memory_space<vmem>>, vector<16xi32>,
    %add3A_178 = arith.addi %mul3A_173, %get3A_177 : vector<16xi32>
    %swap3A_179 = arith.constant 0 : i32
    %swap3A_180 = arith.index_cast %swap3A_179 : i32 to index
    %swap3A_181 = arith.constant 32 : index
    %swap3A_182 = tpu.vector_load %arg13[%swap3A_180, %swap3A_181] {strides = array<i32>} : memref<2x128xi32, #tpu.memory_space<vmem>>, vector<16xi32>,
    tpu.vector_store %arg13[%swap3A_180, %swap3A_181], %add3A_178 {strides = array<i32>} : memref<2x128xi32, #tpu.memory_space<vmem>>, vector<16xi32>,
    %get3A_183 = arith.constant 0 : i32
    %get3A_184 = arith.index_cast %get3A_183 : i32 to index
    %get3A_185 = arith.constant 48 : index
    %get3A_186 = tpu.vector_load %arg12[%get3A_184, %get3A_185] {strides = array<i32>} : memref<2x128xi32, #tpu.memory_space<vmem>>, vector<16xi32>,
    %mul3A_187 = arith.constant 512 : i32
    %mul3A_188 = vector.broadcast %mul3A_187 : i32 to vector<16xi32>
    %mul3A_189 = arith.muli %get3A_186, %mul3A_188 : vector<16xi32>
    %get3A_190 = arith.constant 0 : i32
    %get3A_191 = arith.index_cast %get3A_190 : i32 to index
    %get3A_192 = arith.constant 48 : index
    %get3A_193 = tpu.vector_load %arg11[%get3A_191, %get3A_192] {strides = array<i32>} : memref<2x128xi32, #tpu.memory_space<vmem>>, vector<16xi32>,
    %add3A_194 = arith.addi %mul3A_189, %get3A_193 : vector<16xi32>
    %swap3A_195 = arith.constant 0 : i32
    %swap3A_196 = arith.index_cast %swap3A_195 : i32 to index
    %swap3A_197 = arith.constant 48 : index
    %swap3A_198 = tpu.vector_load %arg13[%swap3A_196, %swap3A_197] {strides = array<i32>} : memref<2x128xi32, #tpu.memory_space<vmem>>, vector<16xi32>,
    tpu.vector_store %arg13[%swap3A_196, %swap3A_197], %add3A_194 {strides = array<i32>} : memref<2x128xi32, #tpu.memory_space<vmem>>, vector<16xi32>,
    %get3A_199 = arith.constant 0 : i32
    %get3A_200 = arith.index_cast %get3A_199 : i32 to index
    %get3A_201 = arith.constant 64 : index
    %get3A_202 = tpu.vector_load %arg12[%get3A_200, %get3A_201] {strides = array<i32>} : memref<2x128xi32, #tpu.memory_space<vmem>>, vector<16xi32>,
    %mul3A_203 = arith.constant 512 : i32
    %mul3A_204 = vector.broadcast %mul3A_203 : i32 to vector<16xi32>
    %mul3A_205 = arith.muli %get3A_202, %mul3A_204 : vector<16xi32>
    %get3A_206 = arith.constant 0 : i32
    %get3A_207 = arith.index_cast %get3A_206 : i32 to index
    %get3A_208 = arith.constant 64 : index
    %get3A_209 = tpu.vector_load %arg11[%get3A_207, %get3A_208] {strides = array<i32>} : memref<2x128xi32, #tpu.memory_space<vmem>>, vector<16xi32>,
    %add3A_210 = arith.addi %mul3A_205, %get3A_209 : vector<16xi32>
    %swap3A_211 = arith.constant 0 : i32
    %swap3A_212 = arith.index_cast %swap3A_211 : i32 to index
    %swap3A_213 = arith.constant 64 : index
    %swap3A_214 = tpu.vector_load %arg13[%swap3A_212, %swap3A_213] {strides = array<i32>} : memref<2x128xi32, #tpu.memory_space<vmem>>, vector<16xi32>,
    tpu.vector_store %arg13[%swap3A_212, %swap3A_213], %add3A_210 {strides = array<i32>} : memref<2x128xi32, #tpu.memory_space<vmem>>, vector<16xi32>,
    %get3A_215 = arith.constant 0 : i32
    %get3A_216 = arith.index_cast %get3A_215 : i32 to index
    %get3A_217 = arith.constant 80 : index
    %get3A_218 = tpu.vector_load %arg12[%get3A_216, %get3A_217] {strides = array<i32>} : memref<2x128xi32, #tpu.memory_space<vmem>>, vector<16xi32>,
    %mul3A_219 = arith.constant 512 : i32
    %mul3A_220 = vector.broadcast %mul3A_219 : i32 to vector<16xi32>
    %mul3A_221 = arith.muli %get3A_218, %mul3A_220 : vector<16xi32>
    %get3A_222 = arith.constant 0 : i32
    %get3A_223 = arith.index_cast %get3A_222 : i32 to index
    %get3A_224 = arith.constant 80 : index
    %get3A_225 = tpu.vector_load %arg11[%get3A_223, %get3A_224] {strides = array<i32>} : memref<2x128xi32, #tpu.memory_space<vmem>>, vector<16xi32>,
    %add3A_226 = arith.addi %mul3A_221, %get3A_225 : vector<16xi32>
    %swap3A_227 = arith.constant 0 : i32
    %swap3A_228 = arith.index_cast %swap3A_227 : i32 to index
    %swap3A_229 = arith.constant 80 : index
    %swap3A_230 = tpu.vector_load %arg13[%swap3A_228, %swap3A_229] {strides = array<i32>} : memref<2x128xi32, #tpu.memory_space<vmem>>, vector<16xi32>,
    tpu.vector_store %arg13[%swap3A_228, %swap3A_229], %add3A_226 {strides = array<i32>} : memref<2x128xi32, #tpu.memory_space<vmem>>, vector<16xi32>,
    %get3A_231 = arith.constant 0 : i32
    %get3A_232 = arith.index_cast %get3A_231 : i32 to index
    %get3A_233 = arith.constant 96 : index
    %get3A_234 = tpu.vector_load %arg12[%get3A_232, %get3A_233] {strides = array<i32>} : memref<2x128xi32, #tpu.memory_space<vmem>>, vector<16xi32>,
    %mul3A_235 = arith.constant 512 : i32
    %mul3A_236 = vector.broadcast %mul3A_235 : i32 to vector<16xi32>
    %mul3A_237 = arith.muli %get3A_234, %mul3A_236 : vector<16xi32>
    %get3A_238 = arith.constant 0 : i32
    %get3A_239 = arith.index_cast %get3A_238 : i32 to index
    %get3A_240 = arith.constant 96 : index
    %get3A_241 = tpu.vector_load %arg11[%get3A_239, %get3A_240] {strides = array<i32>} : memref<2x128xi32, #tpu.memory_space<vmem>>, vector<16xi32>,
    %add3A_242 = arith.addi %mul3A_237, %get3A_241 : vector<16xi32>
    %swap3A_243 = arith.constant 0 : i32
    %swap3A_244 = arith.index_cast %swap3A_243 : i32 to index
    %swap3A_245 = arith.constant 96 : index
    %swap3A_246 = tpu.vector_load %arg13[%swap3A_244, %swap3A_245] {strides = array<i32>} : memref<2x128xi32, #tpu.memory_space<vmem>>, vector<16xi32>,
    tpu.vector_store %arg13[%swap3A_244, %swap3A_245], %add3A_242 {strides = array<i32>} : memref<2x128xi32, #tpu.memory_space<vmem>>, vector<16xi32>,
    %get3A_247 = arith.constant 0 : i32
    %get3A_248 = arith.index_cast %get3A_247 : i32 to index
    %get3A_249 = arith.constant 112 : index
    %get3A_250 = tpu.vector_load %arg12[%get3A_248, %get3A_249] {strides = array<i32>} : memref<2x128xi32, #tpu.memory_space<vmem>>, vector<16xi32>,
    %mul3A_251 = arith.constant 512 : i32
    %mul3A_252 = vector.broadcast %mul3A_251 : i32 to vector<16xi32>
    %mul3A_253 = arith.muli %get3A_250, %mul3A_252 : vector<16xi32>
    %get3A_254 = arith.constant 0 : i32
    %get3A_255 = arith.index_cast %get3A_254 : i32 to index
    %get3A_256 = arith.constant 112 : index
    %get3A_257 = tpu.vector_load %arg11[%get3A_255, %get3A_256] {strides = array<i32>} : memref<2x128xi32, #tpu.memory_space<vmem>>, vector<16xi32>,
    %add3A_258 = arith.addi %mul3A_253, %get3A_257 : vector<16xi32>
    %swap3A_259 = arith.constant 0 : i32
    %swap3A_260 = arith.index_cast %swap3A_259 : i32 to index
    %swap3A_261 = arith.constant 112 : index
    %swap3A_262 = tpu.vector_load %arg13[%swap3A_260, %swap3A_261] {strides = array<i32>} : memref<2x128xi32, #tpu.memory_space<vmem>>, vector<16xi32>,
    tpu.vector_store %arg13[%swap3A_260, %swap3A_261], %add3A_258 {strides = array<i32>} : memref<2x128xi32, #tpu.memory_space<vmem>>, vector<16xi32>,
    %get3A_263 = arith.constant 1 : i32
    %get3A_264 = arith.index_cast %get3A_263 : i32 to index
    %get3A_265 = arith.constant 0 : index
    %get3A_266 = tpu.vector_load %arg12[%get3A_264, %get3A_265] {strides = array<i32>} : memref<2x128xi32, #tpu.memory_space<vmem>>, vector<16xi32>,
    %mul3A_267 = arith.constant 512 : i32
    %mul3A_268 = vector.broadcast %mul3A_267 : i32 to vector<16xi32>
    %mul3A_269 = arith.muli %get3A_266, %mul3A_268 : vector<16xi32>
    %get3A_270 = arith.constant 1 : i32
    %get3A_271 = arith.index_cast %get3A_270 : i32 to index
    %get3A_272 = arith.constant 0 : index
    %get3A_273 = tpu.vector_load %arg11[%get3A_271, %get3A_272] {strides = array<i32>} : memref<2x128xi32, #tpu.memory_space<vmem>>, vector<16xi32>,
    %add3A_274 = arith.addi %mul3A_269, %get3A_273 : vector<16xi32>
    %swap3A_275 = arith.constant 1 : i32
    %swap3A_276 = arith.index_cast %swap3A_275 : i32 to index
    %swap3A_277 = arith.constant 0 : index
    %swap3A_278 = tpu.vector_load %arg13[%swap3A_276, %swap3A_277] {strides = array<i32>} : memref<2x128xi32, #tpu.memory_space<vmem>>, vector<16xi32>,
    tpu.vector_store %arg13[%swap3A_276, %swap3A_277], %add3A_274 {strides = array<i32>} : memref<2x128xi32, #tpu.memory_space<vmem>>, vector<16xi32>,
    %get3A_279 = arith.constant 1 : i32
    %get3A_280 = arith.index_cast %get3A_279 : i32 to index
    %get3A_281 = arith.constant 16 : index
    %get3A_282 = tpu.vector_load %arg12[%get3A_280, %get3A_281] {strides = array<i32>} : memref<2x128xi32, #tpu.memory_space<vmem>>, vector<16xi32>,
    %mul3A_283 = arith.constant 512 : i32
    %mul3A_284 = vector.broadcast %mul3A_283 : i32 to vector<16xi32>
    %mul3A_285 = arith.muli %get3A_282, %mul3A_284 : vector<16xi32>
    %get3A_286 = arith.constant 1 : i32
    %get3A_287 = arith.index_cast %get3A_286 : i32 to index
    %get3A_288 = arith.constant 16 : index
    %get3A_289 = tpu.vector_load %arg11[%get3A_287, %get3A_288] {strides = array<i32>} : memref<2x128xi32, #tpu.memory_space<vmem>>, vector<16xi32>,
    %add3A_290 = arith.addi %mul3A_285, %get3A_289 : vector<16xi32>
    %swap3A_291 = arith.constant 1 : i32
    %swap3A_292 = arith.index_cast %swap3A_291 : i32 to index
    %swap3A_293 = arith.constant 16 : index
    %swap3A_294 = tpu.vector_load %arg13[%swap3A_292, %swap3A_293] {strides = array<i32>} : memref<2x128xi32, #tpu.memory_space<vmem>>, vector<16xi32>,
    tpu.vector_store %arg13[%swap3A_292, %swap3A_293], %add3A_290 {strides = array<i32>} : memref<2x128xi32, #tpu.memory_space<vmem>>, vector<16xi32>,
    %get3A_295 = arith.constant 1 : i32
    %get3A_296 = arith.index_cast %get3A_295 : i32 to index
    %get3A_297 = arith.constant 32 : index
    %get3A_298 = tpu.vector_load %arg12[%get3A_296, %get3A_297] {strides = array<i32>} : memref<2x128xi32, #tpu.memory_space<vmem>>, vector<16xi32>,
    %mul3A_299 = arith.constant 512 : i32
    %mul3A_300 = vector.broadcast %mul3A_299 : i32 to vector<16xi32>
    %mul3A_301 = arith.muli %get3A_298, %mul3A_300 : vector<16xi32>
    %get3A_302 = arith.constant 1 : i32
    %get3A_303 = arith.index_cast %get3A_302 : i32 to index
    %get3A_304 = arith.constant 32 : index
    %get3A_305 = tpu.vector_load %arg11[%get3A_303, %get3A_304] {strides = array<i32>} : memref<2x128xi32, #tpu.memory_space<vmem>>, vector<16xi32>,
    %add3A_306 = arith.addi %mul3A_301, %get3A_305 : vector<16xi32>
    %swap3A_307 = arith.constant 1 : i32
    %swap3A_308 = arith.index_cast %swap3A_307 : i32 to index
    %swap3A_309 = arith.constant 32 : index
    %swap3A_310 = tpu.vector_load %arg13[%swap3A_308, %swap3A_309] {strides = array<i32>} : memref<2x128xi32, #tpu.memory_space<vmem>>, vector<16xi32>,
    tpu.vector_store %arg13[%swap3A_308, %swap3A_309], %add3A_306 {strides = array<i32>} : memref<2x128xi32, #tpu.memory_space<vmem>>, vector<16xi32>,
    %get3A_311 = arith.constant 1 : i32
    %get3A_312 = arith.index_cast %get3A_311 : i32 to index
    %get3A_313 = arith.constant 48 : index
    %get3A_314 = tpu.vector_load %arg12[%get3A_312, %get3A_313] {strides = array<i32>} : memref<2x128xi32, #tpu.memory_space<vmem>>, vector<16xi32>,
    %mul3A_315 = arith.constant 512 : i32
    %mul3A_316 = vector.broadcast %mul3A_315 : i32 to vector<16xi32>
    %mul3A_317 = arith.muli %get3A_314, %mul3A_316 : vector<16xi32>
    %get3A_318 = arith.constant 1 : i32
    %get3A_319 = arith.index_cast %get3A_318 : i32 to index
    %get3A_320 = arith.constant 48 : index
    %get3A_321 = tpu.vector_load %arg11[%get3A_319, %get3A_320] {strides = array<i32>} : memref<2x128xi32, #tpu.memory_space<vmem>>, vector<16xi32>,
    %add3A_322 = arith.addi %mul3A_317, %get3A_321 : vector<16xi32>
    %swap3A_323 = arith.constant 1 : i32
    %swap3A_324 = arith.index_cast %swap3A_323 : i32 to index
    %swap3A_325 = arith.constant 48 : index
    %swap3A_326 = tpu.vector_load %arg13[%swap3A_324, %swap3A_325] {strides = array<i32>} : memref<2x128xi32, #tpu.memory_space<vmem>>, vector<16xi32>,
    tpu.vector_store %arg13[%swap3A_324, %swap3A_325], %add3A_322 {strides = array<i32>} : memref<2x128xi32, #tpu.memory_space<vmem>>, vector<16xi32>,
    %get3A_327 = arith.constant 1 : i32
    %get3A_328 = arith.index_cast %get3A_327 : i32 to index
    %get3A_329 = arith.constant 64 : index
    %get3A_330 = tpu.vector_load %arg12[%get3A_328, %get3A_329] {strides = array<i32>} : memref<2x128xi32, #tpu.memory_space<vmem>>, vector<16xi32>,
    %mul3A_331 = arith.constant 512 : i32
    %mul3A_332 = vector.broadcast %mul3A_331 : i32 to vector<16xi32>
    %mul3A_333 = arith.muli %get3A_330, %mul3A_332 : vector<16xi32>
    %get3A_334 = arith.constant 1 : i32
    %get3A_335 = arith.index_cast %get3A_334 : i32 to index
    %get3A_336 = arith.constant 64 : index
    %get3A_337 = tpu.vector_load %arg11[%get3A_335, %get3A_336] {strides = array<i32>} : memref<2x128xi32, #tpu.memory_space<vmem>>, vector<16xi32>,
    %add3A_338 = arith.addi %mul3A_333, %get3A_337 : vector<16xi32>
    %swap3A_339 = arith.constant 1 : i32
    %swap3A_340 = arith.index_cast %swap3A_339 : i32 to index
    %swap3A_341 = arith.constant 64 : index
    %swap3A_342 = tpu.vector_load %arg13[%swap3A_340, %swap3A_341] {strides = array<i32>} : memref<2x128xi32, #tpu.memory_space<vmem>>, vector<16xi32>,
    tpu.vector_store %arg13[%swap3A_340, %swap3A_341], %add3A_338 {strides = array<i32>} : memref<2x128xi32, #tpu.memory_space<vmem>>, vector<16xi32>,
    %get3A_343 = arith.constant 1 : i32
    %get3A_344 = arith.index_cast %get3A_343 : i32 to index
    %get3A_345 = arith.constant 80 : index
    %get3A_346 = tpu.vector_load %arg12[%get3A_344, %get3A_345] {strides = array<i32>} : memref<2x128xi32, #tpu.memory_space<vmem>>, vector<16xi32>,
    %mul3A_347 = arith.constant 512 : i32
    %mul3A_348 = vector.broadcast %mul3A_347 : i32 to vector<16xi32>
    %mul3A_349 = arith.muli %get3A_346, %mul3A_348 : vector<16xi32>
    %get3A_350 = arith.constant 1 : i32
    %get3A_351 = arith.index_cast %get3A_350 : i32 to index
    %get3A_352 = arith.constant 80 : index
    %get3A_353 = tpu.vector_load %arg11[%get3A_351, %get3A_352] {strides = array<i32>} : memref<2x128xi32, #tpu.memory_space<vmem>>, vector<16xi32>,
    %add3A_354 = arith.addi %mul3A_349, %get3A_353 : vector<16xi32>
    %swap3A_355 = arith.constant 1 : i32
    %swap3A_356 = arith.index_cast %swap3A_355 : i32 to index
    %swap3A_357 = arith.constant 80 : index
    %swap3A_358 = tpu.vector_load %arg13[%swap3A_356, %swap3A_357] {strides = array<i32>} : memref<2x128xi32, #tpu.memory_space<vmem>>, vector<16xi32>,
    tpu.vector_store %arg13[%swap3A_356, %swap3A_357], %add3A_354 {strides = array<i32>} : memref<2x128xi32, #tpu.memory_space<vmem>>, vector<16xi32>,
    %get3A_359 = arith.constant 1 : i32
    %get3A_360 = arith.index_cast %get3A_359 : i32 to index
    %get3A_361 = arith.constant 96 : index
    %get3A_362 = tpu.vector_load %arg12[%get3A_360, %get3A_361] {strides = array<i32>} : memref<2x128xi32, #tpu.memory_space<vmem>>, vector<16xi32>,
    %mul3A_363 = arith.constant 512 : i32
    %mul3A_364 = vector.broadcast %mul3A_363 : i32 to vector<16xi32>
    %mul3A_365 = arith.muli %get3A_362, %mul3A_364 : vector<16xi32>
    %get3A_366 = arith.constant 1 : i32
    %get3A_367 = arith.index_cast %get3A_366 : i32 to index
    %get3A_368 = arith.constant 96 : index
    %get3A_369 = tpu.vector_load %arg11[%get3A_367, %get3A_368] {strides = array<i32>} : memref<2x128xi32, #tpu.memory_space<vmem>>, vector<16xi32>,
    %add3A_370 = arith.addi %mul3A_365, %get3A_369 : vector<16xi32>
    %swap3A_371 = arith.constant 1 : i32
    %swap3A_372 = arith.index_cast %swap3A_371 : i32 to index
    %swap3A_373 = arith.constant 96 : index
    %swap3A_374 = tpu.vector_load %arg13[%swap3A_372, %swap3A_373] {strides = array<i32>} : memref<2x128xi32, #tpu.memory_space<vmem>>, vector<16xi32>,
    tpu.vector_store %arg13[%swap3A_372, %swap3A_373], %add3A_370 {strides = array<i32>} : memref<2x128xi32, #tpu.memory_space<vmem>>, vector<16xi32>,
    %get3A_375 = arith.constant 1 : i32
    %get3A_376 = arith.index_cast %get3A_375 : i32 to index
    %get3A_377 = arith.constant 112 : index
    %get3A_378 = tpu.vector_load %arg12[%get3A_376, %get3A_377] {strides = array<i32>} : memref<2x128xi32, #tpu.memory_space<vmem>>, vector<16xi32>,
    %mul3A_379 = arith.constant 512 : i32
    %mul3A_380 = vector.broadcast %mul3A_379 : i32 to vector<16xi32>
    %mul3A_381 = arith.muli %get3A_378, %mul3A_380 : vector<16xi32>
    %get3A_382 = arith.constant 1 : i32
    %get3A_383 = arith.index_cast %get3A_382 : i32 to index
    %get3A_384 = arith.constant 112 : index
    %get3A_385 = tpu.vector_load %arg11[%get3A_383, %get3A_384] {strides = array<i32>} : memref<2x128xi32, #tpu.memory_space<vmem>>, vector<16xi32>,
    %add3A_386 = arith.addi %mul3A_381, %get3A_385 : vector<16xi32>
    %swap3A_387 = arith.constant 1 : i32
    %swap3A_388 = arith.index_cast %swap3A_387 : i32 to index
    %swap3A_389 = arith.constant 112 : index
    %swap3A_390 = tpu.vector_load %arg13[%swap3A_388, %swap3A_389] {strides = array<i32>} : memref<2x128xi32, #tpu.memory_space<vmem>>, vector<16xi32>,
    tpu.vector_store %arg13[%swap3A_388, %swap3A_389], %add3A_386 {strides = array<i32>} : memref<2x128xi32, #tpu.memory_space<vmem>>, vector<16xi32>,
    %dma_wait3A_391 = tpu.memref_slice %arg16[%add3A_11] : memref<262144xf32, #tpu.memory_space<vmem_shared>> -> memref<2048xf32, #tpu.memory_space<vmem_shared>>
    %dma_wait3A_392 = tpu.memref_slice %arg16[%add3A_11] : memref<262144xf32, #tpu.memory_space<vmem_shared>> -> memref<2048xf32, #tpu.memory_space<vmem_shared>>
    tpu.wait_dma2 semaphore(%arg18 : memref<!tpu.dma_semaphore, #tpu.memory_space<semaphore_mem>>) src(%arg15 : memref<2048xf32, #tpu.memory_space<vmem>>) dst(%dma_wait3A_392 : memref<2048xf32, #tpu.memory_space<vmem_shared>>)
    %dma_wait3A_393 = tpu.memref_slice %arg16[%add3A_15] : memref<262144xf32, #tpu.memory_space<vmem_shared>> -> memref<2048xf32, #tpu.memory_space<vmem_shared>>
    %dma_wait3A_394 = tpu.memref_slice %arg16[%add3A_15] : memref<262144xf32, #tpu.memory_space<vmem_shared>> -> memref<2048xf32, #tpu.memory_space<vmem_shared>>
    tpu.wait_dma2 semaphore(%arg18 : memref<!tpu.dma_semaphore, #tpu.memory_space<semaphore_mem>>) src(%arg15 : memref<2048xf32, #tpu.memory_space<vmem>>) dst(%dma_wait3A_394 : memref<2048xf32, #tpu.memory_space<vmem_shared>>)
    %dma_wait3A_395 = tpu.memref_slice %arg16[%add3A_19] : memref<262144xf32, #tpu.memory_space<vmem_shared>> -> memref<2048xf32, #tpu.memory_space<vmem_shared>>
    %dma_wait3A_396 = tpu.memref_slice %arg16[%add3A_19] : memref<262144xf32, #tpu.memory_space<vmem_shared>> -> memref<2048xf32, #tpu.memory_space<vmem_shared>>
    tpu.wait_dma2 semaphore(%arg18 : memref<!tpu.dma_semaphore, #tpu.memory_space<semaphore_mem>>) src(%arg15 : memref<2048xf32, #tpu.memory_space<vmem>>) dst(%dma_wait3A_396 : memref<2048xf32, #tpu.memory_space<vmem_shared>>)
    %dma_wait3A_397 = tpu.memref_slice %arg16[%add3A_23] : memref<262144xf32, #tpu.memory_space<vmem_shared>> -> memref<2048xf32, #tpu.memory_space<vmem_shared>>
    %dma_wait3A_398 = tpu.memref_slice %arg16[%add3A_23] : memref<262144xf32, #tpu.memory_space<vmem_shared>> -> memref<2048xf32, #tpu.memory_space<vmem_shared>>
    tpu.wait_dma2 semaphore(%arg18 : memref<!tpu.dma_semaphore, #tpu.memory_space<semaphore_mem>>) src(%arg15 : memref<2048xf32, #tpu.memory_space<vmem>>) dst(%dma_wait3A_398 : memref<2048xf32, #tpu.memory_space<vmem_shared>>)
    %dma_wait3A_399 = tpu.memref_slice %arg16[%add3A_27] : memref<262144xf32, #tpu.memory_space<vmem_shared>> -> memref<2048xf32, #tpu.memory_space<vmem_shared>>
    %dma_wait3A_400 = tpu.memref_slice %arg16[%add3A_27] : memref<262144xf32, #tpu.memory_space<vmem_shared>> -> memref<2048xf32, #tpu.memory_space<vmem_shared>>
    tpu.wait_dma2 semaphore(%arg18 : memref<!tpu.dma_semaphore, #tpu.memory_space<semaphore_mem>>) src(%arg15 : memref<2048xf32, #tpu.memory_space<vmem>>) dst(%dma_wait3A_400 : memref<2048xf32, #tpu.memory_space<vmem_shared>>)
    %dma_wait3A_401 = tpu.memref_slice %arg16[%add3A_31] : memref<262144xf32, #tpu.memory_space<vmem_shared>> -> memref<2048xf32, #tpu.memory_space<vmem_shared>>
    %dma_wait3A_402 = tpu.memref_slice %arg16[%add3A_31] : memref<262144xf32, #tpu.memory_space<vmem_shared>> -> memref<2048xf32, #tpu.memory_space<vmem_shared>>
    tpu.wait_dma2 semaphore(%arg18 : memref<!tpu.dma_semaphore, #tpu.memory_space<semaphore_mem>>) src(%arg15 : memref<2048xf32, #tpu.memory_space<vmem>>) dst(%dma_wait3A_402 : memref<2048xf32, #tpu.memory_space<vmem_shared>>)
    %dma_wait3A_403 = tpu.memref_slice %arg16[%add3A_35] : memref<262144xf32, #tpu.memory_space<vmem_shared>> -> memref<2048xf32, #tpu.memory_space<vmem_shared>>
    %dma_wait3A_404 = tpu.memref_slice %arg16[%add3A_35] : memref<262144xf32, #tpu.memory_space<vmem_shared>> -> memref<2048xf32, #tpu.memory_space<vmem_shared>>
    tpu.wait_dma2 semaphore(%arg18 : memref<!tpu.dma_semaphore, #tpu.memory_space<semaphore_mem>>) src(%arg15 : memref<2048xf32, #tpu.memory_space<vmem>>) dst(%dma_wait3A_404 : memref<2048xf32, #tpu.memory_space<vmem_shared>>)
    %dma_wait3A_405 = tpu.memref_slice %arg16[%add3A_39] : memref<262144xf32, #tpu.memory_space<vmem_shared>> -> memref<2048xf32, #tpu.memory_space<vmem_shared>>
    %dma_wait3A_406 = tpu.memref_slice %arg16[%add3A_39] : memref<262144xf32, #tpu.memory_space<vmem_shared>> -> memref<2048xf32, #tpu.memory_space<vmem_shared>>
    tpu.wait_dma2 semaphore(%arg18 : memref<!tpu.dma_semaphore, #tpu.memory_space<semaphore_mem>>) src(%arg15 : memref<2048xf32, #tpu.memory_space<vmem>>) dst(%dma_wait3A_406 : memref<2048xf32, #tpu.memory_space<vmem_shared>>)
    %barrier3A = arith.constant 0 : index
    tpu.barrier barrier_id(%barrier3A)
    %run_scoped3A = arith.constant 0 : i32
    %run_scoped3A_407 = arith.constant 0 : i32
    "tpu.region"() ({
      %run_scoped3A_1566 = tpu.sem_alloc : memref<!tpu.dma_semaphore, #tpu.memory_space<semaphore_mem>>
      %dma_start3A_1567 = arith.constant 0 : i32
      %dma_start3A_1568 = tpu.memref_slice %arg14[%run_scoped3A, %dma_start3A_1567] : memref<2x128xf32, #tpu.memory_space<vmem>> -> memref<1x128xf32, #tpu.memory_space<vmem>>
      %dma_start3A_1569 = tpu.memref_squeeze %dma_start3A_1568 : memref<1x128xf32, #tpu.memory_space<vmem>> -> memref<128xf32, #tpu.memory_space<vmem>>
      %dma_start3A_1570 = arith.constant 0 : i32
      %dma_start3A_1571 = tpu.memref_slice %arg13[%run_scoped3A_407, %dma_start3A_1570] : memref<2x128xi32, #tpu.memory_space<vmem>> -> memref<1x128xi32, #tpu.memory_space<vmem>>
      %dma_start3A_1572 = tpu.memref_squeeze %dma_start3A_1571 : memref<1x128xi32, #tpu.memory_space<vmem>> -> memref<128xi32, #tpu.memory_space<vmem>>
      %dma_start3A_1573 = arith.constant 0 : i32
      %dma_start3A_1574 = tpu.memref_slice %arg16[%dma_start3A_1573] : memref<262144xf32, #tpu.memory_space<vmem_shared>> -> memref<262144xf32, #tpu.memory_space<vmem_shared>>
      tpu.enqueue_indirect_dma source(%dma_start3A_1569 : memref<128xf32, #tpu.memory_space<vmem>>) target(%dma_start3A_1574 : memref<262144xf32, #tpu.memory_space<vmem_shared>>) offsets(%dma_start3A_1572 : memref<128xi32, #tpu.memory_space<vmem>>) semaphore(%run_scoped3A_1566 : memref<!tpu.dma_semaphore, #tpu.memory_space<semaphore_mem>>) {add = true}
      %dma_wait3A_1575 = arith.constant 0 : i32
      %dma_wait3A_1576 = tpu.memref_slice %arg14[%run_scoped3A, %dma_wait3A_1575] : memref<2x128xf32, #tpu.memory_space<vmem>> -> memref<1x128xf32, #tpu.memory_space<vmem>>
      %dma_wait3A_1577 = tpu.memref_squeeze %dma_wait3A_1576 : memref<1x128xf32, #tpu.memory_space<vmem>> -> memref<128xf32, #tpu.memory_space<vmem>>
      %dma_wait3A_1578 = arith.constant 0 : i32
      %dma_wait3A_1579 = tpu.memref_slice %arg13[%run_scoped3A_407, %dma_wait3A_1578] : memref<2x128xi32, #tpu.memory_space<vmem>> -> memref<1x128xi32, #tpu.memory_space<vmem>>
      %dma_wait3A_1580 = tpu.memref_squeeze %dma_wait3A_1579 : memref<1x128xi32, #tpu.memory_space<vmem>> -> memref<128xi32, #tpu.memory_space<vmem>>
      %dma_wait3A_1581 = arith.constant 0 : i32
      %dma_wait3A_1582 = tpu.memref_slice %arg16[%dma_wait3A_1581] : memref<262144xf32, #tpu.memory_space<vmem_shared>> -> memref<262144xf32, #tpu.memory_space<vmem_shared>>
      tpu.wait_indirect_dma semaphore(%run_scoped3A_1566 : memref<!tpu.dma_semaphore, #tpu.memory_space<semaphore_mem>>) src(%dma_wait3A_1577 : memref<128xf32, #tpu.memory_space<vmem>>) dst(%dma_wait3A_1582 : memref<262144xf32, #tpu.memory_space<vmem_shared>>)
      tpu.yield
    }) : () -> ()
    %run_scoped3A_408 = arith.constant 1 : i32
    %run_scoped3A_409 = arith.constant 1 : i32
    "tpu.region"() ({
      %run_scoped3A_1566 = tpu.sem_alloc : memref<!tpu.dma_semaphore, #tpu.memory_space<semaphore_mem>>
      %dma_start3A_1567 = arith.constant 0 : i32
      %dma_start3A_1568 = tpu.memref_slice %arg14[%run_scoped3A_408, %dma_start3A_1567] : memref<2x128xf32, #tpu.memory_space<vmem>> -> memref<1x128xf32, #tpu.memory_space<vmem>>
      %dma_start3A_1569 = tpu.memref_squeeze %dma_start3A_1568 : memref<1x128xf32, #tpu.memory_space<vmem>> -> memref<128xf32, #tpu.memory_space<vmem>>
      %dma_start3A_1570 = arith.constant 0 : i32
      %dma_start3A_1571 = tpu.memref_slice %arg13[%run_scoped3A_409, %dma_start3A_1570] : memref<2x128xi32, #tpu.memory_space<vmem>> -> memref<1x128xi32, #tpu.memory_space<vmem>>
      %dma_start3A_1572 = tpu.memref_squeeze %dma_start3A_1571 : memref<1x128xi32, #tpu.memory_space<vmem>> -> memref<128xi32, #tpu.memory_space<vmem>>
      %dma_start3A_1573 = arith.constant 0 : i32
      %dma_start3A_1574 = tpu.memref_slice %arg16[%dma_start3A_1573] : memref<262144xf32, #tpu.memory_space<vmem_shared>> -> memref<262144xf32, #tpu.memory_space<vmem_shared>>
      tpu.enqueue_indirect_dma source(%dma_start3A_1569 : memref<128xf32, #tpu.memory_space<vmem>>) target(%dma_start3A_1574 : memref<262144xf32, #tpu.memory_space<vmem_shared>>) offsets(%dma_start3A_1572 : memref<128xi32, #tpu.memory_space<vmem>>) semaphore(%run_scoped3A_1566 : memref<!tpu.dma_semaphore, #tpu.memory_space<semaphore_mem>>) {add = true}
      %dma_wait3A_1575 = arith.constant 0 : i32
      %dma_wait3A_1576 = tpu.memref_slice %arg14[%run_scoped3A_408, %dma_wait3A_1575] : memref<2x128xf32, #tpu.memory_space<vmem>> -> memref<1x128xf32, #tpu.memory_space<vmem>>
      %dma_wait3A_1577 = tpu.memref_squeeze %dma_wait3A_1576 : memref<1x128xf32, #tpu.memory_space<vmem>> -> memref<128xf32, #tpu.memory_space<vmem>>
      %dma_wait3A_1578 = arith.constant 0 : i32
      %dma_wait3A_1579 = tpu.memref_slice %arg13[%run_scoped3A_409, %dma_wait3A_1578] : memref<2x128xi32, #tpu.memory_space<vmem>> -> memref<1x128xi32, #tpu.memory_space<vmem>>
      %dma_wait3A_1580 = tpu.memref_squeeze %dma_wait3A_1579 : memref<1x128xi32, #tpu.memory_space<vmem>> -> memref<128xi32, #tpu.memory_space<vmem>>
      %dma_wait3A_1581 = arith.constant 0 : i32
      %dma_wait3A_1582 = tpu.memref_slice %arg16[%dma_wait3A_1581] : memref<262144xf32, #tpu.memory_space<vmem_shared>> -> memref<262144xf32, #tpu.memory_space<vmem_shared>>
      tpu.wait_indirect_dma semaphore(%run_scoped3A_1566 : memref<!tpu.dma_semaphore, #tpu.memory_space<semaphore_mem>>) src(%dma_wait3A_1577 : memref<128xf32, #tpu.memory_space<vmem>>) dst(%dma_wait3A_1582 : memref<262144xf32, #tpu.memory_space<vmem_shared>>)
      tpu.yield
    }) : () -> ()
    tpu.wait_dma2 semaphore(%arg17 : memref<!tpu.dma_semaphore, #tpu.memory_space<semaphore_mem>>) src(%arg2 : memref<2048xf32, #tpu.memory_space<hbm>>) dst(%arg10 : memref<2048xf32, #tpu.memory_space<vmem>>)
    %get3A_410 = arith.constant 0 : i32
    %get3A_411 = arith.index_cast %get3A_410 : i32 to index
    %get3A_412 = arith.constant 0 : index
    %get3A_413 = tpu.vector_load %arg8[%get3A_411, %get3A_412] {strides = array<i32>} : memref<16x128xi32, #tpu.memory_space<vmem>>, vector<16xi32>,
    %gather3A = tpu.vector_load_idx %arg10[%get3A_413] : memref<2048xf32, #tpu.memory_space<vmem>>[vector<16xi32>], vector<16xf32>,
    %swap3A_414 = arith.constant 0 : i32
    %swap3A_415 = arith.index_cast %swap3A_414 : i32 to index
    %swap3A_416 = arith.constant 0 : index
    %swap3A_417 = tpu.vector_load %arg9[%swap3A_415, %swap3A_416] {strides = array<i32>} : memref<16x128xf32, #tpu.memory_space<vmem>>, vector<16xf32>,
    tpu.vector_store %arg9[%swap3A_415, %swap3A_416], %gather3A {strides = array<i32>} : memref<16x128xf32, #tpu.memory_space<vmem>>, vector<16xf32>,
    %get3A_418 = arith.constant 0 : i32
    %get3A_419 = arith.index_cast %get3A_418 : i32 to index
    %get3A_420 = arith.constant 16 : index
    %get3A_421 = tpu.vector_load %arg8[%get3A_419, %get3A_420] {strides = array<i32>} : memref<16x128xi32, #tpu.memory_space<vmem>>, vector<16xi32>,
    %gather3A_422 = tpu.vector_load_idx %arg10[%get3A_421] : memref<2048xf32, #tpu.memory_space<vmem>>[vector<16xi32>], vector<16xf32>,
    %swap3A_423 = arith.constant 0 : i32
    %swap3A_424 = arith.index_cast %swap3A_423 : i32 to index
    %swap3A_425 = arith.constant 16 : index
    %swap3A_426 = tpu.vector_load %arg9[%swap3A_424, %swap3A_425] {strides = array<i32>} : memref<16x128xf32, #tpu.memory_space<vmem>>, vector<16xf32>,
    tpu.vector_store %arg9[%swap3A_424, %swap3A_425], %gather3A_422 {strides = array<i32>} : memref<16x128xf32, #tpu.memory_space<vmem>>, vector<16xf32>,
    %get3A_427 = arith.constant 0 : i32
    %get3A_428 = arith.index_cast %get3A_427 : i32 to index
    %get3A_429 = arith.constant 32 : index
    %get3A_430 = tpu.vector_load %arg8[%get3A_428, %get3A_429] {strides = array<i32>} : memref<16x128xi32, #tpu.memory_space<vmem>>, vector<16xi32>,
    %gather3A_431 = tpu.vector_load_idx %arg10[%get3A_430] : memref<2048xf32, #tpu.memory_space<vmem>>[vector<16xi32>], vector<16xf32>,
    %swap3A_432 = arith.constant 0 : i32
    %swap3A_433 = arith.index_cast %swap3A_432 : i32 to index
    %swap3A_434 = arith.constant 32 : index
    %swap3A_435 = tpu.vector_load %arg9[%swap3A_433, %swap3A_434] {strides = array<i32>} : memref<16x128xf32, #tpu.memory_space<vmem>>, vector<16xf32>,
    tpu.vector_store %arg9[%swap3A_433, %swap3A_434], %gather3A_431 {strides = array<i32>} : memref<16x128xf32, #tpu.memory_space<vmem>>, vector<16xf32>,
    %get3A_436 = arith.constant 0 : i32
    %get3A_437 = arith.index_cast %get3A_436 : i32 to index
    %get3A_438 = arith.constant 48 : index
    %get3A_439 = tpu.vector_load %arg8[%get3A_437, %get3A_438] {strides = array<i32>} : memref<16x128xi32, #tpu.memory_space<vmem>>, vector<16xi32>,
    %gather3A_440 = tpu.vector_load_idx %arg10[%get3A_439] : memref<2048xf32, #tpu.memory_space<vmem>>[vector<16xi32>], vector<16xf32>,
    %swap3A_441 = arith.constant 0 : i32
    %swap3A_442 = arith.index_cast %swap3A_441 : i32 to index
    %swap3A_443 = arith.constant 48 : index
    %swap3A_444 = tpu.vector_load %arg9[%swap3A_442, %swap3A_443] {strides = array<i32>} : memref<16x128xf32, #tpu.memory_space<vmem>>, vector<16xf32>,
    tpu.vector_store %arg9[%swap3A_442, %swap3A_443], %gather3A_440 {strides = array<i32>} : memref<16x128xf32, #tpu.memory_space<vmem>>, vector<16xf32>,
    %get3A_445 = arith.constant 0 : i32
    %get3A_446 = arith.index_cast %get3A_445 : i32 to index
    %get3A_447 = arith.constant 64 : index
    %get3A_448 = tpu.vector_load %arg8[%get3A_446, %get3A_447] {strides = array<i32>} : memref<16x128xi32, #tpu.memory_space<vmem>>, vector<16xi32>,
    %gather3A_449 = tpu.vector_load_idx %arg10[%get3A_448] : memref<2048xf32, #tpu.memory_space<vmem>>[vector<16xi32>], vector<16xf32>,
    %swap3A_450 = arith.constant 0 : i32
    %swap3A_451 = arith.index_cast %swap3A_450 : i32 to index
    %swap3A_452 = arith.constant 64 : index
    %swap3A_453 = tpu.vector_load %arg9[%swap3A_451, %swap3A_452] {strides = array<i32>} : memref<16x128xf32, #tpu.memory_space<vmem>>, vector<16xf32>,
    tpu.vector_store %arg9[%swap3A_451, %swap3A_452], %gather3A_449 {strides = array<i32>} : memref<16x128xf32, #tpu.memory_space<vmem>>, vector<16xf32>,
    %get3A_454 = arith.constant 0 : i32
    %get3A_455 = arith.index_cast %get3A_454 : i32 to index
    %get3A_456 = arith.constant 80 : index
    %get3A_457 = tpu.vector_load %arg8[%get3A_455, %get3A_456] {strides = array<i32>} : memref<16x128xi32, #tpu.memory_space<vmem>>, vector<16xi32>,
    %gather3A_458 = tpu.vector_load_idx %arg10[%get3A_457] : memref<2048xf32, #tpu.memory_space<vmem>>[vector<16xi32>], vector<16xf32>,
    %swap3A_459 = arith.constant 0 : i32
    %swap3A_460 = arith.index_cast %swap3A_459 : i32 to index
    %swap3A_461 = arith.constant 80 : index
    %swap3A_462 = tpu.vector_load %arg9[%swap3A_460, %swap3A_461] {strides = array<i32>} : memref<16x128xf32, #tpu.memory_space<vmem>>, vector<16xf32>,
    tpu.vector_store %arg9[%swap3A_460, %swap3A_461], %gather3A_458 {strides = array<i32>} : memref<16x128xf32, #tpu.memory_space<vmem>>, vector<16xf32>,
    %get3A_463 = arith.constant 0 : i32
    %get3A_464 = arith.index_cast %get3A_463 : i32 to index
    %get3A_465 = arith.constant 96 : index
    %get3A_466 = tpu.vector_load %arg8[%get3A_464, %get3A_465] {strides = array<i32>} : memref<16x128xi32, #tpu.memory_space<vmem>>, vector<16xi32>,
    %gather3A_467 = tpu.vector_load_idx %arg10[%get3A_466] : memref<2048xf32, #tpu.memory_space<vmem>>[vector<16xi32>], vector<16xf32>,
    %swap3A_468 = arith.constant 0 : i32
    %swap3A_469 = arith.index_cast %swap3A_468 : i32 to index
    %swap3A_470 = arith.constant 96 : index
    %swap3A_471 = tpu.vector_load %arg9[%swap3A_469, %swap3A_470] {strides = array<i32>} : memref<16x128xf32, #tpu.memory_space<vmem>>, vector<16xf32>,
    tpu.vector_store %arg9[%swap3A_469, %swap3A_470], %gather3A_467 {strides = array<i32>} : memref<16x128xf32, #tpu.memory_space<vmem>>, vector<16xf32>,
    %get3A_472 = arith.constant 0 : i32
    %get3A_473 = arith.index_cast %get3A_472 : i32 to index
    %get3A_474 = arith.constant 112 : index
    %get3A_475 = tpu.vector_load %arg8[%get3A_473, %get3A_474] {strides = array<i32>} : memref<16x128xi32, #tpu.memory_space<vmem>>, vector<16xi32>,
    %gather3A_476 = tpu.vector_load_idx %arg10[%get3A_475] : memref<2048xf32, #tpu.memory_space<vmem>>[vector<16xi32>], vector<16xf32>,
    %swap3A_477 = arith.constant 0 : i32
    %swap3A_478 = arith.index_cast %swap3A_477 : i32 to index
    %swap3A_479 = arith.constant 112 : index
    %swap3A_480 = tpu.vector_load %arg9[%swap3A_478, %swap3A_479] {strides = array<i32>} : memref<16x128xf32, #tpu.memory_space<vmem>>, vector<16xf32>,
    tpu.vector_store %arg9[%swap3A_478, %swap3A_479], %gather3A_476 {strides = array<i32>} : memref<16x128xf32, #tpu.memory_space<vmem>>, vector<16xf32>,
    %get3A_481 = arith.constant 1 : i32
    %get3A_482 = arith.index_cast %get3A_481 : i32 to index
    %get3A_483 = arith.constant 0 : index
    %get3A_484 = tpu.vector_load %arg8[%get3A_482, %get3A_483] {strides = array<i32>} : memref<16x128xi32, #tpu.memory_space<vmem>>, vector<16xi32>,
    %gather3A_485 = tpu.vector_load_idx %arg10[%get3A_484] : memref<2048xf32, #tpu.memory_space<vmem>>[vector<16xi32>], vector<16xf32>,
    %swap3A_486 = arith.constant 1 : i32
    %swap3A_487 = arith.index_cast %swap3A_486 : i32 to index
    %swap3A_488 = arith.constant 0 : index
    %swap3A_489 = tpu.vector_load %arg9[%swap3A_487, %swap3A_488] {strides = array<i32>} : memref<16x128xf32, #tpu.memory_space<vmem>>, vector<16xf32>,
    tpu.vector_store %arg9[%swap3A_487, %swap3A_488], %gather3A_485 {strides = array<i32>} : memref<16x128xf32, #tpu.memory_space<vmem>>, vector<16xf32>,
    %get3A_490 = arith.constant 1 : i32
    %get3A_491 = arith.index_cast %get3A_490 : i32 to index
    %get3A_492 = arith.constant 16 : index
    %get3A_493 = tpu.vector_load %arg8[%get3A_491, %get3A_492] {strides = array<i32>} : memref<16x128xi32, #tpu.memory_space<vmem>>, vector<16xi32>,
    %gather3A_494 = tpu.vector_load_idx %arg10[%get3A_493] : memref<2048xf32, #tpu.memory_space<vmem>>[vector<16xi32>], vector<16xf32>,
    %swap3A_495 = arith.constant 1 : i32
    %swap3A_496 = arith.index_cast %swap3A_495 : i32 to index
    %swap3A_497 = arith.constant 16 : index
    %swap3A_498 = tpu.vector_load %arg9[%swap3A_496, %swap3A_497] {strides = array<i32>} : memref<16x128xf32, #tpu.memory_space<vmem>>, vector<16xf32>,
    tpu.vector_store %arg9[%swap3A_496, %swap3A_497], %gather3A_494 {strides = array<i32>} : memref<16x128xf32, #tpu.memory_space<vmem>>, vector<16xf32>,
    %get3A_499 = arith.constant 1 : i32
    %get3A_500 = arith.index_cast %get3A_499 : i32 to index
    %get3A_501 = arith.constant 32 : index
    %get3A_502 = tpu.vector_load %arg8[%get3A_500, %get3A_501] {strides = array<i32>} : memref<16x128xi32, #tpu.memory_space<vmem>>, vector<16xi32>,
    %gather3A_503 = tpu.vector_load_idx %arg10[%get3A_502] : memref<2048xf32, #tpu.memory_space<vmem>>[vector<16xi32>], vector<16xf32>,
    %swap3A_504 = arith.constant 1 : i32
    %swap3A_505 = arith.index_cast %swap3A_504 : i32 to index
    %swap3A_506 = arith.constant 32 : index
    %swap3A_507 = tpu.vector_load %arg9[%swap3A_505, %swap3A_506] {strides = array<i32>} : memref<16x128xf32, #tpu.memory_space<vmem>>, vector<16xf32>,
    tpu.vector_store %arg9[%swap3A_505, %swap3A_506], %gather3A_503 {strides = array<i32>} : memref<16x128xf32, #tpu.memory_space<vmem>>, vector<16xf32>,
    %get3A_508 = arith.constant 1 : i32
    %get3A_509 = arith.index_cast %get3A_508 : i32 to index
    %get3A_510 = arith.constant 48 : index
    %get3A_511 = tpu.vector_load %arg8[%get3A_509, %get3A_510] {strides = array<i32>} : memref<16x128xi32, #tpu.memory_space<vmem>>, vector<16xi32>,
    %gather3A_512 = tpu.vector_load_idx %arg10[%get3A_511] : memref<2048xf32, #tpu.memory_space<vmem>>[vector<16xi32>], vector<16xf32>,
    %swap3A_513 = arith.constant 1 : i32
    %swap3A_514 = arith.index_cast %swap3A_513 : i32 to index
    %swap3A_515 = arith.constant 48 : index
    %swap3A_516 = tpu.vector_load %arg9[%swap3A_514, %swap3A_515] {strides = array<i32>} : memref<16x128xf32, #tpu.memory_space<vmem>>, vector<16xf32>,
    tpu.vector_store %arg9[%swap3A_514, %swap3A_515], %gather3A_512 {strides = array<i32>} : memref<16x128xf32, #tpu.memory_space<vmem>>, vector<16xf32>,
    %get3A_517 = arith.constant 1 : i32
    %get3A_518 = arith.index_cast %get3A_517 : i32 to index
    %get3A_519 = arith.constant 64 : index
    %get3A_520 = tpu.vector_load %arg8[%get3A_518, %get3A_519] {strides = array<i32>} : memref<16x128xi32, #tpu.memory_space<vmem>>, vector<16xi32>,
    %gather3A_521 = tpu.vector_load_idx %arg10[%get3A_520] : memref<2048xf32, #tpu.memory_space<vmem>>[vector<16xi32>], vector<16xf32>,
    %swap3A_522 = arith.constant 1 : i32
    %swap3A_523 = arith.index_cast %swap3A_522 : i32 to index
    %swap3A_524 = arith.constant 64 : index
    %swap3A_525 = tpu.vector_load %arg9[%swap3A_523, %swap3A_524] {strides = array<i32>} : memref<16x128xf32, #tpu.memory_space<vmem>>, vector<16xf32>,
    tpu.vector_store %arg9[%swap3A_523, %swap3A_524], %gather3A_521 {strides = array<i32>} : memref<16x128xf32, #tpu.memory_space<vmem>>, vector<16xf32>,
    %get3A_526 = arith.constant 1 : i32
    %get3A_527 = arith.index_cast %get3A_526 : i32 to index
    %get3A_528 = arith.constant 80 : index
    %get3A_529 = tpu.vector_load %arg8[%get3A_527, %get3A_528] {strides = array<i32>} : memref<16x128xi32, #tpu.memory_space<vmem>>, vector<16xi32>,
    %gather3A_530 = tpu.vector_load_idx %arg10[%get3A_529] : memref<2048xf32, #tpu.memory_space<vmem>>[vector<16xi32>], vector<16xf32>,
    %swap3A_531 = arith.constant 1 : i32
    %swap3A_532 = arith.index_cast %swap3A_531 : i32 to index
    %swap3A_533 = arith.constant 80 : index
    %swap3A_534 = tpu.vector_load %arg9[%swap3A_532, %swap3A_533] {strides = array<i32>} : memref<16x128xf32, #tpu.memory_space<vmem>>, vector<16xf32>,
    tpu.vector_store %arg9[%swap3A_532, %swap3A_533], %gather3A_530 {strides = array<i32>} : memref<16x128xf32, #tpu.memory_space<vmem>>, vector<16xf32>,
    %get3A_535 = arith.constant 1 : i32
    %get3A_536 = arith.index_cast %get3A_535 : i32 to index
    %get3A_537 = arith.constant 96 : index
    %get3A_538 = tpu.vector_load %arg8[%get3A_536, %get3A_537] {strides = array<i32>} : memref<16x128xi32, #tpu.memory_space<vmem>>, vector<16xi32>,
    %gather3A_539 = tpu.vector_load_idx %arg10[%get3A_538] : memref<2048xf32, #tpu.memory_space<vmem>>[vector<16xi32>], vector<16xf32>,
    %swap3A_540 = arith.constant 1 : i32
    %swap3A_541 = arith.index_cast %swap3A_540 : i32 to index
    %swap3A_542 = arith.constant 96 : index
    %swap3A_543 = tpu.vector_load %arg9[%swap3A_541, %swap3A_542] {strides = array<i32>} : memref<16x128xf32, #tpu.memory_space<vmem>>, vector<16xf32>,
    tpu.vector_store %arg9[%swap3A_541, %swap3A_542], %gather3A_539 {strides = array<i32>} : memref<16x128xf32, #tpu.memory_space<vmem>>, vector<16xf32>,
    %get3A_544 = arith.constant 1 : i32
    %get3A_545 = arith.index_cast %get3A_544 : i32 to index
    %get3A_546 = arith.constant 112 : index
    %get3A_547 = tpu.vector_load %arg8[%get3A_545, %get3A_546] {strides = array<i32>} : memref<16x128xi32, #tpu.memory_space<vmem>>, vector<16xi32>,
    %gather3A_548 = tpu.vector_load_idx %arg10[%get3A_547] : memref<2048xf32, #tpu.memory_space<vmem>>[vector<16xi32>], vector<16xf32>,
    %swap3A_549 = arith.constant 1 : i32
    %swap3A_550 = arith.index_cast %swap3A_549 : i32 to index
    %swap3A_551 = arith.constant 112 : index
    %swap3A_552 = tpu.vector_load %arg9[%swap3A_550, %swap3A_551] {strides = array<i32>} : memref<16x128xf32, #tpu.memory_space<vmem>>, vector<16xf32>,
    tpu.vector_store %arg9[%swap3A_550, %swap3A_551], %gather3A_548 {strides = array<i32>} : memref<16x128xf32, #tpu.memory_space<vmem>>, vector<16xf32>,
    %get3A_553 = arith.constant 2 : i32
    %get3A_554 = arith.index_cast %get3A_553 : i32 to index
    %get3A_555 = arith.constant 0 : index
    %get3A_556 = tpu.vector_load %arg8[%get3A_554, %get3A_555] {strides = array<i32>} : memref<16x128xi32, #tpu.memory_space<vmem>>, vector<16xi32>,
    %gather3A_557 = tpu.vector_load_idx %arg10[%get3A_556] : memref<2048xf32, #tpu.memory_space<vmem>>[vector<16xi32>], vector<16xf32>,
    %swap3A_558 = arith.constant 2 : i32
    %swap3A_559 = arith.index_cast %swap3A_558 : i32 to index
    %swap3A_560 = arith.constant 0 : index
    %swap3A_561 = tpu.vector_load %arg9[%swap3A_559, %swap3A_560] {strides = array<i32>} : memref<16x128xf32, #tpu.memory_space<vmem>>, vector<16xf32>,
    tpu.vector_store %arg9[%swap3A_559, %swap3A_560], %gather3A_557 {strides = array<i32>} : memref<16x128xf32, #tpu.memory_space<vmem>>, vector<16xf32>,
    %get3A_562 = arith.constant 2 : i32
    %get3A_563 = arith.index_cast %get3A_562 : i32 to index
    %get3A_564 = arith.constant 16 : index
    %get3A_565 = tpu.vector_load %arg8[%get3A_563, %get3A_564] {strides = array<i32>} : memref<16x128xi32, #tpu.memory_space<vmem>>, vector<16xi32>,
    %gather3A_566 = tpu.vector_load_idx %arg10[%get3A_565] : memref<2048xf32, #tpu.memory_space<vmem>>[vector<16xi32>], vector<16xf32>,
    %swap3A_567 = arith.constant 2 : i32
    %swap3A_568 = arith.index_cast %swap3A_567 : i32 to index
    %swap3A_569 = arith.constant 16 : index
    %swap3A_570 = tpu.vector_load %arg9[%swap3A_568, %swap3A_569] {strides = array<i32>} : memref<16x128xf32, #tpu.memory_space<vmem>>, vector<16xf32>,
    tpu.vector_store %arg9[%swap3A_568, %swap3A_569], %gather3A_566 {strides = array<i32>} : memref<16x128xf32, #tpu.memory_space<vmem>>, vector<16xf32>,
    %get3A_571 = arith.constant 2 : i32
    %get3A_572 = arith.index_cast %get3A_571 : i32 to index
    %get3A_573 = arith.constant 32 : index
    %get3A_574 = tpu.vector_load %arg8[%get3A_572, %get3A_573] {strides = array<i32>} : memref<16x128xi32, #tpu.memory_space<vmem>>, vector<16xi32>,
    %gather3A_575 = tpu.vector_load_idx %arg10[%get3A_574] : memref<2048xf32, #tpu.memory_space<vmem>>[vector<16xi32>], vector<16xf32>,
    %swap3A_576 = arith.constant 2 : i32
    %swap3A_577 = arith.index_cast %swap3A_576 : i32 to index
    %swap3A_578 = arith.constant 32 : index
    %swap3A_579 = tpu.vector_load %arg9[%swap3A_577, %swap3A_578] {strides = array<i32>} : memref<16x128xf32, #tpu.memory_space<vmem>>, vector<16xf32>,
    tpu.vector_store %arg9[%swap3A_577, %swap3A_578], %gather3A_575 {strides = array<i32>} : memref<16x128xf32, #tpu.memory_space<vmem>>, vector<16xf32>,
    %get3A_580 = arith.constant 2 : i32
    %get3A_581 = arith.index_cast %get3A_580 : i32 to index
    %get3A_582 = arith.constant 48 : index
    %get3A_583 = tpu.vector_load %arg8[%get3A_581, %get3A_582] {strides = array<i32>} : memref<16x128xi32, #tpu.memory_space<vmem>>, vector<16xi32>,
    %gather3A_584 = tpu.vector_load_idx %arg10[%get3A_583] : memref<2048xf32, #tpu.memory_space<vmem>>[vector<16xi32>], vector<16xf32>,
    %swap3A_585 = arith.constant 2 : i32
    %swap3A_586 = arith.index_cast %swap3A_585 : i32 to index
    %swap3A_587 = arith.constant 48 : index
    %swap3A_588 = tpu.vector_load %arg9[%swap3A_586, %swap3A_587] {strides = array<i32>} : memref<16x128xf32, #tpu.memory_space<vmem>>, vector<16xf32>,
    tpu.vector_store %arg9[%swap3A_586, %swap3A_587], %gather3A_584 {strides = array<i32>} : memref<16x128xf32, #tpu.memory_space<vmem>>, vector<16xf32>,
    %get3A_589 = arith.constant 2 : i32
    %get3A_590 = arith.index_cast %get3A_589 : i32 to index
    %get3A_591 = arith.constant 64 : index
    %get3A_592 = tpu.vector_load %arg8[%get3A_590, %get3A_591] {strides = array<i32>} : memref<16x128xi32, #tpu.memory_space<vmem>>, vector<16xi32>,
    %gather3A_593 = tpu.vector_load_idx %arg10[%get3A_592] : memref<2048xf32, #tpu.memory_space<vmem>>[vector<16xi32>], vector<16xf32>,
    %swap3A_594 = arith.constant 2 : i32
    %swap3A_595 = arith.index_cast %swap3A_594 : i32 to index
    %swap3A_596 = arith.constant 64 : index
    %swap3A_597 = tpu.vector_load %arg9[%swap3A_595, %swap3A_596] {strides = array<i32>} : memref<16x128xf32, #tpu.memory_space<vmem>>, vector<16xf32>,
    tpu.vector_store %arg9[%swap3A_595, %swap3A_596], %gather3A_593 {strides = array<i32>} : memref<16x128xf32, #tpu.memory_space<vmem>>, vector<16xf32>,
    %get3A_598 = arith.constant 2 : i32
    %get3A_599 = arith.index_cast %get3A_598 : i32 to index
    %get3A_600 = arith.constant 80 : index
    %get3A_601 = tpu.vector_load %arg8[%get3A_599, %get3A_600] {strides = array<i32>} : memref<16x128xi32, #tpu.memory_space<vmem>>, vector<16xi32>,
    %gather3A_602 = tpu.vector_load_idx %arg10[%get3A_601] : memref<2048xf32, #tpu.memory_space<vmem>>[vector<16xi32>], vector<16xf32>,
    %swap3A_603 = arith.constant 2 : i32
    %swap3A_604 = arith.index_cast %swap3A_603 : i32 to index
    %swap3A_605 = arith.constant 80 : index
    %swap3A_606 = tpu.vector_load %arg9[%swap3A_604, %swap3A_605] {strides = array<i32>} : memref<16x128xf32, #tpu.memory_space<vmem>>, vector<16xf32>,
    tpu.vector_store %arg9[%swap3A_604, %swap3A_605], %gather3A_602 {strides = array<i32>} : memref<16x128xf32, #tpu.memory_space<vmem>>, vector<16xf32>,
    %get3A_607 = arith.constant 2 : i32
    %get3A_608 = arith.index_cast %get3A_607 : i32 to index
    %get3A_609 = arith.constant 96 : index
    %get3A_610 = tpu.vector_load %arg8[%get3A_608, %get3A_609] {strides = array<i32>} : memref<16x128xi32, #tpu.memory_space<vmem>>, vector<16xi32>,
    %gather3A_611 = tpu.vector_load_idx %arg10[%get3A_610] : memref<2048xf32, #tpu.memory_space<vmem>>[vector<16xi32>], vector<16xf32>,
    %swap3A_612 = arith.constant 2 : i32
    %swap3A_613 = arith.index_cast %swap3A_612 : i32 to index
    %swap3A_614 = arith.constant 96 : index
    %swap3A_615 = tpu.vector_load %arg9[%swap3A_613, %swap3A_614] {strides = array<i32>} : memref<16x128xf32, #tpu.memory_space<vmem>>, vector<16xf32>,
    tpu.vector_store %arg9[%swap3A_613, %swap3A_614], %gather3A_611 {strides = array<i32>} : memref<16x128xf32, #tpu.memory_space<vmem>>, vector<16xf32>,
    %get3A_616 = arith.constant 2 : i32
    %get3A_617 = arith.index_cast %get3A_616 : i32 to index
    %get3A_618 = arith.constant 112 : index
    %get3A_619 = tpu.vector_load %arg8[%get3A_617, %get3A_618] {strides = array<i32>} : memref<16x128xi32, #tpu.memory_space<vmem>>, vector<16xi32>,
    %gather3A_620 = tpu.vector_load_idx %arg10[%get3A_619] : memref<2048xf32, #tpu.memory_space<vmem>>[vector<16xi32>], vector<16xf32>,
    %swap3A_621 = arith.constant 2 : i32
    %swap3A_622 = arith.index_cast %swap3A_621 : i32 to index
    %swap3A_623 = arith.constant 112 : index
    %swap3A_624 = tpu.vector_load %arg9[%swap3A_622, %swap3A_623] {strides = array<i32>} : memref<16x128xf32, #tpu.memory_space<vmem>>, vector<16xf32>,
    tpu.vector_store %arg9[%swap3A_622, %swap3A_623], %gather3A_620 {strides = array<i32>} : memref<16x128xf32, #tpu.memory_space<vmem>>, vector<16xf32>,
    %get3A_625 = arith.constant 3 : i32
    %get3A_626 = arith.index_cast %get3A_625 : i32 to index
    %get3A_627 = arith.constant 0 : index
    %get3A_628 = tpu.vector_load %arg8[%get3A_626, %get3A_627] {strides = array<i32>} : memref<16x128xi32, #tpu.memory_space<vmem>>, vector<16xi32>,
    %gather3A_629 = tpu.vector_load_idx %arg10[%get3A_628] : memref<2048xf32, #tpu.memory_space<vmem>>[vector<16xi32>], vector<16xf32>,
    %swap3A_630 = arith.constant 3 : i32
    %swap3A_631 = arith.index_cast %swap3A_630 : i32 to index
    %swap3A_632 = arith.constant 0 : index
    %swap3A_633 = tpu.vector_load %arg9[%swap3A_631, %swap3A_632] {strides = array<i32>} : memref<16x128xf32, #tpu.memory_space<vmem>>, vector<16xf32>,
    tpu.vector_store %arg9[%swap3A_631, %swap3A_632], %gather3A_629 {strides = array<i32>} : memref<16x128xf32, #tpu.memory_space<vmem>>, vector<16xf32>,
    %get3A_634 = arith.constant 3 : i32
    %get3A_635 = arith.index_cast %get3A_634 : i32 to index
    %get3A_636 = arith.constant 16 : index
    %get3A_637 = tpu.vector_load %arg8[%get3A_635, %get3A_636] {strides = array<i32>} : memref<16x128xi32, #tpu.memory_space<vmem>>, vector<16xi32>,
    %gather3A_638 = tpu.vector_load_idx %arg10[%get3A_637] : memref<2048xf32, #tpu.memory_space<vmem>>[vector<16xi32>], vector<16xf32>,
    %swap3A_639 = arith.constant 3 : i32
    %swap3A_640 = arith.index_cast %swap3A_639 : i32 to index
    %swap3A_641 = arith.constant 16 : index
    %swap3A_642 = tpu.vector_load %arg9[%swap3A_640, %swap3A_641] {strides = array<i32>} : memref<16x128xf32, #tpu.memory_space<vmem>>, vector<16xf32>,
    tpu.vector_store %arg9[%swap3A_640, %swap3A_641], %gather3A_638 {strides = array<i32>} : memref<16x128xf32, #tpu.memory_space<vmem>>, vector<16xf32>,
    %get3A_643 = arith.constant 3 : i32
    %get3A_644 = arith.index_cast %get3A_643 : i32 to index
    %get3A_645 = arith.constant 32 : index
    %get3A_646 = tpu.vector_load %arg8[%get3A_644, %get3A_645] {strides = array<i32>} : memref<16x128xi32, #tpu.memory_space<vmem>>, vector<16xi32>,
    %gather3A_647 = tpu.vector_load_idx %arg10[%get3A_646] : memref<2048xf32, #tpu.memory_space<vmem>>[vector<16xi32>], vector<16xf32>,
    %swap3A_648 = arith.constant 3 : i32
    %swap3A_649 = arith.index_cast %swap3A_648 : i32 to index
    %swap3A_650 = arith.constant 32 : index
    %swap3A_651 = tpu.vector_load %arg9[%swap3A_649, %swap3A_650] {strides = array<i32>} : memref<16x128xf32, #tpu.memory_space<vmem>>, vector<16xf32>,
    tpu.vector_store %arg9[%swap3A_649, %swap3A_650], %gather3A_647 {strides = array<i32>} : memref<16x128xf32, #tpu.memory_space<vmem>>, vector<16xf32>,
    %get3A_652 = arith.constant 3 : i32
    %get3A_653 = arith.index_cast %get3A_652 : i32 to index
    %get3A_654 = arith.constant 48 : index
    %get3A_655 = tpu.vector_load %arg8[%get3A_653, %get3A_654] {strides = array<i32>} : memref<16x128xi32, #tpu.memory_space<vmem>>, vector<16xi32>,
    %gather3A_656 = tpu.vector_load_idx %arg10[%get3A_655] : memref<2048xf32, #tpu.memory_space<vmem>>[vector<16xi32>], vector<16xf32>,
    %swap3A_657 = arith.constant 3 : i32
    %swap3A_658 = arith.index_cast %swap3A_657 : i32 to index
    %swap3A_659 = arith.constant 48 : index
    %swap3A_660 = tpu.vector_load %arg9[%swap3A_658, %swap3A_659] {strides = array<i32>} : memref<16x128xf32, #tpu.memory_space<vmem>>, vector<16xf32>,
    tpu.vector_store %arg9[%swap3A_658, %swap3A_659], %gather3A_656 {strides = array<i32>} : memref<16x128xf32, #tpu.memory_space<vmem>>, vector<16xf32>,
    %get3A_661 = arith.constant 3 : i32
    %get3A_662 = arith.index_cast %get3A_661 : i32 to index
    %get3A_663 = arith.constant 64 : index
    %get3A_664 = tpu.vector_load %arg8[%get3A_662, %get3A_663] {strides = array<i32>} : memref<16x128xi32, #tpu.memory_space<vmem>>, vector<16xi32>,
    %gather3A_665 = tpu.vector_load_idx %arg10[%get3A_664] : memref<2048xf32, #tpu.memory_space<vmem>>[vector<16xi32>], vector<16xf32>,
    %swap3A_666 = arith.constant 3 : i32
    %swap3A_667 = arith.index_cast %swap3A_666 : i32 to index
    %swap3A_668 = arith.constant 64 : index
    %swap3A_669 = tpu.vector_load %arg9[%swap3A_667, %swap3A_668] {strides = array<i32>} : memref<16x128xf32, #tpu.memory_space<vmem>>, vector<16xf32>,
    tpu.vector_store %arg9[%swap3A_667, %swap3A_668], %gather3A_665 {strides = array<i32>} : memref<16x128xf32, #tpu.memory_space<vmem>>, vector<16xf32>,
    %get3A_670 = arith.constant 3 : i32
    %get3A_671 = arith.index_cast %get3A_670 : i32 to index
    %get3A_672 = arith.constant 80 : index
    %get3A_673 = tpu.vector_load %arg8[%get3A_671, %get3A_672] {strides = array<i32>} : memref<16x128xi32, #tpu.memory_space<vmem>>, vector<16xi32>,
    %gather3A_674 = tpu.vector_load_idx %arg10[%get3A_673] : memref<2048xf32, #tpu.memory_space<vmem>>[vector<16xi32>], vector<16xf32>,
    %swap3A_675 = arith.constant 3 : i32
    %swap3A_676 = arith.index_cast %swap3A_675 : i32 to index
    %swap3A_677 = arith.constant 80 : index
    %swap3A_678 = tpu.vector_load %arg9[%swap3A_676, %swap3A_677] {strides = array<i32>} : memref<16x128xf32, #tpu.memory_space<vmem>>, vector<16xf32>,
    tpu.vector_store %arg9[%swap3A_676, %swap3A_677], %gather3A_674 {strides = array<i32>} : memref<16x128xf32, #tpu.memory_space<vmem>>, vector<16xf32>,
    %get3A_679 = arith.constant 3 : i32
    %get3A_680 = arith.index_cast %get3A_679 : i32 to index
    %get3A_681 = arith.constant 96 : index
    %get3A_682 = tpu.vector_load %arg8[%get3A_680, %get3A_681] {strides = array<i32>} : memref<16x128xi32, #tpu.memory_space<vmem>>, vector<16xi32>,
    %gather3A_683 = tpu.vector_load_idx %arg10[%get3A_682] : memref<2048xf32, #tpu.memory_space<vmem>>[vector<16xi32>], vector<16xf32>,
    %swap3A_684 = arith.constant 3 : i32
    %swap3A_685 = arith.index_cast %swap3A_684 : i32 to index
    %swap3A_686 = arith.constant 96 : index
    %swap3A_687 = tpu.vector_load %arg9[%swap3A_685, %swap3A_686] {strides = array<i32>} : memref<16x128xf32, #tpu.memory_space<vmem>>, vector<16xf32>,
    tpu.vector_store %arg9[%swap3A_685, %swap3A_686], %gather3A_683 {strides = array<i32>} : memref<16x128xf32, #tpu.memory_space<vmem>>, vector<16xf32>,
    %get3A_688 = arith.constant 3 : i32
    %get3A_689 = arith.index_cast %get3A_688 : i32 to index
    %get3A_690 = arith.constant 112 : index
    %get3A_691 = tpu.vector_load %arg8[%get3A_689, %get3A_690] {strides = array<i32>} : memref<16x128xi32, #tpu.memory_space<vmem>>, vector<16xi32>,
    %gather3A_692 = tpu.vector_load_idx %arg10[%get3A_691] : memref<2048xf32, #tpu.memory_space<vmem>>[vector<16xi32>], vector<16xf32>,
    %swap3A_693 = arith.constant 3 : i32
    %swap3A_694 = arith.index_cast %swap3A_693 : i32 to index
    %swap3A_695 = arith.constant 112 : index
    %swap3A_696 = tpu.vector_load %arg9[%swap3A_694, %swap3A_695] {strides = array<i32>} : memref<16x128xf32, #tpu.memory_space<vmem>>, vector<16xf32>,
    tpu.vector_store %arg9[%swap3A_694, %swap3A_695], %gather3A_692 {strides = array<i32>} : memref<16x128xf32, #tpu.memory_space<vmem>>, vector<16xf32>,
    %get3A_697 = arith.constant 4 : i32
    %get3A_698 = arith.index_cast %get3A_697 : i32 to index
    %get3A_699 = arith.constant 0 : index
    %get3A_700 = tpu.vector_load %arg8[%get3A_698, %get3A_699] {strides = array<i32>} : memref<16x128xi32, #tpu.memory_space<vmem>>, vector<16xi32>,
    %gather3A_701 = tpu.vector_load_idx %arg10[%get3A_700] : memref<2048xf32, #tpu.memory_space<vmem>>[vector<16xi32>], vector<16xf32>,
    %swap3A_702 = arith.constant 4 : i32
    %swap3A_703 = arith.index_cast %swap3A_702 : i32 to index
    %swap3A_704 = arith.constant 0 : index
    %swap3A_705 = tpu.vector_load %arg9[%swap3A_703, %swap3A_704] {strides = array<i32>} : memref<16x128xf32, #tpu.memory_space<vmem>>, vector<16xf32>,
    tpu.vector_store %arg9[%swap3A_703, %swap3A_704], %gather3A_701 {strides = array<i32>} : memref<16x128xf32, #tpu.memory_space<vmem>>, vector<16xf32>,
    %get3A_706 = arith.constant 4 : i32
    %get3A_707 = arith.index_cast %get3A_706 : i32 to index
    %get3A_708 = arith.constant 16 : index
    %get3A_709 = tpu.vector_load %arg8[%get3A_707, %get3A_708] {strides = array<i32>} : memref<16x128xi32, #tpu.memory_space<vmem>>, vector<16xi32>,
    %gather3A_710 = tpu.vector_load_idx %arg10[%get3A_709] : memref<2048xf32, #tpu.memory_space<vmem>>[vector<16xi32>], vector<16xf32>,
    %swap3A_711 = arith.constant 4 : i32
    %swap3A_712 = arith.index_cast %swap3A_711 : i32 to index
    %swap3A_713 = arith.constant 16 : index
    %swap3A_714 = tpu.vector_load %arg9[%swap3A_712, %swap3A_713] {strides = array<i32>} : memref<16x128xf32, #tpu.memory_space<vmem>>, vector<16xf32>,
    tpu.vector_store %arg9[%swap3A_712, %swap3A_713], %gather3A_710 {strides = array<i32>} : memref<16x128xf32, #tpu.memory_space<vmem>>, vector<16xf32>,
    %get3A_715 = arith.constant 4 : i32
    %get3A_716 = arith.index_cast %get3A_715 : i32 to index
    %get3A_717 = arith.constant 32 : index
    %get3A_718 = tpu.vector_load %arg8[%get3A_716, %get3A_717] {strides = array<i32>} : memref<16x128xi32, #tpu.memory_space<vmem>>, vector<16xi32>,
    %gather3A_719 = tpu.vector_load_idx %arg10[%get3A_718] : memref<2048xf32, #tpu.memory_space<vmem>>[vector<16xi32>], vector<16xf32>,
    %swap3A_720 = arith.constant 4 : i32
    %swap3A_721 = arith.index_cast %swap3A_720 : i32 to index
    %swap3A_722 = arith.constant 32 : index
    %swap3A_723 = tpu.vector_load %arg9[%swap3A_721, %swap3A_722] {strides = array<i32>} : memref<16x128xf32, #tpu.memory_space<vmem>>, vector<16xf32>,
    tpu.vector_store %arg9[%swap3A_721, %swap3A_722], %gather3A_719 {strides = array<i32>} : memref<16x128xf32, #tpu.memory_space<vmem>>, vector<16xf32>,
    %get3A_724 = arith.constant 4 : i32
    %get3A_725 = arith.index_cast %get3A_724 : i32 to index
    %get3A_726 = arith.constant 48 : index
    %get3A_727 = tpu.vector_load %arg8[%get3A_725, %get3A_726] {strides = array<i32>} : memref<16x128xi32, #tpu.memory_space<vmem>>, vector<16xi32>,
    %gather3A_728 = tpu.vector_load_idx %arg10[%get3A_727] : memref<2048xf32, #tpu.memory_space<vmem>>[vector<16xi32>], vector<16xf32>,
    %swap3A_729 = arith.constant 4 : i32
    %swap3A_730 = arith.index_cast %swap3A_729 : i32 to index
    %swap3A_731 = arith.constant 48 : index
    %swap3A_732 = tpu.vector_load %arg9[%swap3A_730, %swap3A_731] {strides = array<i32>} : memref<16x128xf32, #tpu.memory_space<vmem>>, vector<16xf32>,
    tpu.vector_store %arg9[%swap3A_730, %swap3A_731], %gather3A_728 {strides = array<i32>} : memref<16x128xf32, #tpu.memory_space<vmem>>, vector<16xf32>,
    %get3A_733 = arith.constant 4 : i32
    %get3A_734 = arith.index_cast %get3A_733 : i32 to index
    %get3A_735 = arith.constant 64 : index
    %get3A_736 = tpu.vector_load %arg8[%get3A_734, %get3A_735] {strides = array<i32>} : memref<16x128xi32, #tpu.memory_space<vmem>>, vector<16xi32>,
    %gather3A_737 = tpu.vector_load_idx %arg10[%get3A_736] : memref<2048xf32, #tpu.memory_space<vmem>>[vector<16xi32>], vector<16xf32>,
    %swap3A_738 = arith.constant 4 : i32
    %swap3A_739 = arith.index_cast %swap3A_738 : i32 to index
    %swap3A_740 = arith.constant 64 : index
    %swap3A_741 = tpu.vector_load %arg9[%swap3A_739, %swap3A_740] {strides = array<i32>} : memref<16x128xf32, #tpu.memory_space<vmem>>, vector<16xf32>,
    tpu.vector_store %arg9[%swap3A_739, %swap3A_740], %gather3A_737 {strides = array<i32>} : memref<16x128xf32, #tpu.memory_space<vmem>>, vector<16xf32>,
    %get3A_742 = arith.constant 4 : i32
    %get3A_743 = arith.index_cast %get3A_742 : i32 to index
    %get3A_744 = arith.constant 80 : index
    %get3A_745 = tpu.vector_load %arg8[%get3A_743, %get3A_744] {strides = array<i32>} : memref<16x128xi32, #tpu.memory_space<vmem>>, vector<16xi32>,
    %gather3A_746 = tpu.vector_load_idx %arg10[%get3A_745] : memref<2048xf32, #tpu.memory_space<vmem>>[vector<16xi32>], vector<16xf32>,
    %swap3A_747 = arith.constant 4 : i32
    %swap3A_748 = arith.index_cast %swap3A_747 : i32 to index
    %swap3A_749 = arith.constant 80 : index
    %swap3A_750 = tpu.vector_load %arg9[%swap3A_748, %swap3A_749] {strides = array<i32>} : memref<16x128xf32, #tpu.memory_space<vmem>>, vector<16xf32>,
    tpu.vector_store %arg9[%swap3A_748, %swap3A_749], %gather3A_746 {strides = array<i32>} : memref<16x128xf32, #tpu.memory_space<vmem>>, vector<16xf32>,
    %get3A_751 = arith.constant 4 : i32
    %get3A_752 = arith.index_cast %get3A_751 : i32 to index
    %get3A_753 = arith.constant 96 : index
    %get3A_754 = tpu.vector_load %arg8[%get3A_752, %get3A_753] {strides = array<i32>} : memref<16x128xi32, #tpu.memory_space<vmem>>, vector<16xi32>,
    %gather3A_755 = tpu.vector_load_idx %arg10[%get3A_754] : memref<2048xf32, #tpu.memory_space<vmem>>[vector<16xi32>], vector<16xf32>,
    %swap3A_756 = arith.constant 4 : i32
    %swap3A_757 = arith.index_cast %swap3A_756 : i32 to index
    %swap3A_758 = arith.constant 96 : index
    %swap3A_759 = tpu.vector_load %arg9[%swap3A_757, %swap3A_758] {strides = array<i32>} : memref<16x128xf32, #tpu.memory_space<vmem>>, vector<16xf32>,
    tpu.vector_store %arg9[%swap3A_757, %swap3A_758], %gather3A_755 {strides = array<i32>} : memref<16x128xf32, #tpu.memory_space<vmem>>, vector<16xf32>,
    %get3A_760 = arith.constant 4 : i32
    %get3A_761 = arith.index_cast %get3A_760 : i32 to index
    %get3A_762 = arith.constant 112 : index
    %get3A_763 = tpu.vector_load %arg8[%get3A_761, %get3A_762] {strides = array<i32>} : memref<16x128xi32, #tpu.memory_space<vmem>>, vector<16xi32>,
    %gather3A_764 = tpu.vector_load_idx %arg10[%get3A_763] : memref<2048xf32, #tpu.memory_space<vmem>>[vector<16xi32>], vector<16xf32>,
    %swap3A_765 = arith.constant 4 : i32
    %swap3A_766 = arith.index_cast %swap3A_765 : i32 to index
    %swap3A_767 = arith.constant 112 : index
    %swap3A_768 = tpu.vector_load %arg9[%swap3A_766, %swap3A_767] {strides = array<i32>} : memref<16x128xf32, #tpu.memory_space<vmem>>, vector<16xf32>,
    tpu.vector_store %arg9[%swap3A_766, %swap3A_767], %gather3A_764 {strides = array<i32>} : memref<16x128xf32, #tpu.memory_space<vmem>>, vector<16xf32>,
    %get3A_769 = arith.constant 5 : i32
    %get3A_770 = arith.index_cast %get3A_769 : i32 to index
    %get3A_771 = arith.constant 0 : index
    %get3A_772 = tpu.vector_load %arg8[%get3A_770, %get3A_771] {strides = array<i32>} : memref<16x128xi32, #tpu.memory_space<vmem>>, vector<16xi32>,
    %gather3A_773 = tpu.vector_load_idx %arg10[%get3A_772] : memref<2048xf32, #tpu.memory_space<vmem>>[vector<16xi32>], vector<16xf32>,
    %swap3A_774 = arith.constant 5 : i32
    %swap3A_775 = arith.index_cast %swap3A_774 : i32 to index
    %swap3A_776 = arith.constant 0 : index
    %swap3A_777 = tpu.vector_load %arg9[%swap3A_775, %swap3A_776] {strides = array<i32>} : memref<16x128xf32, #tpu.memory_space<vmem>>, vector<16xf32>,
    tpu.vector_store %arg9[%swap3A_775, %swap3A_776], %gather3A_773 {strides = array<i32>} : memref<16x128xf32, #tpu.memory_space<vmem>>, vector<16xf32>,
    %get3A_778 = arith.constant 5 : i32
    %get3A_779 = arith.index_cast %get3A_778 : i32 to index
    %get3A_780 = arith.constant 16 : index
    %get3A_781 = tpu.vector_load %arg8[%get3A_779, %get3A_780] {strides = array<i32>} : memref<16x128xi32, #tpu.memory_space<vmem>>, vector<16xi32>,
    %gather3A_782 = tpu.vector_load_idx %arg10[%get3A_781] : memref<2048xf32, #tpu.memory_space<vmem>>[vector<16xi32>], vector<16xf32>,
    %swap3A_783 = arith.constant 5 : i32
    %swap3A_784 = arith.index_cast %swap3A_783 : i32 to index
    %swap3A_785 = arith.constant 16 : index
    %swap3A_786 = tpu.vector_load %arg9[%swap3A_784, %swap3A_785] {strides = array<i32>} : memref<16x128xf32, #tpu.memory_space<vmem>>, vector<16xf32>,
    tpu.vector_store %arg9[%swap3A_784, %swap3A_785], %gather3A_782 {strides = array<i32>} : memref<16x128xf32, #tpu.memory_space<vmem>>, vector<16xf32>,
    %get3A_787 = arith.constant 5 : i32
    %get3A_788 = arith.index_cast %get3A_787 : i32 to index
    %get3A_789 = arith.constant 32 : index
    %get3A_790 = tpu.vector_load %arg8[%get3A_788, %get3A_789] {strides = array<i32>} : memref<16x128xi32, #tpu.memory_space<vmem>>, vector<16xi32>,
    %gather3A_791 = tpu.vector_load_idx %arg10[%get3A_790] : memref<2048xf32, #tpu.memory_space<vmem>>[vector<16xi32>], vector<16xf32>,
    %swap3A_792 = arith.constant 5 : i32
    %swap3A_793 = arith.index_cast %swap3A_792 : i32 to index
    %swap3A_794 = arith.constant 32 : index
    %swap3A_795 = tpu.vector_load %arg9[%swap3A_793, %swap3A_794] {strides = array<i32>} : memref<16x128xf32, #tpu.memory_space<vmem>>, vector<16xf32>,
    tpu.vector_store %arg9[%swap3A_793, %swap3A_794], %gather3A_791 {strides = array<i32>} : memref<16x128xf32, #tpu.memory_space<vmem>>, vector<16xf32>,
    %get3A_796 = arith.constant 5 : i32
    %get3A_797 = arith.index_cast %get3A_796 : i32 to index
    %get3A_798 = arith.constant 48 : index
    %get3A_799 = tpu.vector_load %arg8[%get3A_797, %get3A_798] {strides = array<i32>} : memref<16x128xi32, #tpu.memory_space<vmem>>, vector<16xi32>,
    %gather3A_800 = tpu.vector_load_idx %arg10[%get3A_799] : memref<2048xf32, #tpu.memory_space<vmem>>[vector<16xi32>], vector<16xf32>,
    %swap3A_801 = arith.constant 5 : i32
    %swap3A_802 = arith.index_cast %swap3A_801 : i32 to index
    %swap3A_803 = arith.constant 48 : index
    %swap3A_804 = tpu.vector_load %arg9[%swap3A_802, %swap3A_803] {strides = array<i32>} : memref<16x128xf32, #tpu.memory_space<vmem>>, vector<16xf32>,
    tpu.vector_store %arg9[%swap3A_802, %swap3A_803], %gather3A_800 {strides = array<i32>} : memref<16x128xf32, #tpu.memory_space<vmem>>, vector<16xf32>,
    %get3A_805 = arith.constant 5 : i32
    %get3A_806 = arith.index_cast %get3A_805 : i32 to index
    %get3A_807 = arith.constant 64 : index
    %get3A_808 = tpu.vector_load %arg8[%get3A_806, %get3A_807] {strides = array<i32>} : memref<16x128xi32, #tpu.memory_space<vmem>>, vector<16xi32>,
    %gather3A_809 = tpu.vector_load_idx %arg10[%get3A_808] : memref<2048xf32, #tpu.memory_space<vmem>>[vector<16xi32>], vector<16xf32>,
    %swap3A_810 = arith.constant 5 : i32
    %swap3A_811 = arith.index_cast %swap3A_810 : i32 to index
    %swap3A_812 = arith.constant 64 : index
    %swap3A_813 = tpu.vector_load %arg9[%swap3A_811, %swap3A_812] {strides = array<i32>} : memref<16x128xf32, #tpu.memory_space<vmem>>, vector<16xf32>,
    tpu.vector_store %arg9[%swap3A_811, %swap3A_812], %gather3A_809 {strides = array<i32>} : memref<16x128xf32, #tpu.memory_space<vmem>>, vector<16xf32>,
    %get3A_814 = arith.constant 5 : i32
    %get3A_815 = arith.index_cast %get3A_814 : i32 to index
    %get3A_816 = arith.constant 80 : index
    %get3A_817 = tpu.vector_load %arg8[%get3A_815, %get3A_816] {strides = array<i32>} : memref<16x128xi32, #tpu.memory_space<vmem>>, vector<16xi32>,
    %gather3A_818 = tpu.vector_load_idx %arg10[%get3A_817] : memref<2048xf32, #tpu.memory_space<vmem>>[vector<16xi32>], vector<16xf32>,
    %swap3A_819 = arith.constant 5 : i32
    %swap3A_820 = arith.index_cast %swap3A_819 : i32 to index
    %swap3A_821 = arith.constant 80 : index
    %swap3A_822 = tpu.vector_load %arg9[%swap3A_820, %swap3A_821] {strides = array<i32>} : memref<16x128xf32, #tpu.memory_space<vmem>>, vector<16xf32>,
    tpu.vector_store %arg9[%swap3A_820, %swap3A_821], %gather3A_818 {strides = array<i32>} : memref<16x128xf32, #tpu.memory_space<vmem>>, vector<16xf32>,
    %get3A_823 = arith.constant 5 : i32
    %get3A_824 = arith.index_cast %get3A_823 : i32 to index
    %get3A_825 = arith.constant 96 : index
    %get3A_826 = tpu.vector_load %arg8[%get3A_824, %get3A_825] {strides = array<i32>} : memref<16x128xi32, #tpu.memory_space<vmem>>, vector<16xi32>,
    %gather3A_827 = tpu.vector_load_idx %arg10[%get3A_826] : memref<2048xf32, #tpu.memory_space<vmem>>[vector<16xi32>], vector<16xf32>,
    %swap3A_828 = arith.constant 5 : i32
    %swap3A_829 = arith.index_cast %swap3A_828 : i32 to index
    %swap3A_830 = arith.constant 96 : index
    %swap3A_831 = tpu.vector_load %arg9[%swap3A_829, %swap3A_830] {strides = array<i32>} : memref<16x128xf32, #tpu.memory_space<vmem>>, vector<16xf32>,
    tpu.vector_store %arg9[%swap3A_829, %swap3A_830], %gather3A_827 {strides = array<i32>} : memref<16x128xf32, #tpu.memory_space<vmem>>, vector<16xf32>,
    %get3A_832 = arith.constant 5 : i32
    %get3A_833 = arith.index_cast %get3A_832 : i32 to index
    %get3A_834 = arith.constant 112 : index
    %get3A_835 = tpu.vector_load %arg8[%get3A_833, %get3A_834] {strides = array<i32>} : memref<16x128xi32, #tpu.memory_space<vmem>>, vector<16xi32>,
    %gather3A_836 = tpu.vector_load_idx %arg10[%get3A_835] : memref<2048xf32, #tpu.memory_space<vmem>>[vector<16xi32>], vector<16xf32>,
    %swap3A_837 = arith.constant 5 : i32
    %swap3A_838 = arith.index_cast %swap3A_837 : i32 to index
    %swap3A_839 = arith.constant 112 : index
    %swap3A_840 = tpu.vector_load %arg9[%swap3A_838, %swap3A_839] {strides = array<i32>} : memref<16x128xf32, #tpu.memory_space<vmem>>, vector<16xf32>,
    tpu.vector_store %arg9[%swap3A_838, %swap3A_839], %gather3A_836 {strides = array<i32>} : memref<16x128xf32, #tpu.memory_space<vmem>>, vector<16xf32>,
    %get3A_841 = arith.constant 6 : i32
    %get3A_842 = arith.index_cast %get3A_841 : i32 to index
    %get3A_843 = arith.constant 0 : index
    %get3A_844 = tpu.vector_load %arg8[%get3A_842, %get3A_843] {strides = array<i32>} : memref<16x128xi32, #tpu.memory_space<vmem>>, vector<16xi32>,
    %gather3A_845 = tpu.vector_load_idx %arg10[%get3A_844] : memref<2048xf32, #tpu.memory_space<vmem>>[vector<16xi32>], vector<16xf32>,
    %swap3A_846 = arith.constant 6 : i32
    %swap3A_847 = arith.index_cast %swap3A_846 : i32 to index
    %swap3A_848 = arith.constant 0 : index
    %swap3A_849 = tpu.vector_load %arg9[%swap3A_847, %swap3A_848] {strides = array<i32>} : memref<16x128xf32, #tpu.memory_space<vmem>>, vector<16xf32>,
    tpu.vector_store %arg9[%swap3A_847, %swap3A_848], %gather3A_845 {strides = array<i32>} : memref<16x128xf32, #tpu.memory_space<vmem>>, vector<16xf32>,
    %get3A_850 = arith.constant 6 : i32
    %get3A_851 = arith.index_cast %get3A_850 : i32 to index
    %get3A_852 = arith.constant 16 : index
    %get3A_853 = tpu.vector_load %arg8[%get3A_851, %get3A_852] {strides = array<i32>} : memref<16x128xi32, #tpu.memory_space<vmem>>, vector<16xi32>,
    %gather3A_854 = tpu.vector_load_idx %arg10[%get3A_853] : memref<2048xf32, #tpu.memory_space<vmem>>[vector<16xi32>], vector<16xf32>,
    %swap3A_855 = arith.constant 6 : i32
    %swap3A_856 = arith.index_cast %swap3A_855 : i32 to index
    %swap3A_857 = arith.constant 16 : index
    %swap3A_858 = tpu.vector_load %arg9[%swap3A_856, %swap3A_857] {strides = array<i32>} : memref<16x128xf32, #tpu.memory_space<vmem>>, vector<16xf32>,
    tpu.vector_store %arg9[%swap3A_856, %swap3A_857], %gather3A_854 {strides = array<i32>} : memref<16x128xf32, #tpu.memory_space<vmem>>, vector<16xf32>,
    %get3A_859 = arith.constant 6 : i32
    %get3A_860 = arith.index_cast %get3A_859 : i32 to index
    %get3A_861 = arith.constant 32 : index
    %get3A_862 = tpu.vector_load %arg8[%get3A_860, %get3A_861] {strides = array<i32>} : memref<16x128xi32, #tpu.memory_space<vmem>>, vector<16xi32>,
    %gather3A_863 = tpu.vector_load_idx %arg10[%get3A_862] : memref<2048xf32, #tpu.memory_space<vmem>>[vector<16xi32>], vector<16xf32>,
    %swap3A_864 = arith.constant 6 : i32
    %swap3A_865 = arith.index_cast %swap3A_864 : i32 to index
    %swap3A_866 = arith.constant 32 : index
    %swap3A_867 = tpu.vector_load %arg9[%swap3A_865, %swap3A_866] {strides = array<i32>} : memref<16x128xf32, #tpu.memory_space<vmem>>, vector<16xf32>,
    tpu.vector_store %arg9[%swap3A_865, %swap3A_866], %gather3A_863 {strides = array<i32>} : memref<16x128xf32, #tpu.memory_space<vmem>>, vector<16xf32>,
    %get3A_868 = arith.constant 6 : i32
    %get3A_869 = arith.index_cast %get3A_868 : i32 to index
    %get3A_870 = arith.constant 48 : index
    %get3A_871 = tpu.vector_load %arg8[%get3A_869, %get3A_870] {strides = array<i32>} : memref<16x128xi32, #tpu.memory_space<vmem>>, vector<16xi32>,
    %gather3A_872 = tpu.vector_load_idx %arg10[%get3A_871] : memref<2048xf32, #tpu.memory_space<vmem>>[vector<16xi32>], vector<16xf32>,
    %swap3A_873 = arith.constant 6 : i32
    %swap3A_874 = arith.index_cast %swap3A_873 : i32 to index
    %swap3A_875 = arith.constant 48 : index
    %swap3A_876 = tpu.vector_load %arg9[%swap3A_874, %swap3A_875] {strides = array<i32>} : memref<16x128xf32, #tpu.memory_space<vmem>>, vector<16xf32>,
    tpu.vector_store %arg9[%swap3A_874, %swap3A_875], %gather3A_872 {strides = array<i32>} : memref<16x128xf32, #tpu.memory_space<vmem>>, vector<16xf32>,
    %get3A_877 = arith.constant 6 : i32
    %get3A_878 = arith.index_cast %get3A_877 : i32 to index
    %get3A_879 = arith.constant 64 : index
    %get3A_880 = tpu.vector_load %arg8[%get3A_878, %get3A_879] {strides = array<i32>} : memref<16x128xi32, #tpu.memory_space<vmem>>, vector<16xi32>,
    %gather3A_881 = tpu.vector_load_idx %arg10[%get3A_880] : memref<2048xf32, #tpu.memory_space<vmem>>[vector<16xi32>], vector<16xf32>,
    %swap3A_882 = arith.constant 6 : i32
    %swap3A_883 = arith.index_cast %swap3A_882 : i32 to index
    %swap3A_884 = arith.constant 64 : index
    %swap3A_885 = tpu.vector_load %arg9[%swap3A_883, %swap3A_884] {strides = array<i32>} : memref<16x128xf32, #tpu.memory_space<vmem>>, vector<16xf32>,
    tpu.vector_store %arg9[%swap3A_883, %swap3A_884], %gather3A_881 {strides = array<i32>} : memref<16x128xf32, #tpu.memory_space<vmem>>, vector<16xf32>,
    %get3A_886 = arith.constant 6 : i32
    %get3A_887 = arith.index_cast %get3A_886 : i32 to index
    %get3A_888 = arith.constant 80 : index
    %get3A_889 = tpu.vector_load %arg8[%get3A_887, %get3A_888] {strides = array<i32>} : memref<16x128xi32, #tpu.memory_space<vmem>>, vector<16xi32>,
    %gather3A_890 = tpu.vector_load_idx %arg10[%get3A_889] : memref<2048xf32, #tpu.memory_space<vmem>>[vector<16xi32>], vector<16xf32>,
    %swap3A_891 = arith.constant 6 : i32
    %swap3A_892 = arith.index_cast %swap3A_891 : i32 to index
    %swap3A_893 = arith.constant 80 : index
    %swap3A_894 = tpu.vector_load %arg9[%swap3A_892, %swap3A_893] {strides = array<i32>} : memref<16x128xf32, #tpu.memory_space<vmem>>, vector<16xf32>,
    tpu.vector_store %arg9[%swap3A_892, %swap3A_893], %gather3A_890 {strides = array<i32>} : memref<16x128xf32, #tpu.memory_space<vmem>>, vector<16xf32>,
    %get3A_895 = arith.constant 6 : i32
    %get3A_896 = arith.index_cast %get3A_895 : i32 to index
    %get3A_897 = arith.constant 96 : index
    %get3A_898 = tpu.vector_load %arg8[%get3A_896, %get3A_897] {strides = array<i32>} : memref<16x128xi32, #tpu.memory_space<vmem>>, vector<16xi32>,
    %gather3A_899 = tpu.vector_load_idx %arg10[%get3A_898] : memref<2048xf32, #tpu.memory_space<vmem>>[vector<16xi32>], vector<16xf32>,
    %swap3A_900 = arith.constant 6 : i32
    %swap3A_901 = arith.index_cast %swap3A_900 : i32 to index
    %swap3A_902 = arith.constant 96 : index
    %swap3A_903 = tpu.vector_load %arg9[%swap3A_901, %swap3A_902] {strides = array<i32>} : memref<16x128xf32, #tpu.memory_space<vmem>>, vector<16xf32>,
    tpu.vector_store %arg9[%swap3A_901, %swap3A_902], %gather3A_899 {strides = array<i32>} : memref<16x128xf32, #tpu.memory_space<vmem>>, vector<16xf32>,
    %get3A_904 = arith.constant 6 : i32
    %get3A_905 = arith.index_cast %get3A_904 : i32 to index
    %get3A_906 = arith.constant 112 : index
    %get3A_907 = tpu.vector_load %arg8[%get3A_905, %get3A_906] {strides = array<i32>} : memref<16x128xi32, #tpu.memory_space<vmem>>, vector<16xi32>,
    %gather3A_908 = tpu.vector_load_idx %arg10[%get3A_907] : memref<2048xf32, #tpu.memory_space<vmem>>[vector<16xi32>], vector<16xf32>,
    %swap3A_909 = arith.constant 6 : i32
    %swap3A_910 = arith.index_cast %swap3A_909 : i32 to index
    %swap3A_911 = arith.constant 112 : index
    %swap3A_912 = tpu.vector_load %arg9[%swap3A_910, %swap3A_911] {strides = array<i32>} : memref<16x128xf32, #tpu.memory_space<vmem>>, vector<16xf32>,
    tpu.vector_store %arg9[%swap3A_910, %swap3A_911], %gather3A_908 {strides = array<i32>} : memref<16x128xf32, #tpu.memory_space<vmem>>, vector<16xf32>,
    %get3A_913 = arith.constant 7 : i32
    %get3A_914 = arith.index_cast %get3A_913 : i32 to index
    %get3A_915 = arith.constant 0 : index
    %get3A_916 = tpu.vector_load %arg8[%get3A_914, %get3A_915] {strides = array<i32>} : memref<16x128xi32, #tpu.memory_space<vmem>>, vector<16xi32>,
    %gather3A_917 = tpu.vector_load_idx %arg10[%get3A_916] : memref<2048xf32, #tpu.memory_space<vmem>>[vector<16xi32>], vector<16xf32>,
    %swap3A_918 = arith.constant 7 : i32
    %swap3A_919 = arith.index_cast %swap3A_918 : i32 to index
    %swap3A_920 = arith.constant 0 : index
    %swap3A_921 = tpu.vector_load %arg9[%swap3A_919, %swap3A_920] {strides = array<i32>} : memref<16x128xf32, #tpu.memory_space<vmem>>, vector<16xf32>,
    tpu.vector_store %arg9[%swap3A_919, %swap3A_920], %gather3A_917 {strides = array<i32>} : memref<16x128xf32, #tpu.memory_space<vmem>>, vector<16xf32>,
    %get3A_922 = arith.constant 7 : i32
    %get3A_923 = arith.index_cast %get3A_922 : i32 to index
    %get3A_924 = arith.constant 16 : index
    %get3A_925 = tpu.vector_load %arg8[%get3A_923, %get3A_924] {strides = array<i32>} : memref<16x128xi32, #tpu.memory_space<vmem>>, vector<16xi32>,
    %gather3A_926 = tpu.vector_load_idx %arg10[%get3A_925] : memref<2048xf32, #tpu.memory_space<vmem>>[vector<16xi32>], vector<16xf32>,
    %swap3A_927 = arith.constant 7 : i32
    %swap3A_928 = arith.index_cast %swap3A_927 : i32 to index
    %swap3A_929 = arith.constant 16 : index
    %swap3A_930 = tpu.vector_load %arg9[%swap3A_928, %swap3A_929] {strides = array<i32>} : memref<16x128xf32, #tpu.memory_space<vmem>>, vector<16xf32>,
    tpu.vector_store %arg9[%swap3A_928, %swap3A_929], %gather3A_926 {strides = array<i32>} : memref<16x128xf32, #tpu.memory_space<vmem>>, vector<16xf32>,
    %get3A_931 = arith.constant 7 : i32
    %get3A_932 = arith.index_cast %get3A_931 : i32 to index
    %get3A_933 = arith.constant 32 : index
    %get3A_934 = tpu.vector_load %arg8[%get3A_932, %get3A_933] {strides = array<i32>} : memref<16x128xi32, #tpu.memory_space<vmem>>, vector<16xi32>,
    %gather3A_935 = tpu.vector_load_idx %arg10[%get3A_934] : memref<2048xf32, #tpu.memory_space<vmem>>[vector<16xi32>], vector<16xf32>,
    %swap3A_936 = arith.constant 7 : i32
    %swap3A_937 = arith.index_cast %swap3A_936 : i32 to index
    %swap3A_938 = arith.constant 32 : index
    %swap3A_939 = tpu.vector_load %arg9[%swap3A_937, %swap3A_938] {strides = array<i32>} : memref<16x128xf32, #tpu.memory_space<vmem>>, vector<16xf32>,
    tpu.vector_store %arg9[%swap3A_937, %swap3A_938], %gather3A_935 {strides = array<i32>} : memref<16x128xf32, #tpu.memory_space<vmem>>, vector<16xf32>,
    %get3A_940 = arith.constant 7 : i32
    %get3A_941 = arith.index_cast %get3A_940 : i32 to index
    %get3A_942 = arith.constant 48 : index
    %get3A_943 = tpu.vector_load %arg8[%get3A_941, %get3A_942] {strides = array<i32>} : memref<16x128xi32, #tpu.memory_space<vmem>>, vector<16xi32>,
    %gather3A_944 = tpu.vector_load_idx %arg10[%get3A_943] : memref<2048xf32, #tpu.memory_space<vmem>>[vector<16xi32>], vector<16xf32>,
    %swap3A_945 = arith.constant 7 : i32
    %swap3A_946 = arith.index_cast %swap3A_945 : i32 to index
    %swap3A_947 = arith.constant 48 : index
    %swap3A_948 = tpu.vector_load %arg9[%swap3A_946, %swap3A_947] {strides = array<i32>} : memref<16x128xf32, #tpu.memory_space<vmem>>, vector<16xf32>,
    tpu.vector_store %arg9[%swap3A_946, %swap3A_947], %gather3A_944 {strides = array<i32>} : memref<16x128xf32, #tpu.memory_space<vmem>>, vector<16xf32>,
    %get3A_949 = arith.constant 7 : i32
    %get3A_950 = arith.index_cast %get3A_949 : i32 to index
    %get3A_951 = arith.constant 64 : index
    %get3A_952 = tpu.vector_load %arg8[%get3A_950, %get3A_951] {strides = array<i32>} : memref<16x128xi32, #tpu.memory_space<vmem>>, vector<16xi32>,
    %gather3A_953 = tpu.vector_load_idx %arg10[%get3A_952] : memref<2048xf32, #tpu.memory_space<vmem>>[vector<16xi32>], vector<16xf32>,
    %swap3A_954 = arith.constant 7 : i32
    %swap3A_955 = arith.index_cast %swap3A_954 : i32 to index
    %swap3A_956 = arith.constant 64 : index
    %swap3A_957 = tpu.vector_load %arg9[%swap3A_955, %swap3A_956] {strides = array<i32>} : memref<16x128xf32, #tpu.memory_space<vmem>>, vector<16xf32>,
    tpu.vector_store %arg9[%swap3A_955, %swap3A_956], %gather3A_953 {strides = array<i32>} : memref<16x128xf32, #tpu.memory_space<vmem>>, vector<16xf32>,
    %get3A_958 = arith.constant 7 : i32
    %get3A_959 = arith.index_cast %get3A_958 : i32 to index
    %get3A_960 = arith.constant 80 : index
    %get3A_961 = tpu.vector_load %arg8[%get3A_959, %get3A_960] {strides = array<i32>} : memref<16x128xi32, #tpu.memory_space<vmem>>, vector<16xi32>,
    %gather3A_962 = tpu.vector_load_idx %arg10[%get3A_961] : memref<2048xf32, #tpu.memory_space<vmem>>[vector<16xi32>], vector<16xf32>,
    %swap3A_963 = arith.constant 7 : i32
    %swap3A_964 = arith.index_cast %swap3A_963 : i32 to index
    %swap3A_965 = arith.constant 80 : index
    %swap3A_966 = tpu.vector_load %arg9[%swap3A_964, %swap3A_965] {strides = array<i32>} : memref<16x128xf32, #tpu.memory_space<vmem>>, vector<16xf32>,
    tpu.vector_store %arg9[%swap3A_964, %swap3A_965], %gather3A_962 {strides = array<i32>} : memref<16x128xf32, #tpu.memory_space<vmem>>, vector<16xf32>,
    %get3A_967 = arith.constant 7 : i32
    %get3A_968 = arith.index_cast %get3A_967 : i32 to index
    %get3A_969 = arith.constant 96 : index
    %get3A_970 = tpu.vector_load %arg8[%get3A_968, %get3A_969] {strides = array<i32>} : memref<16x128xi32, #tpu.memory_space<vmem>>, vector<16xi32>,
    %gather3A_971 = tpu.vector_load_idx %arg10[%get3A_970] : memref<2048xf32, #tpu.memory_space<vmem>>[vector<16xi32>], vector<16xf32>,
    %swap3A_972 = arith.constant 7 : i32
    %swap3A_973 = arith.index_cast %swap3A_972 : i32 to index
    %swap3A_974 = arith.constant 96 : index
    %swap3A_975 = tpu.vector_load %arg9[%swap3A_973, %swap3A_974] {strides = array<i32>} : memref<16x128xf32, #tpu.memory_space<vmem>>, vector<16xf32>,
    tpu.vector_store %arg9[%swap3A_973, %swap3A_974], %gather3A_971 {strides = array<i32>} : memref<16x128xf32, #tpu.memory_space<vmem>>, vector<16xf32>,
    %get3A_976 = arith.constant 7 : i32
    %get3A_977 = arith.index_cast %get3A_976 : i32 to index
    %get3A_978 = arith.constant 112 : index
    %get3A_979 = tpu.vector_load %arg8[%get3A_977, %get3A_978] {strides = array<i32>} : memref<16x128xi32, #tpu.memory_space<vmem>>, vector<16xi32>,
    %gather3A_980 = tpu.vector_load_idx %arg10[%get3A_979] : memref<2048xf32, #tpu.memory_space<vmem>>[vector<16xi32>], vector<16xf32>,
    %swap3A_981 = arith.constant 7 : i32
    %swap3A_982 = arith.index_cast %swap3A_981 : i32 to index
    %swap3A_983 = arith.constant 112 : index
    %swap3A_984 = tpu.vector_load %arg9[%swap3A_982, %swap3A_983] {strides = array<i32>} : memref<16x128xf32, #tpu.memory_space<vmem>>, vector<16xf32>,
    tpu.vector_store %arg9[%swap3A_982, %swap3A_983], %gather3A_980 {strides = array<i32>} : memref<16x128xf32, #tpu.memory_space<vmem>>, vector<16xf32>,
    %get3A_985 = arith.constant 8 : i32
    %get3A_986 = arith.index_cast %get3A_985 : i32 to index
    %get3A_987 = arith.constant 0 : index
    %get3A_988 = tpu.vector_load %arg8[%get3A_986, %get3A_987] {strides = array<i32>} : memref<16x128xi32, #tpu.memory_space<vmem>>, vector<16xi32>,
    %gather3A_989 = tpu.vector_load_idx %arg10[%get3A_988] : memref<2048xf32, #tpu.memory_space<vmem>>[vector<16xi32>], vector<16xf32>,
    %swap3A_990 = arith.constant 8 : i32
    %swap3A_991 = arith.index_cast %swap3A_990 : i32 to index
    %swap3A_992 = arith.constant 0 : index
    %swap3A_993 = tpu.vector_load %arg9[%swap3A_991, %swap3A_992] {strides = array<i32>} : memref<16x128xf32, #tpu.memory_space<vmem>>, vector<16xf32>,
    tpu.vector_store %arg9[%swap3A_991, %swap3A_992], %gather3A_989 {strides = array<i32>} : memref<16x128xf32, #tpu.memory_space<vmem>>, vector<16xf32>,
    %get3A_994 = arith.constant 8 : i32
    %get3A_995 = arith.index_cast %get3A_994 : i32 to index
    %get3A_996 = arith.constant 16 : index
    %get3A_997 = tpu.vector_load %arg8[%get3A_995, %get3A_996] {strides = array<i32>} : memref<16x128xi32, #tpu.memory_space<vmem>>, vector<16xi32>,
    %gather3A_998 = tpu.vector_load_idx %arg10[%get3A_997] : memref<2048xf32, #tpu.memory_space<vmem>>[vector<16xi32>], vector<16xf32>,
    %swap3A_999 = arith.constant 8 : i32
    %swap3A_1000 = arith.index_cast %swap3A_999 : i32 to index
    %swap3A_1001 = arith.constant 16 : index
    %swap3A_1002 = tpu.vector_load %arg9[%swap3A_1000, %swap3A_1001] {strides = array<i32>} : memref<16x128xf32, #tpu.memory_space<vmem>>, vector<16xf32>,
    tpu.vector_store %arg9[%swap3A_1000, %swap3A_1001], %gather3A_998 {strides = array<i32>} : memref<16x128xf32, #tpu.memory_space<vmem>>, vector<16xf32>,
    %get3A_1003 = arith.constant 8 : i32
    %get3A_1004 = arith.index_cast %get3A_1003 : i32 to index
    %get3A_1005 = arith.constant 32 : index
    %get3A_1006 = tpu.vector_load %arg8[%get3A_1004, %get3A_1005] {strides = array<i32>} : memref<16x128xi32, #tpu.memory_space<vmem>>, vector<16xi32>,
    %gather3A_1007 = tpu.vector_load_idx %arg10[%get3A_1006] : memref<2048xf32, #tpu.memory_space<vmem>>[vector<16xi32>], vector<16xf32>,
    %swap3A_1008 = arith.constant 8 : i32
    %swap3A_1009 = arith.index_cast %swap3A_1008 : i32 to index
    %swap3A_1010 = arith.constant 32 : index
    %swap3A_1011 = tpu.vector_load %arg9[%swap3A_1009, %swap3A_1010] {strides = array<i32>} : memref<16x128xf32, #tpu.memory_space<vmem>>, vector<16xf32>,
    tpu.vector_store %arg9[%swap3A_1009, %swap3A_1010], %gather3A_1007 {strides = array<i32>} : memref<16x128xf32, #tpu.memory_space<vmem>>, vector<16xf32>,
    %get3A_1012 = arith.constant 8 : i32
    %get3A_1013 = arith.index_cast %get3A_1012 : i32 to index
    %get3A_1014 = arith.constant 48 : index
    %get3A_1015 = tpu.vector_load %arg8[%get3A_1013, %get3A_1014] {strides = array<i32>} : memref<16x128xi32, #tpu.memory_space<vmem>>, vector<16xi32>,
    %gather3A_1016 = tpu.vector_load_idx %arg10[%get3A_1015] : memref<2048xf32, #tpu.memory_space<vmem>>[vector<16xi32>], vector<16xf32>,
    %swap3A_1017 = arith.constant 8 : i32
    %swap3A_1018 = arith.index_cast %swap3A_1017 : i32 to index
    %swap3A_1019 = arith.constant 48 : index
    %swap3A_1020 = tpu.vector_load %arg9[%swap3A_1018, %swap3A_1019] {strides = array<i32>} : memref<16x128xf32, #tpu.memory_space<vmem>>, vector<16xf32>,
    tpu.vector_store %arg9[%swap3A_1018, %swap3A_1019], %gather3A_1016 {strides = array<i32>} : memref<16x128xf32, #tpu.memory_space<vmem>>, vector<16xf32>,
    %get3A_1021 = arith.constant 8 : i32
    %get3A_1022 = arith.index_cast %get3A_1021 : i32 to index
    %get3A_1023 = arith.constant 64 : index
    %get3A_1024 = tpu.vector_load %arg8[%get3A_1022, %get3A_1023] {strides = array<i32>} : memref<16x128xi32, #tpu.memory_space<vmem>>, vector<16xi32>,
    %gather3A_1025 = tpu.vector_load_idx %arg10[%get3A_1024] : memref<2048xf32, #tpu.memory_space<vmem>>[vector<16xi32>], vector<16xf32>,
    %swap3A_1026 = arith.constant 8 : i32
    %swap3A_1027 = arith.index_cast %swap3A_1026 : i32 to index
    %swap3A_1028 = arith.constant 64 : index
    %swap3A_1029 = tpu.vector_load %arg9[%swap3A_1027, %swap3A_1028] {strides = array<i32>} : memref<16x128xf32, #tpu.memory_space<vmem>>, vector<16xf32>,
    tpu.vector_store %arg9[%swap3A_1027, %swap3A_1028], %gather3A_1025 {strides = array<i32>} : memref<16x128xf32, #tpu.memory_space<vmem>>, vector<16xf32>,
    %get3A_1030 = arith.constant 8 : i32
    %get3A_1031 = arith.index_cast %get3A_1030 : i32 to index
    %get3A_1032 = arith.constant 80 : index
    %get3A_1033 = tpu.vector_load %arg8[%get3A_1031, %get3A_1032] {strides = array<i32>} : memref<16x128xi32, #tpu.memory_space<vmem>>, vector<16xi32>,
    %gather3A_1034 = tpu.vector_load_idx %arg10[%get3A_1033] : memref<2048xf32, #tpu.memory_space<vmem>>[vector<16xi32>], vector<16xf32>,
    %swap3A_1035 = arith.constant 8 : i32
    %swap3A_1036 = arith.index_cast %swap3A_1035 : i32 to index
    %swap3A_1037 = arith.constant 80 : index
    %swap3A_1038 = tpu.vector_load %arg9[%swap3A_1036, %swap3A_1037] {strides = array<i32>} : memref<16x128xf32, #tpu.memory_space<vmem>>, vector<16xf32>,
    tpu.vector_store %arg9[%swap3A_1036, %swap3A_1037], %gather3A_1034 {strides = array<i32>} : memref<16x128xf32, #tpu.memory_space<vmem>>, vector<16xf32>,
    %get3A_1039 = arith.constant 8 : i32
    %get3A_1040 = arith.index_cast %get3A_1039 : i32 to index
    %get3A_1041 = arith.constant 96 : index
    %get3A_1042 = tpu.vector_load %arg8[%get3A_1040, %get3A_1041] {strides = array<i32>} : memref<16x128xi32, #tpu.memory_space<vmem>>, vector<16xi32>,
    %gather3A_1043 = tpu.vector_load_idx %arg10[%get3A_1042] : memref<2048xf32, #tpu.memory_space<vmem>>[vector<16xi32>], vector<16xf32>,
    %swap3A_1044 = arith.constant 8 : i32
    %swap3A_1045 = arith.index_cast %swap3A_1044 : i32 to index
    %swap3A_1046 = arith.constant 96 : index
    %swap3A_1047 = tpu.vector_load %arg9[%swap3A_1045, %swap3A_1046] {strides = array<i32>} : memref<16x128xf32, #tpu.memory_space<vmem>>, vector<16xf32>,
    tpu.vector_store %arg9[%swap3A_1045, %swap3A_1046], %gather3A_1043 {strides = array<i32>} : memref<16x128xf32, #tpu.memory_space<vmem>>, vector<16xf32>,
    %get3A_1048 = arith.constant 8 : i32
    %get3A_1049 = arith.index_cast %get3A_1048 : i32 to index
    %get3A_1050 = arith.constant 112 : index
    %get3A_1051 = tpu.vector_load %arg8[%get3A_1049, %get3A_1050] {strides = array<i32>} : memref<16x128xi32, #tpu.memory_space<vmem>>, vector<16xi32>,
    %gather3A_1052 = tpu.vector_load_idx %arg10[%get3A_1051] : memref<2048xf32, #tpu.memory_space<vmem>>[vector<16xi32>], vector<16xf32>,
    %swap3A_1053 = arith.constant 8 : i32
    %swap3A_1054 = arith.index_cast %swap3A_1053 : i32 to index
    %swap3A_1055 = arith.constant 112 : index
    %swap3A_1056 = tpu.vector_load %arg9[%swap3A_1054, %swap3A_1055] {strides = array<i32>} : memref<16x128xf32, #tpu.memory_space<vmem>>, vector<16xf32>,
    tpu.vector_store %arg9[%swap3A_1054, %swap3A_1055], %gather3A_1052 {strides = array<i32>} : memref<16x128xf32, #tpu.memory_space<vmem>>, vector<16xf32>,
    %get3A_1057 = arith.constant 9 : i32
    %get3A_1058 = arith.index_cast %get3A_1057 : i32 to index
    %get3A_1059 = arith.constant 0 : index
    %get3A_1060 = tpu.vector_load %arg8[%get3A_1058, %get3A_1059] {strides = array<i32>} : memref<16x128xi32, #tpu.memory_space<vmem>>, vector<16xi32>,
    %gather3A_1061 = tpu.vector_load_idx %arg10[%get3A_1060] : memref<2048xf32, #tpu.memory_space<vmem>>[vector<16xi32>], vector<16xf32>,
    %swap3A_1062 = arith.constant 9 : i32
    %swap3A_1063 = arith.index_cast %swap3A_1062 : i32 to index
    %swap3A_1064 = arith.constant 0 : index
    %swap3A_1065 = tpu.vector_load %arg9[%swap3A_1063, %swap3A_1064] {strides = array<i32>} : memref<16x128xf32, #tpu.memory_space<vmem>>, vector<16xf32>,
    tpu.vector_store %arg9[%swap3A_1063, %swap3A_1064], %gather3A_1061 {strides = array<i32>} : memref<16x128xf32, #tpu.memory_space<vmem>>, vector<16xf32>,
    %get3A_1066 = arith.constant 9 : i32
    %get3A_1067 = arith.index_cast %get3A_1066 : i32 to index
    %get3A_1068 = arith.constant 16 : index
    %get3A_1069 = tpu.vector_load %arg8[%get3A_1067, %get3A_1068] {strides = array<i32>} : memref<16x128xi32, #tpu.memory_space<vmem>>, vector<16xi32>,
    %gather3A_1070 = tpu.vector_load_idx %arg10[%get3A_1069] : memref<2048xf32, #tpu.memory_space<vmem>>[vector<16xi32>], vector<16xf32>,
    %swap3A_1071 = arith.constant 9 : i32
    %swap3A_1072 = arith.index_cast %swap3A_1071 : i32 to index
    %swap3A_1073 = arith.constant 16 : index
    %swap3A_1074 = tpu.vector_load %arg9[%swap3A_1072, %swap3A_1073] {strides = array<i32>} : memref<16x128xf32, #tpu.memory_space<vmem>>, vector<16xf32>,
    tpu.vector_store %arg9[%swap3A_1072, %swap3A_1073], %gather3A_1070 {strides = array<i32>} : memref<16x128xf32, #tpu.memory_space<vmem>>, vector<16xf32>,
    %get3A_1075 = arith.constant 9 : i32
    %get3A_1076 = arith.index_cast %get3A_1075 : i32 to index
    %get3A_1077 = arith.constant 32 : index
    %get3A_1078 = tpu.vector_load %arg8[%get3A_1076, %get3A_1077] {strides = array<i32>} : memref<16x128xi32, #tpu.memory_space<vmem>>, vector<16xi32>,
    %gather3A_1079 = tpu.vector_load_idx %arg10[%get3A_1078] : memref<2048xf32, #tpu.memory_space<vmem>>[vector<16xi32>], vector<16xf32>,
    %swap3A_1080 = arith.constant 9 : i32
    %swap3A_1081 = arith.index_cast %swap3A_1080 : i32 to index
    %swap3A_1082 = arith.constant 32 : index
    %swap3A_1083 = tpu.vector_load %arg9[%swap3A_1081, %swap3A_1082] {strides = array<i32>} : memref<16x128xf32, #tpu.memory_space<vmem>>, vector<16xf32>,
    tpu.vector_store %arg9[%swap3A_1081, %swap3A_1082], %gather3A_1079 {strides = array<i32>} : memref<16x128xf32, #tpu.memory_space<vmem>>, vector<16xf32>,
    %get3A_1084 = arith.constant 9 : i32
    %get3A_1085 = arith.index_cast %get3A_1084 : i32 to index
    %get3A_1086 = arith.constant 48 : index
    %get3A_1087 = tpu.vector_load %arg8[%get3A_1085, %get3A_1086] {strides = array<i32>} : memref<16x128xi32, #tpu.memory_space<vmem>>, vector<16xi32>,
    %gather3A_1088 = tpu.vector_load_idx %arg10[%get3A_1087] : memref<2048xf32, #tpu.memory_space<vmem>>[vector<16xi32>], vector<16xf32>,
    %swap3A_1089 = arith.constant 9 : i32
    %swap3A_1090 = arith.index_cast %swap3A_1089 : i32 to index
    %swap3A_1091 = arith.constant 48 : index
    %swap3A_1092 = tpu.vector_load %arg9[%swap3A_1090, %swap3A_1091] {strides = array<i32>} : memref<16x128xf32, #tpu.memory_space<vmem>>, vector<16xf32>,
    tpu.vector_store %arg9[%swap3A_1090, %swap3A_1091], %gather3A_1088 {strides = array<i32>} : memref<16x128xf32, #tpu.memory_space<vmem>>, vector<16xf32>,
    %get3A_1093 = arith.constant 9 : i32
    %get3A_1094 = arith.index_cast %get3A_1093 : i32 to index
    %get3A_1095 = arith.constant 64 : index
    %get3A_1096 = tpu.vector_load %arg8[%get3A_1094, %get3A_1095] {strides = array<i32>} : memref<16x128xi32, #tpu.memory_space<vmem>>, vector<16xi32>,
    %gather3A_1097 = tpu.vector_load_idx %arg10[%get3A_1096] : memref<2048xf32, #tpu.memory_space<vmem>>[vector<16xi32>], vector<16xf32>,
    %swap3A_1098 = arith.constant 9 : i32
    %swap3A_1099 = arith.index_cast %swap3A_1098 : i32 to index
    %swap3A_1100 = arith.constant 64 : index
    %swap3A_1101 = tpu.vector_load %arg9[%swap3A_1099, %swap3A_1100] {strides = array<i32>} : memref<16x128xf32, #tpu.memory_space<vmem>>, vector<16xf32>,
    tpu.vector_store %arg9[%swap3A_1099, %swap3A_1100], %gather3A_1097 {strides = array<i32>} : memref<16x128xf32, #tpu.memory_space<vmem>>, vector<16xf32>,
    %get3A_1102 = arith.constant 9 : i32
    %get3A_1103 = arith.index_cast %get3A_1102 : i32 to index
    %get3A_1104 = arith.constant 80 : index
    %get3A_1105 = tpu.vector_load %arg8[%get3A_1103, %get3A_1104] {strides = array<i32>} : memref<16x128xi32, #tpu.memory_space<vmem>>, vector<16xi32>,
    %gather3A_1106 = tpu.vector_load_idx %arg10[%get3A_1105] : memref<2048xf32, #tpu.memory_space<vmem>>[vector<16xi32>], vector<16xf32>,
    %swap3A_1107 = arith.constant 9 : i32
    %swap3A_1108 = arith.index_cast %swap3A_1107 : i32 to index
    %swap3A_1109 = arith.constant 80 : index
    %swap3A_1110 = tpu.vector_load %arg9[%swap3A_1108, %swap3A_1109] {strides = array<i32>} : memref<16x128xf32, #tpu.memory_space<vmem>>, vector<16xf32>,
    tpu.vector_store %arg9[%swap3A_1108, %swap3A_1109], %gather3A_1106 {strides = array<i32>} : memref<16x128xf32, #tpu.memory_space<vmem>>, vector<16xf32>,
    %get3A_1111 = arith.constant 9 : i32
    %get3A_1112 = arith.index_cast %get3A_1111 : i32 to index
    %get3A_1113 = arith.constant 96 : index
    %get3A_1114 = tpu.vector_load %arg8[%get3A_1112, %get3A_1113] {strides = array<i32>} : memref<16x128xi32, #tpu.memory_space<vmem>>, vector<16xi32>,
    %gather3A_1115 = tpu.vector_load_idx %arg10[%get3A_1114] : memref<2048xf32, #tpu.memory_space<vmem>>[vector<16xi32>], vector<16xf32>,
    %swap3A_1116 = arith.constant 9 : i32
    %swap3A_1117 = arith.index_cast %swap3A_1116 : i32 to index
    %swap3A_1118 = arith.constant 96 : index
    %swap3A_1119 = tpu.vector_load %arg9[%swap3A_1117, %swap3A_1118] {strides = array<i32>} : memref<16x128xf32, #tpu.memory_space<vmem>>, vector<16xf32>,
    tpu.vector_store %arg9[%swap3A_1117, %swap3A_1118], %gather3A_1115 {strides = array<i32>} : memref<16x128xf32, #tpu.memory_space<vmem>>, vector<16xf32>,
    %get3A_1120 = arith.constant 9 : i32
    %get3A_1121 = arith.index_cast %get3A_1120 : i32 to index
    %get3A_1122 = arith.constant 112 : index
    %get3A_1123 = tpu.vector_load %arg8[%get3A_1121, %get3A_1122] {strides = array<i32>} : memref<16x128xi32, #tpu.memory_space<vmem>>, vector<16xi32>,
    %gather3A_1124 = tpu.vector_load_idx %arg10[%get3A_1123] : memref<2048xf32, #tpu.memory_space<vmem>>[vector<16xi32>], vector<16xf32>,
    %swap3A_1125 = arith.constant 9 : i32
    %swap3A_1126 = arith.index_cast %swap3A_1125 : i32 to index
    %swap3A_1127 = arith.constant 112 : index
    %swap3A_1128 = tpu.vector_load %arg9[%swap3A_1126, %swap3A_1127] {strides = array<i32>} : memref<16x128xf32, #tpu.memory_space<vmem>>, vector<16xf32>,
    tpu.vector_store %arg9[%swap3A_1126, %swap3A_1127], %gather3A_1124 {strides = array<i32>} : memref<16x128xf32, #tpu.memory_space<vmem>>, vector<16xf32>,
    %get3A_1129 = arith.constant 10 : i32
    %get3A_1130 = arith.index_cast %get3A_1129 : i32 to index
    %get3A_1131 = arith.constant 0 : index
    %get3A_1132 = tpu.vector_load %arg8[%get3A_1130, %get3A_1131] {strides = array<i32>} : memref<16x128xi32, #tpu.memory_space<vmem>>, vector<16xi32>,
    %gather3A_1133 = tpu.vector_load_idx %arg10[%get3A_1132] : memref<2048xf32, #tpu.memory_space<vmem>>[vector<16xi32>], vector<16xf32>,
    %swap3A_1134 = arith.constant 10 : i32
    %swap3A_1135 = arith.index_cast %swap3A_1134 : i32 to index
    %swap3A_1136 = arith.constant 0 : index
    %swap3A_1137 = tpu.vector_load %arg9[%swap3A_1135, %swap3A_1136] {strides = array<i32>} : memref<16x128xf32, #tpu.memory_space<vmem>>, vector<16xf32>,
    tpu.vector_store %arg9[%swap3A_1135, %swap3A_1136], %gather3A_1133 {strides = array<i32>} : memref<16x128xf32, #tpu.memory_space<vmem>>, vector<16xf32>,
    %get3A_1138 = arith.constant 10 : i32
    %get3A_1139 = arith.index_cast %get3A_1138 : i32 to index
    %get3A_1140 = arith.constant 16 : index
    %get3A_1141 = tpu.vector_load %arg8[%get3A_1139, %get3A_1140] {strides = array<i32>} : memref<16x128xi32, #tpu.memory_space<vmem>>, vector<16xi32>,
    %gather3A_1142 = tpu.vector_load_idx %arg10[%get3A_1141] : memref<2048xf32, #tpu.memory_space<vmem>>[vector<16xi32>], vector<16xf32>,
    %swap3A_1143 = arith.constant 10 : i32
    %swap3A_1144 = arith.index_cast %swap3A_1143 : i32 to index
    %swap3A_1145 = arith.constant 16 : index
    %swap3A_1146 = tpu.vector_load %arg9[%swap3A_1144, %swap3A_1145] {strides = array<i32>} : memref<16x128xf32, #tpu.memory_space<vmem>>, vector<16xf32>,
    tpu.vector_store %arg9[%swap3A_1144, %swap3A_1145], %gather3A_1142 {strides = array<i32>} : memref<16x128xf32, #tpu.memory_space<vmem>>, vector<16xf32>,
    %get3A_1147 = arith.constant 10 : i32
    %get3A_1148 = arith.index_cast %get3A_1147 : i32 to index
    %get3A_1149 = arith.constant 32 : index
    %get3A_1150 = tpu.vector_load %arg8[%get3A_1148, %get3A_1149] {strides = array<i32>} : memref<16x128xi32, #tpu.memory_space<vmem>>, vector<16xi32>,
    %gather3A_1151 = tpu.vector_load_idx %arg10[%get3A_1150] : memref<2048xf32, #tpu.memory_space<vmem>>[vector<16xi32>], vector<16xf32>,
    %swap3A_1152 = arith.constant 10 : i32
    %swap3A_1153 = arith.index_cast %swap3A_1152 : i32 to index
    %swap3A_1154 = arith.constant 32 : index
    %swap3A_1155 = tpu.vector_load %arg9[%swap3A_1153, %swap3A_1154] {strides = array<i32>} : memref<16x128xf32, #tpu.memory_space<vmem>>, vector<16xf32>,
    tpu.vector_store %arg9[%swap3A_1153, %swap3A_1154], %gather3A_1151 {strides = array<i32>} : memref<16x128xf32, #tpu.memory_space<vmem>>, vector<16xf32>,
    %get3A_1156 = arith.constant 10 : i32
    %get3A_1157 = arith.index_cast %get3A_1156 : i32 to index
    %get3A_1158 = arith.constant 48 : index
    %get3A_1159 = tpu.vector_load %arg8[%get3A_1157, %get3A_1158] {strides = array<i32>} : memref<16x128xi32, #tpu.memory_space<vmem>>, vector<16xi32>,
    %gather3A_1160 = tpu.vector_load_idx %arg10[%get3A_1159] : memref<2048xf32, #tpu.memory_space<vmem>>[vector<16xi32>], vector<16xf32>,
    %swap3A_1161 = arith.constant 10 : i32
    %swap3A_1162 = arith.index_cast %swap3A_1161 : i32 to index
    %swap3A_1163 = arith.constant 48 : index
    %swap3A_1164 = tpu.vector_load %arg9[%swap3A_1162, %swap3A_1163] {strides = array<i32>} : memref<16x128xf32, #tpu.memory_space<vmem>>, vector<16xf32>,
    tpu.vector_store %arg9[%swap3A_1162, %swap3A_1163], %gather3A_1160 {strides = array<i32>} : memref<16x128xf32, #tpu.memory_space<vmem>>, vector<16xf32>,
    %get3A_1165 = arith.constant 10 : i32
    %get3A_1166 = arith.index_cast %get3A_1165 : i32 to index
    %get3A_1167 = arith.constant 64 : index
    %get3A_1168 = tpu.vector_load %arg8[%get3A_1166, %get3A_1167] {strides = array<i32>} : memref<16x128xi32, #tpu.memory_space<vmem>>, vector<16xi32>,
    %gather3A_1169 = tpu.vector_load_idx %arg10[%get3A_1168] : memref<2048xf32, #tpu.memory_space<vmem>>[vector<16xi32>], vector<16xf32>,
    %swap3A_1170 = arith.constant 10 : i32
    %swap3A_1171 = arith.index_cast %swap3A_1170 : i32 to index
    %swap3A_1172 = arith.constant 64 : index
    %swap3A_1173 = tpu.vector_load %arg9[%swap3A_1171, %swap3A_1172] {strides = array<i32>} : memref<16x128xf32, #tpu.memory_space<vmem>>, vector<16xf32>,
    tpu.vector_store %arg9[%swap3A_1171, %swap3A_1172], %gather3A_1169 {strides = array<i32>} : memref<16x128xf32, #tpu.memory_space<vmem>>, vector<16xf32>,
    %get3A_1174 = arith.constant 10 : i32
    %get3A_1175 = arith.index_cast %get3A_1174 : i32 to index
    %get3A_1176 = arith.constant 80 : index
    %get3A_1177 = tpu.vector_load %arg8[%get3A_1175, %get3A_1176] {strides = array<i32>} : memref<16x128xi32, #tpu.memory_space<vmem>>, vector<16xi32>,
    %gather3A_1178 = tpu.vector_load_idx %arg10[%get3A_1177] : memref<2048xf32, #tpu.memory_space<vmem>>[vector<16xi32>], vector<16xf32>,
    %swap3A_1179 = arith.constant 10 : i32
    %swap3A_1180 = arith.index_cast %swap3A_1179 : i32 to index
    %swap3A_1181 = arith.constant 80 : index
    %swap3A_1182 = tpu.vector_load %arg9[%swap3A_1180, %swap3A_1181] {strides = array<i32>} : memref<16x128xf32, #tpu.memory_space<vmem>>, vector<16xf32>,
    tpu.vector_store %arg9[%swap3A_1180, %swap3A_1181], %gather3A_1178 {strides = array<i32>} : memref<16x128xf32, #tpu.memory_space<vmem>>, vector<16xf32>,
    %get3A_1183 = arith.constant 10 : i32
    %get3A_1184 = arith.index_cast %get3A_1183 : i32 to index
    %get3A_1185 = arith.constant 96 : index
    %get3A_1186 = tpu.vector_load %arg8[%get3A_1184, %get3A_1185] {strides = array<i32>} : memref<16x128xi32, #tpu.memory_space<vmem>>, vector<16xi32>,
    %gather3A_1187 = tpu.vector_load_idx %arg10[%get3A_1186] : memref<2048xf32, #tpu.memory_space<vmem>>[vector<16xi32>], vector<16xf32>,
    %swap3A_1188 = arith.constant 10 : i32
    %swap3A_1189 = arith.index_cast %swap3A_1188 : i32 to index
    %swap3A_1190 = arith.constant 96 : index
    %swap3A_1191 = tpu.vector_load %arg9[%swap3A_1189, %swap3A_1190] {strides = array<i32>} : memref<16x128xf32, #tpu.memory_space<vmem>>, vector<16xf32>,
    tpu.vector_store %arg9[%swap3A_1189, %swap3A_1190], %gather3A_1187 {strides = array<i32>} : memref<16x128xf32, #tpu.memory_space<vmem>>, vector<16xf32>,
    %get3A_1192 = arith.constant 10 : i32
    %get3A_1193 = arith.index_cast %get3A_1192 : i32 to index
    %get3A_1194 = arith.constant 112 : index
    %get3A_1195 = tpu.vector_load %arg8[%get3A_1193, %get3A_1194] {strides = array<i32>} : memref<16x128xi32, #tpu.memory_space<vmem>>, vector<16xi32>,
    %gather3A_1196 = tpu.vector_load_idx %arg10[%get3A_1195] : memref<2048xf32, #tpu.memory_space<vmem>>[vector<16xi32>], vector<16xf32>,
    %swap3A_1197 = arith.constant 10 : i32
    %swap3A_1198 = arith.index_cast %swap3A_1197 : i32 to index
    %swap3A_1199 = arith.constant 112 : index
    %swap3A_1200 = tpu.vector_load %arg9[%swap3A_1198, %swap3A_1199] {strides = array<i32>} : memref<16x128xf32, #tpu.memory_space<vmem>>, vector<16xf32>,
    tpu.vector_store %arg9[%swap3A_1198, %swap3A_1199], %gather3A_1196 {strides = array<i32>} : memref<16x128xf32, #tpu.memory_space<vmem>>, vector<16xf32>,
    %get3A_1201 = arith.constant 11 : i32
    %get3A_1202 = arith.index_cast %get3A_1201 : i32 to index
    %get3A_1203 = arith.constant 0 : index
    %get3A_1204 = tpu.vector_load %arg8[%get3A_1202, %get3A_1203] {strides = array<i32>} : memref<16x128xi32, #tpu.memory_space<vmem>>, vector<16xi32>,
    %gather3A_1205 = tpu.vector_load_idx %arg10[%get3A_1204] : memref<2048xf32, #tpu.memory_space<vmem>>[vector<16xi32>], vector<16xf32>,
    %swap3A_1206 = arith.constant 11 : i32
    %swap3A_1207 = arith.index_cast %swap3A_1206 : i32 to index
    %swap3A_1208 = arith.constant 0 : index
    %swap3A_1209 = tpu.vector_load %arg9[%swap3A_1207, %swap3A_1208] {strides = array<i32>} : memref<16x128xf32, #tpu.memory_space<vmem>>, vector<16xf32>,
    tpu.vector_store %arg9[%swap3A_1207, %swap3A_1208], %gather3A_1205 {strides = array<i32>} : memref<16x128xf32, #tpu.memory_space<vmem>>, vector<16xf32>,
    %get3A_1210 = arith.constant 11 : i32
    %get3A_1211 = arith.index_cast %get3A_1210 : i32 to index
    %get3A_1212 = arith.constant 16 : index
    %get3A_1213 = tpu.vector_load %arg8[%get3A_1211, %get3A_1212] {strides = array<i32>} : memref<16x128xi32, #tpu.memory_space<vmem>>, vector<16xi32>,
    %gather3A_1214 = tpu.vector_load_idx %arg10[%get3A_1213] : memref<2048xf32, #tpu.memory_space<vmem>>[vector<16xi32>], vector<16xf32>,
    %swap3A_1215 = arith.constant 11 : i32
    %swap3A_1216 = arith.index_cast %swap3A_1215 : i32 to index
    %swap3A_1217 = arith.constant 16 : index
    %swap3A_1218 = tpu.vector_load %arg9[%swap3A_1216, %swap3A_1217] {strides = array<i32>} : memref<16x128xf32, #tpu.memory_space<vmem>>, vector<16xf32>,
    tpu.vector_store %arg9[%swap3A_1216, %swap3A_1217], %gather3A_1214 {strides = array<i32>} : memref<16x128xf32, #tpu.memory_space<vmem>>, vector<16xf32>,
    %get3A_1219 = arith.constant 11 : i32
    %get3A_1220 = arith.index_cast %get3A_1219 : i32 to index
    %get3A_1221 = arith.constant 32 : index
    %get3A_1222 = tpu.vector_load %arg8[%get3A_1220, %get3A_1221] {strides = array<i32>} : memref<16x128xi32, #tpu.memory_space<vmem>>, vector<16xi32>,
    %gather3A_1223 = tpu.vector_load_idx %arg10[%get3A_1222] : memref<2048xf32, #tpu.memory_space<vmem>>[vector<16xi32>], vector<16xf32>,
    %swap3A_1224 = arith.constant 11 : i32
    %swap3A_1225 = arith.index_cast %swap3A_1224 : i32 to index
    %swap3A_1226 = arith.constant 32 : index
    %swap3A_1227 = tpu.vector_load %arg9[%swap3A_1225, %swap3A_1226] {strides = array<i32>} : memref<16x128xf32, #tpu.memory_space<vmem>>, vector<16xf32>,
    tpu.vector_store %arg9[%swap3A_1225, %swap3A_1226], %gather3A_1223 {strides = array<i32>} : memref<16x128xf32, #tpu.memory_space<vmem>>, vector<16xf32>,
    %get3A_1228 = arith.constant 11 : i32
    %get3A_1229 = arith.index_cast %get3A_1228 : i32 to index
    %get3A_1230 = arith.constant 48 : index
    %get3A_1231 = tpu.vector_load %arg8[%get3A_1229, %get3A_1230] {strides = array<i32>} : memref<16x128xi32, #tpu.memory_space<vmem>>, vector<16xi32>,
    %gather3A_1232 = tpu.vector_load_idx %arg10[%get3A_1231] : memref<2048xf32, #tpu.memory_space<vmem>>[vector<16xi32>], vector<16xf32>,
    %swap3A_1233 = arith.constant 11 : i32
    %swap3A_1234 = arith.index_cast %swap3A_1233 : i32 to index
    %swap3A_1235 = arith.constant 48 : index
    %swap3A_1236 = tpu.vector_load %arg9[%swap3A_1234, %swap3A_1235] {strides = array<i32>} : memref<16x128xf32, #tpu.memory_space<vmem>>, vector<16xf32>,
    tpu.vector_store %arg9[%swap3A_1234, %swap3A_1235], %gather3A_1232 {strides = array<i32>} : memref<16x128xf32, #tpu.memory_space<vmem>>, vector<16xf32>,
    %get3A_1237 = arith.constant 11 : i32
    %get3A_1238 = arith.index_cast %get3A_1237 : i32 to index
    %get3A_1239 = arith.constant 64 : index
    %get3A_1240 = tpu.vector_load %arg8[%get3A_1238, %get3A_1239] {strides = array<i32>} : memref<16x128xi32, #tpu.memory_space<vmem>>, vector<16xi32>,
    %gather3A_1241 = tpu.vector_load_idx %arg10[%get3A_1240] : memref<2048xf32, #tpu.memory_space<vmem>>[vector<16xi32>], vector<16xf32>,
    %swap3A_1242 = arith.constant 11 : i32
    %swap3A_1243 = arith.index_cast %swap3A_1242 : i32 to index
    %swap3A_1244 = arith.constant 64 : index
    %swap3A_1245 = tpu.vector_load %arg9[%swap3A_1243, %swap3A_1244] {strides = array<i32>} : memref<16x128xf32, #tpu.memory_space<vmem>>, vector<16xf32>,
    tpu.vector_store %arg9[%swap3A_1243, %swap3A_1244], %gather3A_1241 {strides = array<i32>} : memref<16x128xf32, #tpu.memory_space<vmem>>, vector<16xf32>,
    %get3A_1246 = arith.constant 11 : i32
    %get3A_1247 = arith.index_cast %get3A_1246 : i32 to index
    %get3A_1248 = arith.constant 80 : index
    %get3A_1249 = tpu.vector_load %arg8[%get3A_1247, %get3A_1248] {strides = array<i32>} : memref<16x128xi32, #tpu.memory_space<vmem>>, vector<16xi32>,
    %gather3A_1250 = tpu.vector_load_idx %arg10[%get3A_1249] : memref<2048xf32, #tpu.memory_space<vmem>>[vector<16xi32>], vector<16xf32>,
    %swap3A_1251 = arith.constant 11 : i32
    %swap3A_1252 = arith.index_cast %swap3A_1251 : i32 to index
    %swap3A_1253 = arith.constant 80 : index
    %swap3A_1254 = tpu.vector_load %arg9[%swap3A_1252, %swap3A_1253] {strides = array<i32>} : memref<16x128xf32, #tpu.memory_space<vmem>>, vector<16xf32>,
    tpu.vector_store %arg9[%swap3A_1252, %swap3A_1253], %gather3A_1250 {strides = array<i32>} : memref<16x128xf32, #tpu.memory_space<vmem>>, vector<16xf32>,
    %get3A_1255 = arith.constant 11 : i32
    %get3A_1256 = arith.index_cast %get3A_1255 : i32 to index
    %get3A_1257 = arith.constant 96 : index
    %get3A_1258 = tpu.vector_load %arg8[%get3A_1256, %get3A_1257] {strides = array<i32>} : memref<16x128xi32, #tpu.memory_space<vmem>>, vector<16xi32>,
    %gather3A_1259 = tpu.vector_load_idx %arg10[%get3A_1258] : memref<2048xf32, #tpu.memory_space<vmem>>[vector<16xi32>], vector<16xf32>,
    %swap3A_1260 = arith.constant 11 : i32
    %swap3A_1261 = arith.index_cast %swap3A_1260 : i32 to index
    %swap3A_1262 = arith.constant 96 : index
    %swap3A_1263 = tpu.vector_load %arg9[%swap3A_1261, %swap3A_1262] {strides = array<i32>} : memref<16x128xf32, #tpu.memory_space<vmem>>, vector<16xf32>,
    tpu.vector_store %arg9[%swap3A_1261, %swap3A_1262], %gather3A_1259 {strides = array<i32>} : memref<16x128xf32, #tpu.memory_space<vmem>>, vector<16xf32>,
    %get3A_1264 = arith.constant 11 : i32
    %get3A_1265 = arith.index_cast %get3A_1264 : i32 to index
    %get3A_1266 = arith.constant 112 : index
    %get3A_1267 = tpu.vector_load %arg8[%get3A_1265, %get3A_1266] {strides = array<i32>} : memref<16x128xi32, #tpu.memory_space<vmem>>, vector<16xi32>,
    %gather3A_1268 = tpu.vector_load_idx %arg10[%get3A_1267] : memref<2048xf32, #tpu.memory_space<vmem>>[vector<16xi32>], vector<16xf32>,
    %swap3A_1269 = arith.constant 11 : i32
    %swap3A_1270 = arith.index_cast %swap3A_1269 : i32 to index
    %swap3A_1271 = arith.constant 112 : index
    %swap3A_1272 = tpu.vector_load %arg9[%swap3A_1270, %swap3A_1271] {strides = array<i32>} : memref<16x128xf32, #tpu.memory_space<vmem>>, vector<16xf32>,
    tpu.vector_store %arg9[%swap3A_1270, %swap3A_1271], %gather3A_1268 {strides = array<i32>} : memref<16x128xf32, #tpu.memory_space<vmem>>, vector<16xf32>,
    %get3A_1273 = arith.constant 12 : i32
    %get3A_1274 = arith.index_cast %get3A_1273 : i32 to index
    %get3A_1275 = arith.constant 0 : index
    %get3A_1276 = tpu.vector_load %arg8[%get3A_1274, %get3A_1275] {strides = array<i32>} : memref<16x128xi32, #tpu.memory_space<vmem>>, vector<16xi32>,
    %gather3A_1277 = tpu.vector_load_idx %arg10[%get3A_1276] : memref<2048xf32, #tpu.memory_space<vmem>>[vector<16xi32>], vector<16xf32>,
    %swap3A_1278 = arith.constant 12 : i32
    %swap3A_1279 = arith.index_cast %swap3A_1278 : i32 to index
    %swap3A_1280 = arith.constant 0 : index
    %swap3A_1281 = tpu.vector_load %arg9[%swap3A_1279, %swap3A_1280] {strides = array<i32>} : memref<16x128xf32, #tpu.memory_space<vmem>>, vector<16xf32>,
    tpu.vector_store %arg9[%swap3A_1279, %swap3A_1280], %gather3A_1277 {strides = array<i32>} : memref<16x128xf32, #tpu.memory_space<vmem>>, vector<16xf32>,
    %get3A_1282 = arith.constant 12 : i32
    %get3A_1283 = arith.index_cast %get3A_1282 : i32 to index
    %get3A_1284 = arith.constant 16 : index
    %get3A_1285 = tpu.vector_load %arg8[%get3A_1283, %get3A_1284] {strides = array<i32>} : memref<16x128xi32, #tpu.memory_space<vmem>>, vector<16xi32>,
    %gather3A_1286 = tpu.vector_load_idx %arg10[%get3A_1285] : memref<2048xf32, #tpu.memory_space<vmem>>[vector<16xi32>], vector<16xf32>,
    %swap3A_1287 = arith.constant 12 : i32
    %swap3A_1288 = arith.index_cast %swap3A_1287 : i32 to index
    %swap3A_1289 = arith.constant 16 : index
    %swap3A_1290 = tpu.vector_load %arg9[%swap3A_1288, %swap3A_1289] {strides = array<i32>} : memref<16x128xf32, #tpu.memory_space<vmem>>, vector<16xf32>,
    tpu.vector_store %arg9[%swap3A_1288, %swap3A_1289], %gather3A_1286 {strides = array<i32>} : memref<16x128xf32, #tpu.memory_space<vmem>>, vector<16xf32>,
    %get3A_1291 = arith.constant 12 : i32
    %get3A_1292 = arith.index_cast %get3A_1291 : i32 to index
    %get3A_1293 = arith.constant 32 : index
    %get3A_1294 = tpu.vector_load %arg8[%get3A_1292, %get3A_1293] {strides = array<i32>} : memref<16x128xi32, #tpu.memory_space<vmem>>, vector<16xi32>,
    %gather3A_1295 = tpu.vector_load_idx %arg10[%get3A_1294] : memref<2048xf32, #tpu.memory_space<vmem>>[vector<16xi32>], vector<16xf32>,
    %swap3A_1296 = arith.constant 12 : i32
    %swap3A_1297 = arith.index_cast %swap3A_1296 : i32 to index
    %swap3A_1298 = arith.constant 32 : index
    %swap3A_1299 = tpu.vector_load %arg9[%swap3A_1297, %swap3A_1298] {strides = array<i32>} : memref<16x128xf32, #tpu.memory_space<vmem>>, vector<16xf32>,
    tpu.vector_store %arg9[%swap3A_1297, %swap3A_1298], %gather3A_1295 {strides = array<i32>} : memref<16x128xf32, #tpu.memory_space<vmem>>, vector<16xf32>,
    %get3A_1300 = arith.constant 12 : i32
    %get3A_1301 = arith.index_cast %get3A_1300 : i32 to index
    %get3A_1302 = arith.constant 48 : index
    %get3A_1303 = tpu.vector_load %arg8[%get3A_1301, %get3A_1302] {strides = array<i32>} : memref<16x128xi32, #tpu.memory_space<vmem>>, vector<16xi32>,
    %gather3A_1304 = tpu.vector_load_idx %arg10[%get3A_1303] : memref<2048xf32, #tpu.memory_space<vmem>>[vector<16xi32>], vector<16xf32>,
    %swap3A_1305 = arith.constant 12 : i32
    %swap3A_1306 = arith.index_cast %swap3A_1305 : i32 to index
    %swap3A_1307 = arith.constant 48 : index
    %swap3A_1308 = tpu.vector_load %arg9[%swap3A_1306, %swap3A_1307] {strides = array<i32>} : memref<16x128xf32, #tpu.memory_space<vmem>>, vector<16xf32>,
    tpu.vector_store %arg9[%swap3A_1306, %swap3A_1307], %gather3A_1304 {strides = array<i32>} : memref<16x128xf32, #tpu.memory_space<vmem>>, vector<16xf32>,
    %get3A_1309 = arith.constant 12 : i32
    %get3A_1310 = arith.index_cast %get3A_1309 : i32 to index
    %get3A_1311 = arith.constant 64 : index
    %get3A_1312 = tpu.vector_load %arg8[%get3A_1310, %get3A_1311] {strides = array<i32>} : memref<16x128xi32, #tpu.memory_space<vmem>>, vector<16xi32>,
    %gather3A_1313 = tpu.vector_load_idx %arg10[%get3A_1312] : memref<2048xf32, #tpu.memory_space<vmem>>[vector<16xi32>], vector<16xf32>,
    %swap3A_1314 = arith.constant 12 : i32
    %swap3A_1315 = arith.index_cast %swap3A_1314 : i32 to index
    %swap3A_1316 = arith.constant 64 : index
    %swap3A_1317 = tpu.vector_load %arg9[%swap3A_1315, %swap3A_1316] {strides = array<i32>} : memref<16x128xf32, #tpu.memory_space<vmem>>, vector<16xf32>,
    tpu.vector_store %arg9[%swap3A_1315, %swap3A_1316], %gather3A_1313 {strides = array<i32>} : memref<16x128xf32, #tpu.memory_space<vmem>>, vector<16xf32>,
    %get3A_1318 = arith.constant 12 : i32
    %get3A_1319 = arith.index_cast %get3A_1318 : i32 to index
    %get3A_1320 = arith.constant 80 : index
    %get3A_1321 = tpu.vector_load %arg8[%get3A_1319, %get3A_1320] {strides = array<i32>} : memref<16x128xi32, #tpu.memory_space<vmem>>, vector<16xi32>,
    %gather3A_1322 = tpu.vector_load_idx %arg10[%get3A_1321] : memref<2048xf32, #tpu.memory_space<vmem>>[vector<16xi32>], vector<16xf32>,
    %swap3A_1323 = arith.constant 12 : i32
    %swap3A_1324 = arith.index_cast %swap3A_1323 : i32 to index
    %swap3A_1325 = arith.constant 80 : index
    %swap3A_1326 = tpu.vector_load %arg9[%swap3A_1324, %swap3A_1325] {strides = array<i32>} : memref<16x128xf32, #tpu.memory_space<vmem>>, vector<16xf32>,
    tpu.vector_store %arg9[%swap3A_1324, %swap3A_1325], %gather3A_1322 {strides = array<i32>} : memref<16x128xf32, #tpu.memory_space<vmem>>, vector<16xf32>,
    %get3A_1327 = arith.constant 12 : i32
    %get3A_1328 = arith.index_cast %get3A_1327 : i32 to index
    %get3A_1329 = arith.constant 96 : index
    %get3A_1330 = tpu.vector_load %arg8[%get3A_1328, %get3A_1329] {strides = array<i32>} : memref<16x128xi32, #tpu.memory_space<vmem>>, vector<16xi32>,
    %gather3A_1331 = tpu.vector_load_idx %arg10[%get3A_1330] : memref<2048xf32, #tpu.memory_space<vmem>>[vector<16xi32>], vector<16xf32>,
    %swap3A_1332 = arith.constant 12 : i32
    %swap3A_1333 = arith.index_cast %swap3A_1332 : i32 to index
    %swap3A_1334 = arith.constant 96 : index
    %swap3A_1335 = tpu.vector_load %arg9[%swap3A_1333, %swap3A_1334] {strides = array<i32>} : memref<16x128xf32, #tpu.memory_space<vmem>>, vector<16xf32>,
    tpu.vector_store %arg9[%swap3A_1333, %swap3A_1334], %gather3A_1331 {strides = array<i32>} : memref<16x128xf32, #tpu.memory_space<vmem>>, vector<16xf32>,
    %get3A_1336 = arith.constant 12 : i32
    %get3A_1337 = arith.index_cast %get3A_1336 : i32 to index
    %get3A_1338 = arith.constant 112 : index
    %get3A_1339 = tpu.vector_load %arg8[%get3A_1337, %get3A_1338] {strides = array<i32>} : memref<16x128xi32, #tpu.memory_space<vmem>>, vector<16xi32>,
    %gather3A_1340 = tpu.vector_load_idx %arg10[%get3A_1339] : memref<2048xf32, #tpu.memory_space<vmem>>[vector<16xi32>], vector<16xf32>,
    %swap3A_1341 = arith.constant 12 : i32
    %swap3A_1342 = arith.index_cast %swap3A_1341 : i32 to index
    %swap3A_1343 = arith.constant 112 : index
    %swap3A_1344 = tpu.vector_load %arg9[%swap3A_1342, %swap3A_1343] {strides = array<i32>} : memref<16x128xf32, #tpu.memory_space<vmem>>, vector<16xf32>,
    tpu.vector_store %arg9[%swap3A_1342, %swap3A_1343], %gather3A_1340 {strides = array<i32>} : memref<16x128xf32, #tpu.memory_space<vmem>>, vector<16xf32>,
    %get3A_1345 = arith.constant 13 : i32
    %get3A_1346 = arith.index_cast %get3A_1345 : i32 to index
    %get3A_1347 = arith.constant 0 : index
    %get3A_1348 = tpu.vector_load %arg8[%get3A_1346, %get3A_1347] {strides = array<i32>} : memref<16x128xi32, #tpu.memory_space<vmem>>, vector<16xi32>,
    %gather3A_1349 = tpu.vector_load_idx %arg10[%get3A_1348] : memref<2048xf32, #tpu.memory_space<vmem>>[vector<16xi32>], vector<16xf32>,
    %swap3A_1350 = arith.constant 13 : i32
    %swap3A_1351 = arith.index_cast %swap3A_1350 : i32 to index
    %swap3A_1352 = arith.constant 0 : index
    %swap3A_1353 = tpu.vector_load %arg9[%swap3A_1351, %swap3A_1352] {strides = array<i32>} : memref<16x128xf32, #tpu.memory_space<vmem>>, vector<16xf32>,
    tpu.vector_store %arg9[%swap3A_1351, %swap3A_1352], %gather3A_1349 {strides = array<i32>} : memref<16x128xf32, #tpu.memory_space<vmem>>, vector<16xf32>,
    %get3A_1354 = arith.constant 13 : i32
    %get3A_1355 = arith.index_cast %get3A_1354 : i32 to index
    %get3A_1356 = arith.constant 16 : index
    %get3A_1357 = tpu.vector_load %arg8[%get3A_1355, %get3A_1356] {strides = array<i32>} : memref<16x128xi32, #tpu.memory_space<vmem>>, vector<16xi32>,
    %gather3A_1358 = tpu.vector_load_idx %arg10[%get3A_1357] : memref<2048xf32, #tpu.memory_space<vmem>>[vector<16xi32>], vector<16xf32>,
    %swap3A_1359 = arith.constant 13 : i32
    %swap3A_1360 = arith.index_cast %swap3A_1359 : i32 to index
    %swap3A_1361 = arith.constant 16 : index
    %swap3A_1362 = tpu.vector_load %arg9[%swap3A_1360, %swap3A_1361] {strides = array<i32>} : memref<16x128xf32, #tpu.memory_space<vmem>>, vector<16xf32>,
    tpu.vector_store %arg9[%swap3A_1360, %swap3A_1361], %gather3A_1358 {strides = array<i32>} : memref<16x128xf32, #tpu.memory_space<vmem>>, vector<16xf32>,
    %get3A_1363 = arith.constant 13 : i32
    %get3A_1364 = arith.index_cast %get3A_1363 : i32 to index
    %get3A_1365 = arith.constant 32 : index
    %get3A_1366 = tpu.vector_load %arg8[%get3A_1364, %get3A_1365] {strides = array<i32>} : memref<16x128xi32, #tpu.memory_space<vmem>>, vector<16xi32>,
    %gather3A_1367 = tpu.vector_load_idx %arg10[%get3A_1366] : memref<2048xf32, #tpu.memory_space<vmem>>[vector<16xi32>], vector<16xf32>,
    %swap3A_1368 = arith.constant 13 : i32
    %swap3A_1369 = arith.index_cast %swap3A_1368 : i32 to index
    %swap3A_1370 = arith.constant 32 : index
    %swap3A_1371 = tpu.vector_load %arg9[%swap3A_1369, %swap3A_1370] {strides = array<i32>} : memref<16x128xf32, #tpu.memory_space<vmem>>, vector<16xf32>,
    tpu.vector_store %arg9[%swap3A_1369, %swap3A_1370], %gather3A_1367 {strides = array<i32>} : memref<16x128xf32, #tpu.memory_space<vmem>>, vector<16xf32>,
    %get3A_1372 = arith.constant 13 : i32
    %get3A_1373 = arith.index_cast %get3A_1372 : i32 to index
    %get3A_1374 = arith.constant 48 : index
    %get3A_1375 = tpu.vector_load %arg8[%get3A_1373, %get3A_1374] {strides = array<i32>} : memref<16x128xi32, #tpu.memory_space<vmem>>, vector<16xi32>,
    %gather3A_1376 = tpu.vector_load_idx %arg10[%get3A_1375] : memref<2048xf32, #tpu.memory_space<vmem>>[vector<16xi32>], vector<16xf32>,
    %swap3A_1377 = arith.constant 13 : i32
    %swap3A_1378 = arith.index_cast %swap3A_1377 : i32 to index
    %swap3A_1379 = arith.constant 48 : index
    %swap3A_1380 = tpu.vector_load %arg9[%swap3A_1378, %swap3A_1379] {strides = array<i32>} : memref<16x128xf32, #tpu.memory_space<vmem>>, vector<16xf32>,
    tpu.vector_store %arg9[%swap3A_1378, %swap3A_1379], %gather3A_1376 {strides = array<i32>} : memref<16x128xf32, #tpu.memory_space<vmem>>, vector<16xf32>,
    %get3A_1381 = arith.constant 13 : i32
    %get3A_1382 = arith.index_cast %get3A_1381 : i32 to index
    %get3A_1383 = arith.constant 64 : index
    %get3A_1384 = tpu.vector_load %arg8[%get3A_1382, %get3A_1383] {strides = array<i32>} : memref<16x128xi32, #tpu.memory_space<vmem>>, vector<16xi32>,
    %gather3A_1385 = tpu.vector_load_idx %arg10[%get3A_1384] : memref<2048xf32, #tpu.memory_space<vmem>>[vector<16xi32>], vector<16xf32>,
    %swap3A_1386 = arith.constant 13 : i32
    %swap3A_1387 = arith.index_cast %swap3A_1386 : i32 to index
    %swap3A_1388 = arith.constant 64 : index
    %swap3A_1389 = tpu.vector_load %arg9[%swap3A_1387, %swap3A_1388] {strides = array<i32>} : memref<16x128xf32, #tpu.memory_space<vmem>>, vector<16xf32>,
    tpu.vector_store %arg9[%swap3A_1387, %swap3A_1388], %gather3A_1385 {strides = array<i32>} : memref<16x128xf32, #tpu.memory_space<vmem>>, vector<16xf32>,
    %get3A_1390 = arith.constant 13 : i32
    %get3A_1391 = arith.index_cast %get3A_1390 : i32 to index
    %get3A_1392 = arith.constant 80 : index
    %get3A_1393 = tpu.vector_load %arg8[%get3A_1391, %get3A_1392] {strides = array<i32>} : memref<16x128xi32, #tpu.memory_space<vmem>>, vector<16xi32>,
    %gather3A_1394 = tpu.vector_load_idx %arg10[%get3A_1393] : memref<2048xf32, #tpu.memory_space<vmem>>[vector<16xi32>], vector<16xf32>,
    %swap3A_1395 = arith.constant 13 : i32
    %swap3A_1396 = arith.index_cast %swap3A_1395 : i32 to index
    %swap3A_1397 = arith.constant 80 : index
    %swap3A_1398 = tpu.vector_load %arg9[%swap3A_1396, %swap3A_1397] {strides = array<i32>} : memref<16x128xf32, #tpu.memory_space<vmem>>, vector<16xf32>,
    tpu.vector_store %arg9[%swap3A_1396, %swap3A_1397], %gather3A_1394 {strides = array<i32>} : memref<16x128xf32, #tpu.memory_space<vmem>>, vector<16xf32>,
    %get3A_1399 = arith.constant 13 : i32
    %get3A_1400 = arith.index_cast %get3A_1399 : i32 to index
    %get3A_1401 = arith.constant 96 : index
    %get3A_1402 = tpu.vector_load %arg8[%get3A_1400, %get3A_1401] {strides = array<i32>} : memref<16x128xi32, #tpu.memory_space<vmem>>, vector<16xi32>,
    %gather3A_1403 = tpu.vector_load_idx %arg10[%get3A_1402] : memref<2048xf32, #tpu.memory_space<vmem>>[vector<16xi32>], vector<16xf32>,
    %swap3A_1404 = arith.constant 13 : i32
    %swap3A_1405 = arith.index_cast %swap3A_1404 : i32 to index
    %swap3A_1406 = arith.constant 96 : index
    %swap3A_1407 = tpu.vector_load %arg9[%swap3A_1405, %swap3A_1406] {strides = array<i32>} : memref<16x128xf32, #tpu.memory_space<vmem>>, vector<16xf32>,
    tpu.vector_store %arg9[%swap3A_1405, %swap3A_1406], %gather3A_1403 {strides = array<i32>} : memref<16x128xf32, #tpu.memory_space<vmem>>, vector<16xf32>,
    %get3A_1408 = arith.constant 13 : i32
    %get3A_1409 = arith.index_cast %get3A_1408 : i32 to index
    %get3A_1410 = arith.constant 112 : index
    %get3A_1411 = tpu.vector_load %arg8[%get3A_1409, %get3A_1410] {strides = array<i32>} : memref<16x128xi32, #tpu.memory_space<vmem>>, vector<16xi32>,
    %gather3A_1412 = tpu.vector_load_idx %arg10[%get3A_1411] : memref<2048xf32, #tpu.memory_space<vmem>>[vector<16xi32>], vector<16xf32>,
    %swap3A_1413 = arith.constant 13 : i32
    %swap3A_1414 = arith.index_cast %swap3A_1413 : i32 to index
    %swap3A_1415 = arith.constant 112 : index
    %swap3A_1416 = tpu.vector_load %arg9[%swap3A_1414, %swap3A_1415] {strides = array<i32>} : memref<16x128xf32, #tpu.memory_space<vmem>>, vector<16xf32>,
    tpu.vector_store %arg9[%swap3A_1414, %swap3A_1415], %gather3A_1412 {strides = array<i32>} : memref<16x128xf32, #tpu.memory_space<vmem>>, vector<16xf32>,
    %get3A_1417 = arith.constant 14 : i32
    %get3A_1418 = arith.index_cast %get3A_1417 : i32 to index
    %get3A_1419 = arith.constant 0 : index
    %get3A_1420 = tpu.vector_load %arg8[%get3A_1418, %get3A_1419] {strides = array<i32>} : memref<16x128xi32, #tpu.memory_space<vmem>>, vector<16xi32>,
    %gather3A_1421 = tpu.vector_load_idx %arg10[%get3A_1420] : memref<2048xf32, #tpu.memory_space<vmem>>[vector<16xi32>], vector<16xf32>,
    %swap3A_1422 = arith.constant 14 : i32
    %swap3A_1423 = arith.index_cast %swap3A_1422 : i32 to index
    %swap3A_1424 = arith.constant 0 : index
    %swap3A_1425 = tpu.vector_load %arg9[%swap3A_1423, %swap3A_1424] {strides = array<i32>} : memref<16x128xf32, #tpu.memory_space<vmem>>, vector<16xf32>,
    tpu.vector_store %arg9[%swap3A_1423, %swap3A_1424], %gather3A_1421 {strides = array<i32>} : memref<16x128xf32, #tpu.memory_space<vmem>>, vector<16xf32>,
    %get3A_1426 = arith.constant 14 : i32
    %get3A_1427 = arith.index_cast %get3A_1426 : i32 to index
    %get3A_1428 = arith.constant 16 : index
    %get3A_1429 = tpu.vector_load %arg8[%get3A_1427, %get3A_1428] {strides = array<i32>} : memref<16x128xi32, #tpu.memory_space<vmem>>, vector<16xi32>,
    %gather3A_1430 = tpu.vector_load_idx %arg10[%get3A_1429] : memref<2048xf32, #tpu.memory_space<vmem>>[vector<16xi32>], vector<16xf32>,
    %swap3A_1431 = arith.constant 14 : i32
    %swap3A_1432 = arith.index_cast %swap3A_1431 : i32 to index
    %swap3A_1433 = arith.constant 16 : index
    %swap3A_1434 = tpu.vector_load %arg9[%swap3A_1432, %swap3A_1433] {strides = array<i32>} : memref<16x128xf32, #tpu.memory_space<vmem>>, vector<16xf32>,
    tpu.vector_store %arg9[%swap3A_1432, %swap3A_1433], %gather3A_1430 {strides = array<i32>} : memref<16x128xf32, #tpu.memory_space<vmem>>, vector<16xf32>,
    %get3A_1435 = arith.constant 14 : i32
    %get3A_1436 = arith.index_cast %get3A_1435 : i32 to index
    %get3A_1437 = arith.constant 32 : index
    %get3A_1438 = tpu.vector_load %arg8[%get3A_1436, %get3A_1437] {strides = array<i32>} : memref<16x128xi32, #tpu.memory_space<vmem>>, vector<16xi32>,
    %gather3A_1439 = tpu.vector_load_idx %arg10[%get3A_1438] : memref<2048xf32, #tpu.memory_space<vmem>>[vector<16xi32>], vector<16xf32>,
    %swap3A_1440 = arith.constant 14 : i32
    %swap3A_1441 = arith.index_cast %swap3A_1440 : i32 to index
    %swap3A_1442 = arith.constant 32 : index
    %swap3A_1443 = tpu.vector_load %arg9[%swap3A_1441, %swap3A_1442] {strides = array<i32>} : memref<16x128xf32, #tpu.memory_space<vmem>>, vector<16xf32>,
    tpu.vector_store %arg9[%swap3A_1441, %swap3A_1442], %gather3A_1439 {strides = array<i32>} : memref<16x128xf32, #tpu.memory_space<vmem>>, vector<16xf32>,
    %get3A_1444 = arith.constant 14 : i32
    %get3A_1445 = arith.index_cast %get3A_1444 : i32 to index
    %get3A_1446 = arith.constant 48 : index
    %get3A_1447 = tpu.vector_load %arg8[%get3A_1445, %get3A_1446] {strides = array<i32>} : memref<16x128xi32, #tpu.memory_space<vmem>>, vector<16xi32>,
    %gather3A_1448 = tpu.vector_load_idx %arg10[%get3A_1447] : memref<2048xf32, #tpu.memory_space<vmem>>[vector<16xi32>], vector<16xf32>,
    %swap3A_1449 = arith.constant 14 : i32
    %swap3A_1450 = arith.index_cast %swap3A_1449 : i32 to index
    %swap3A_1451 = arith.constant 48 : index
    %swap3A_1452 = tpu.vector_load %arg9[%swap3A_1450, %swap3A_1451] {strides = array<i32>} : memref<16x128xf32, #tpu.memory_space<vmem>>, vector<16xf32>,
    tpu.vector_store %arg9[%swap3A_1450, %swap3A_1451], %gather3A_1448 {strides = array<i32>} : memref<16x128xf32, #tpu.memory_space<vmem>>, vector<16xf32>,
    %get3A_1453 = arith.constant 14 : i32
    %get3A_1454 = arith.index_cast %get3A_1453 : i32 to index
    %get3A_1455 = arith.constant 64 : index
    %get3A_1456 = tpu.vector_load %arg8[%get3A_1454, %get3A_1455] {strides = array<i32>} : memref<16x128xi32, #tpu.memory_space<vmem>>, vector<16xi32>,
    %gather3A_1457 = tpu.vector_load_idx %arg10[%get3A_1456] : memref<2048xf32, #tpu.memory_space<vmem>>[vector<16xi32>], vector<16xf32>,
    %swap3A_1458 = arith.constant 14 : i32
    %swap3A_1459 = arith.index_cast %swap3A_1458 : i32 to index
    %swap3A_1460 = arith.constant 64 : index
    %swap3A_1461 = tpu.vector_load %arg9[%swap3A_1459, %swap3A_1460] {strides = array<i32>} : memref<16x128xf32, #tpu.memory_space<vmem>>, vector<16xf32>,
    tpu.vector_store %arg9[%swap3A_1459, %swap3A_1460], %gather3A_1457 {strides = array<i32>} : memref<16x128xf32, #tpu.memory_space<vmem>>, vector<16xf32>,
    %get3A_1462 = arith.constant 14 : i32
    %get3A_1463 = arith.index_cast %get3A_1462 : i32 to index
    %get3A_1464 = arith.constant 80 : index
    %get3A_1465 = tpu.vector_load %arg8[%get3A_1463, %get3A_1464] {strides = array<i32>} : memref<16x128xi32, #tpu.memory_space<vmem>>, vector<16xi32>,
    %gather3A_1466 = tpu.vector_load_idx %arg10[%get3A_1465] : memref<2048xf32, #tpu.memory_space<vmem>>[vector<16xi32>], vector<16xf32>,
    %swap3A_1467 = arith.constant 14 : i32
    %swap3A_1468 = arith.index_cast %swap3A_1467 : i32 to index
    %swap3A_1469 = arith.constant 80 : index
    %swap3A_1470 = tpu.vector_load %arg9[%swap3A_1468, %swap3A_1469] {strides = array<i32>} : memref<16x128xf32, #tpu.memory_space<vmem>>, vector<16xf32>,
    tpu.vector_store %arg9[%swap3A_1468, %swap3A_1469], %gather3A_1466 {strides = array<i32>} : memref<16x128xf32, #tpu.memory_space<vmem>>, vector<16xf32>,
    %get3A_1471 = arith.constant 14 : i32
    %get3A_1472 = arith.index_cast %get3A_1471 : i32 to index
    %get3A_1473 = arith.constant 96 : index
    %get3A_1474 = tpu.vector_load %arg8[%get3A_1472, %get3A_1473] {strides = array<i32>} : memref<16x128xi32, #tpu.memory_space<vmem>>, vector<16xi32>,
    %gather3A_1475 = tpu.vector_load_idx %arg10[%get3A_1474] : memref<2048xf32, #tpu.memory_space<vmem>>[vector<16xi32>], vector<16xf32>,
    %swap3A_1476 = arith.constant 14 : i32
    %swap3A_1477 = arith.index_cast %swap3A_1476 : i32 to index
    %swap3A_1478 = arith.constant 96 : index
    %swap3A_1479 = tpu.vector_load %arg9[%swap3A_1477, %swap3A_1478] {strides = array<i32>} : memref<16x128xf32, #tpu.memory_space<vmem>>, vector<16xf32>,
    tpu.vector_store %arg9[%swap3A_1477, %swap3A_1478], %gather3A_1475 {strides = array<i32>} : memref<16x128xf32, #tpu.memory_space<vmem>>, vector<16xf32>,
    %get3A_1480 = arith.constant 14 : i32
    %get3A_1481 = arith.index_cast %get3A_1480 : i32 to index
    %get3A_1482 = arith.constant 112 : index
    %get3A_1483 = tpu.vector_load %arg8[%get3A_1481, %get3A_1482] {strides = array<i32>} : memref<16x128xi32, #tpu.memory_space<vmem>>, vector<16xi32>,
    %gather3A_1484 = tpu.vector_load_idx %arg10[%get3A_1483] : memref<2048xf32, #tpu.memory_space<vmem>>[vector<16xi32>], vector<16xf32>,
    %swap3A_1485 = arith.constant 14 : i32
    %swap3A_1486 = arith.index_cast %swap3A_1485 : i32 to index
    %swap3A_1487 = arith.constant 112 : index
    %swap3A_1488 = tpu.vector_load %arg9[%swap3A_1486, %swap3A_1487] {strides = array<i32>} : memref<16x128xf32, #tpu.memory_space<vmem>>, vector<16xf32>,
    tpu.vector_store %arg9[%swap3A_1486, %swap3A_1487], %gather3A_1484 {strides = array<i32>} : memref<16x128xf32, #tpu.memory_space<vmem>>, vector<16xf32>,
    %get3A_1489 = arith.constant 15 : i32
    %get3A_1490 = arith.index_cast %get3A_1489 : i32 to index
    %get3A_1491 = arith.constant 0 : index
    %get3A_1492 = tpu.vector_load %arg8[%get3A_1490, %get3A_1491] {strides = array<i32>} : memref<16x128xi32, #tpu.memory_space<vmem>>, vector<16xi32>,
    %gather3A_1493 = tpu.vector_load_idx %arg10[%get3A_1492] : memref<2048xf32, #tpu.memory_space<vmem>>[vector<16xi32>], vector<16xf32>,
    %swap3A_1494 = arith.constant 15 : i32
    %swap3A_1495 = arith.index_cast %swap3A_1494 : i32 to index
    %swap3A_1496 = arith.constant 0 : index
    %swap3A_1497 = tpu.vector_load %arg9[%swap3A_1495, %swap3A_1496] {strides = array<i32>} : memref<16x128xf32, #tpu.memory_space<vmem>>, vector<16xf32>,
    tpu.vector_store %arg9[%swap3A_1495, %swap3A_1496], %gather3A_1493 {strides = array<i32>} : memref<16x128xf32, #tpu.memory_space<vmem>>, vector<16xf32>,
    %get3A_1498 = arith.constant 15 : i32
    %get3A_1499 = arith.index_cast %get3A_1498 : i32 to index
    %get3A_1500 = arith.constant 16 : index
    %get3A_1501 = tpu.vector_load %arg8[%get3A_1499, %get3A_1500] {strides = array<i32>} : memref<16x128xi32, #tpu.memory_space<vmem>>, vector<16xi32>,
    %gather3A_1502 = tpu.vector_load_idx %arg10[%get3A_1501] : memref<2048xf32, #tpu.memory_space<vmem>>[vector<16xi32>], vector<16xf32>,
    %swap3A_1503 = arith.constant 15 : i32
    %swap3A_1504 = arith.index_cast %swap3A_1503 : i32 to index
    %swap3A_1505 = arith.constant 16 : index
    %swap3A_1506 = tpu.vector_load %arg9[%swap3A_1504, %swap3A_1505] {strides = array<i32>} : memref<16x128xf32, #tpu.memory_space<vmem>>, vector<16xf32>,
    tpu.vector_store %arg9[%swap3A_1504, %swap3A_1505], %gather3A_1502 {strides = array<i32>} : memref<16x128xf32, #tpu.memory_space<vmem>>, vector<16xf32>,
    %get3A_1507 = arith.constant 15 : i32
    %get3A_1508 = arith.index_cast %get3A_1507 : i32 to index
    %get3A_1509 = arith.constant 32 : index
    %get3A_1510 = tpu.vector_load %arg8[%get3A_1508, %get3A_1509] {strides = array<i32>} : memref<16x128xi32, #tpu.memory_space<vmem>>, vector<16xi32>,
    %gather3A_1511 = tpu.vector_load_idx %arg10[%get3A_1510] : memref<2048xf32, #tpu.memory_space<vmem>>[vector<16xi32>], vector<16xf32>,
    %swap3A_1512 = arith.constant 15 : i32
    %swap3A_1513 = arith.index_cast %swap3A_1512 : i32 to index
    %swap3A_1514 = arith.constant 32 : index
    %swap3A_1515 = tpu.vector_load %arg9[%swap3A_1513, %swap3A_1514] {strides = array<i32>} : memref<16x128xf32, #tpu.memory_space<vmem>>, vector<16xf32>,
    tpu.vector_store %arg9[%swap3A_1513, %swap3A_1514], %gather3A_1511 {strides = array<i32>} : memref<16x128xf32, #tpu.memory_space<vmem>>, vector<16xf32>,
    %get3A_1516 = arith.constant 15 : i32
    %get3A_1517 = arith.index_cast %get3A_1516 : i32 to index
    %get3A_1518 = arith.constant 48 : index
    %get3A_1519 = tpu.vector_load %arg8[%get3A_1517, %get3A_1518] {strides = array<i32>} : memref<16x128xi32, #tpu.memory_space<vmem>>, vector<16xi32>,
    %gather3A_1520 = tpu.vector_load_idx %arg10[%get3A_1519] : memref<2048xf32, #tpu.memory_space<vmem>>[vector<16xi32>], vector<16xf32>,
    %swap3A_1521 = arith.constant 15 : i32
    %swap3A_1522 = arith.index_cast %swap3A_1521 : i32 to index
    %swap3A_1523 = arith.constant 48 : index
    %swap3A_1524 = tpu.vector_load %arg9[%swap3A_1522, %swap3A_1523] {strides = array<i32>} : memref<16x128xf32, #tpu.memory_space<vmem>>, vector<16xf32>,
    tpu.vector_store %arg9[%swap3A_1522, %swap3A_1523], %gather3A_1520 {strides = array<i32>} : memref<16x128xf32, #tpu.memory_space<vmem>>, vector<16xf32>,
    %get3A_1525 = arith.constant 15 : i32
    %get3A_1526 = arith.index_cast %get3A_1525 : i32 to index
    %get3A_1527 = arith.constant 64 : index
    %get3A_1528 = tpu.vector_load %arg8[%get3A_1526, %get3A_1527] {strides = array<i32>} : memref<16x128xi32, #tpu.memory_space<vmem>>, vector<16xi32>,
    %gather3A_1529 = tpu.vector_load_idx %arg10[%get3A_1528] : memref<2048xf32, #tpu.memory_space<vmem>>[vector<16xi32>], vector<16xf32>,
    %swap3A_1530 = arith.constant 15 : i32
    %swap3A_1531 = arith.index_cast %swap3A_1530 : i32 to index
    %swap3A_1532 = arith.constant 64 : index
    %swap3A_1533 = tpu.vector_load %arg9[%swap3A_1531, %swap3A_1532] {strides = array<i32>} : memref<16x128xf32, #tpu.memory_space<vmem>>, vector<16xf32>,
    tpu.vector_store %arg9[%swap3A_1531, %swap3A_1532], %gather3A_1529 {strides = array<i32>} : memref<16x128xf32, #tpu.memory_space<vmem>>, vector<16xf32>,
    %get3A_1534 = arith.constant 15 : i32
    %get3A_1535 = arith.index_cast %get3A_1534 : i32 to index
    %get3A_1536 = arith.constant 80 : index
    %get3A_1537 = tpu.vector_load %arg8[%get3A_1535, %get3A_1536] {strides = array<i32>} : memref<16x128xi32, #tpu.memory_space<vmem>>, vector<16xi32>,
    %gather3A_1538 = tpu.vector_load_idx %arg10[%get3A_1537] : memref<2048xf32, #tpu.memory_space<vmem>>[vector<16xi32>], vector<16xf32>,
    %swap3A_1539 = arith.constant 15 : i32
    %swap3A_1540 = arith.index_cast %swap3A_1539 : i32 to index
    %swap3A_1541 = arith.constant 80 : index
    %swap3A_1542 = tpu.vector_load %arg9[%swap3A_1540, %swap3A_1541] {strides = array<i32>} : memref<16x128xf32, #tpu.memory_space<vmem>>, vector<16xf32>,
    tpu.vector_store %arg9[%swap3A_1540, %swap3A_1541], %gather3A_1538 {strides = array<i32>} : memref<16x128xf32, #tpu.memory_space<vmem>>, vector<16xf32>,
    %get3A_1543 = arith.constant 15 : i32
    %get3A_1544 = arith.index_cast %get3A_1543 : i32 to index
    %get3A_1545 = arith.constant 96 : index
    %get3A_1546 = tpu.vector_load %arg8[%get3A_1544, %get3A_1545] {strides = array<i32>} : memref<16x128xi32, #tpu.memory_space<vmem>>, vector<16xi32>,
    %gather3A_1547 = tpu.vector_load_idx %arg10[%get3A_1546] : memref<2048xf32, #tpu.memory_space<vmem>>[vector<16xi32>], vector<16xf32>,
    %swap3A_1548 = arith.constant 15 : i32
    %swap3A_1549 = arith.index_cast %swap3A_1548 : i32 to index
    %swap3A_1550 = arith.constant 96 : index
    %swap3A_1551 = tpu.vector_load %arg9[%swap3A_1549, %swap3A_1550] {strides = array<i32>} : memref<16x128xf32, #tpu.memory_space<vmem>>, vector<16xf32>,
    tpu.vector_store %arg9[%swap3A_1549, %swap3A_1550], %gather3A_1547 {strides = array<i32>} : memref<16x128xf32, #tpu.memory_space<vmem>>, vector<16xf32>,
    %get3A_1552 = arith.constant 15 : i32
    %get3A_1553 = arith.index_cast %get3A_1552 : i32 to index
    %get3A_1554 = arith.constant 112 : index
    %get3A_1555 = tpu.vector_load %arg8[%get3A_1553, %get3A_1554] {strides = array<i32>} : memref<16x128xi32, #tpu.memory_space<vmem>>, vector<16xi32>,
    %gather3A_1556 = tpu.vector_load_idx %arg10[%get3A_1555] : memref<2048xf32, #tpu.memory_space<vmem>>[vector<16xi32>], vector<16xf32>,
    %swap3A_1557 = arith.constant 15 : i32
    %swap3A_1558 = arith.index_cast %swap3A_1557 : i32 to index
    %swap3A_1559 = arith.constant 112 : index
    %swap3A_1560 = tpu.vector_load %arg9[%swap3A_1558, %swap3A_1559] {strides = array<i32>} : memref<16x128xf32, #tpu.memory_space<vmem>>, vector<16xf32>,
    tpu.vector_store %arg9[%swap3A_1558, %swap3A_1559], %gather3A_1556 {strides = array<i32>} : memref<16x128xf32, #tpu.memory_space<vmem>>, vector<16xf32>,
    "tpu.region"() ({
      %run_scoped3A_1566 = tpu.sem_alloc : memref<!tpu.dma_semaphore, #tpu.memory_space<semaphore_mem>>
      %dma_start3A_1567 = arith.constant 0 : i32
      %dma_start3A_1568 = tpu.memref_slice %arg6[%mul3A_2, %dma_start3A_1567] : memref<512x128xf32, #tpu.memory_space<hbm>> -> memref<16x128xf32, #tpu.memory_space<hbm>>
      %dma_start3A_1569 = arith.constant 0 : i32
      %dma_start3A_1570 = tpu.memref_slice %arg6[%mul3A_2, %dma_start3A_1569] : memref<512x128xf32, #tpu.memory_space<hbm>> -> memref<16x128xf32, #tpu.memory_space<hbm>>
      tpu.enqueue_dma source(%arg9 : memref<16x128xf32, #tpu.memory_space<vmem>>) target(%dma_start3A_1570 : memref<16x128xf32, #tpu.memory_space<hbm>>) target_semaphore(%run_scoped3A_1566 : memref<!tpu.dma_semaphore, #tpu.memory_space<semaphore_mem>>)
      %dma_wait3A_1571 = arith.constant 0 : i32
      %dma_wait3A_1572 = tpu.memref_slice %arg6[%mul3A_2, %dma_wait3A_1571] : memref<512x128xf32, #tpu.memory_space<hbm>> -> memref<16x128xf32, #tpu.memory_space<hbm>>
      %dma_wait3A_1573 = arith.constant 0 : i32
      %dma_wait3A_1574 = tpu.memref_slice %arg6[%mul3A_2, %dma_wait3A_1573] : memref<512x128xf32, #tpu.memory_space<hbm>> -> memref<16x128xf32, #tpu.memory_space<hbm>>
      tpu.wait_dma2 semaphore(%run_scoped3A_1566 : memref<!tpu.dma_semaphore, #tpu.memory_space<semaphore_mem>>) src(%arg9 : memref<16x128xf32, #tpu.memory_space<vmem>>) dst(%dma_wait3A_1574 : memref<16x128xf32, #tpu.memory_space<hbm>>)
      tpu.yield
    }) : () -> ()
    %barrier3A_1561 = arith.constant 0 : index
    tpu.barrier barrier_id(%barrier3A_1561)
    %mul3A_1562 = arith.constant 16384 : i32
    %mul3A_1563 = arith.muli %arg1, %mul3A_1562 : i32
    %mul3A_1564 = arith.constant 16384 : i32
    %mul3A_1565 = arith.muli %arg1, %mul3A_1564 : i32
    "tpu.region"() ({
      %run_scoped3A_1566 = tpu.sem_alloc : memref<!tpu.dma_semaphore, #tpu.memory_space<semaphore_mem>>
      %dma_start3A_1567 = tpu.memref_slice %arg7[%arg0, %mul3A_1565] : memref<2x262144xf32, #tpu.memory_space<hbm>> -> memref<1x16384xf32, #tpu.memory_space<hbm>>
      %dma_start3A_1568 = tpu.memref_squeeze %dma_start3A_1567 : memref<1x16384xf32, #tpu.memory_space<hbm>> -> memref<16384xf32, #tpu.memory_space<hbm>>
      %dma_start3A_1569 = tpu.memref_slice %arg16[%mul3A_1563] : memref<262144xf32, #tpu.memory_space<vmem_shared>> -> memref<16384xf32, #tpu.memory_space<vmem_shared>>
      tpu.enqueue_dma source(%dma_start3A_1569 : memref<16384xf32, #tpu.memory_space<vmem_shared>>) target(%dma_start3A_1568 : memref<16384xf32, #tpu.memory_space<hbm>>) target_semaphore(%run_scoped3A_1566 : memref<!tpu.dma_semaphore, #tpu.memory_space<semaphore_mem>>)
      %dma_wait3A_1570 = tpu.memref_slice %arg7[%arg0, %mul3A_1565] : memref<2x262144xf32, #tpu.memory_space<hbm>> -> memref<1x16384xf32, #tpu.memory_space<hbm>>
      %dma_wait3A_1571 = tpu.memref_squeeze %dma_wait3A_1570 : memref<1x16384xf32, #tpu.memory_space<hbm>> -> memref<16384xf32, #tpu.memory_space<hbm>>
      %dma_wait3A_1572 = tpu.memref_slice %arg16[%mul3A_1563] : memref<262144xf32, #tpu.memory_space<vmem_shared>> -> memref<16384xf32, #tpu.memory_space<vmem_shared>>
      tpu.wait_dma2 semaphore(%run_scoped3A_1566 : memref<!tpu.dma_semaphore, #tpu.memory_space<semaphore_mem>>) src(%dma_wait3A_1572 : memref<16384xf32, #tpu.memory_space<vmem_shared>>) dst(%dma_wait3A_1571 : memref<16384xf32, #tpu.memory_space<hbm>>)
      tpu.yield
    }) : () -> ()
    return
  }
}

module attributes {stable_mosaic.version = 14 : i64} {
  func.func @_fused_body(%arg0: i32, %arg1: memref<2x512x512xf32, #tpu.memory_space<vmem>>, %arg2: memref<512x128xf32, #tpu.memory_space<vmem>>, %arg3: memref<128x256xf32, #tpu.memory_space<vmem>>, %arg4: memref<1x256xf32, #tpu.memory_space<vmem>>, %arg5: memref<256x256xf32, #tpu.memory_space<vmem>>, %arg6: memref<1x256xf32, #tpu.memory_space<vmem>>, %arg7: memref<1x256xf32, #tpu.memory_space<vmem>>, %arg8: memref<256x256xf32, #tpu.memory_space<vmem>>, %arg9: memref<1x256xf32, #tpu.memory_space<vmem>>, %arg10: memref<1x256xf32, #tpu.memory_space<vmem>>, %arg11: memref<256x256xf32, #tpu.memory_space<vmem>>, %arg12: memref<1x256xf32, #tpu.memory_space<vmem>>, %arg13: memref<4096x256xf32, #tpu.memory_space<vmem>>, %arg14: memref<4096x256xf32, #tpu.memory_space<vmem>>, %arg15: memref<1x256xf32, #tpu.memory_space<vmem>>, %arg16: memref<1x256xf32, #tpu.memory_space<vmem>>, %arg17: memref<512x256xf32, #tpu.memory_space<vmem>>, %arg18: memref<1x256xf32, #tpu.memory_space<vmem>>, %arg19: memref<1x256xf32, #tpu.memory_space<vmem>>) attributes {dimension_semantics = [#tpu.dimension_semantics<arbitrary>], iteration_bounds = array<i64: 32>, scalar_prefetch = 0 : i64, scratch_operands = 3 : i64, tpu.core_type = #tpu.core_type<tc>, window_params = [{pipeline_mode = #tpu.pipeline_mode<synchronous>, transform_indices = @transform_0, window_bounds = array<i64: 2, 512, 512>}, {pipeline_mode = #tpu.pipeline_mode<synchronous>, transform_indices = @transform_1, window_bounds = array<i64: 512, 128>}, {pipeline_mode = #tpu.pipeline_mode<synchronous>, transform_indices = @transform_2, window_bounds = array<i64: 128, 256>}, {pipeline_mode = #tpu.pipeline_mode<synchronous>, transform_indices = @transform_3, window_bounds = array<i64: 1, 256>}, {pipeline_mode = #tpu.pipeline_mode<synchronous>, transform_indices = @transform_4, window_bounds = array<i64: 256, 256>}, {pipeline_mode = #tpu.pipeline_mode<synchronous>, transform_indices = @transform_5, window_bounds = array<i64: 1, 256>}, {pipeline_mode = #tpu.pipeline_mode<synchronous>, transform_indices = @transform_6, window_bounds = array<i64: 1, 256>}, {pipeline_mode = #tpu.pipeline_mode<synchronous>, transform_indices = @transform_7, window_bounds = array<i64: 256, 256>}, {pipeline_mode = #tpu.pipeline_mode<synchronous>, transform_indices = @transform_8, window_bounds = array<i64: 1, 256>}, {pipeline_mode = #tpu.pipeline_mode<synchronous>, transform_indices = @transform_9, window_bounds = array<i64: 1, 256>}, {pipeline_mode = #tpu.pipeline_mode<synchronous>, transform_indices = @transform_10, window_bounds = array<i64: 256, 256>}, {pipeline_mode = #tpu.pipeline_mode<synchronous>, transform_indices = @transform_11, window_bounds = array<i64: 1, 256>}, {transform_indices = @transform_12, window_bounds = array<i64: 4096, 256>}, {transform_indices = @transform_13, window_bounds = array<i64: 4096, 256>}, {pipeline_mode = #tpu.pipeline_mode<synchronous>, transform_indices = @transform_14, window_bounds = array<i64: 1, 256>}, {pipeline_mode = #tpu.pipeline_mode<synchronous>, transform_indices = @transform_15, window_bounds = array<i64: 1, 256>}]} {
    %eq3A = arith.constant 0 : i32
    %eq3A_0 = arith.cmpi eq, %arg0, %eq3A : i32
    %convert_element_type3A = arith.extui %eq3A_0 : i1 to i32
    %cond3A = arith.constant 0 : i32
    %cond3A_1 = arith.cmpi ne, %convert_element_type3A, %cond3A : i32
    scf.if %cond3A_1 {
      %get3A_31 = arith.constant 0 : index
      %get3A_32 = arith.constant 0 : index
      %get3A_33 = arith.constant 0 : index
      %get3A_34 = vector.load %arg1[%get3A_31, %get3A_32, %get3A_33] : memref<2x512x512xf32, #tpu.memory_space<vmem>>, vector<1x512x512xf32>
      %get3A_35 = vector.shape_cast %get3A_34 : vector<1x512x512xf32> to vector<512x512xf32>
      %get3A_36 = arith.constant 1 : index
      %get3A_37 = arith.constant 0 : index
      %get3A_38 = arith.constant 0 : index
      %get3A_39 = vector.load %arg1[%get3A_36, %get3A_37, %get3A_38] : memref<2x512x512xf32, #tpu.memory_space<vmem>>, vector<1x512x512xf32>
      %get3A_40 = vector.shape_cast %get3A_39 : vector<1x512x512xf32> to vector<512x512xf32>
      %add3A_41 = arith.addf %get3A_35, %get3A_40 : vector<512x512xf32>
      %reduce_sum3A = arith.constant dense<0.000000e+00> : vector<512xf32>
      %reduce_sum3A_42 = vector.multi_reduction <add>, %add3A_41, %reduce_sum3A [1] : vector<512x512xf32> to vector<512xf32>
      %broadcast_in_dim3A = vector.shape_cast %reduce_sum3A_42 : vector<512xf32> to vector<512x1xf32>
      %gt3A = arith.constant 0.000000e+00 : f32
      %gt3A_43 = vector.broadcast %gt3A : f32 to vector<512x1xf32>
      %gt3A_44 = arith.cmpf ogt, %broadcast_in_dim3A, %gt3A_43 : vector<512x1xf32>
      %rsqrt3A = math.rsqrt %broadcast_in_dim3A : vector<512x1xf32>
      %jit3A = arith.constant 0.000000e+00 : f32
      %broadcast_in_dim3A_45 = vector.broadcast %jit3A : f32 to vector<512x1xf32>
      %select_n3A = arith.select %gt3A_44, %rsqrt3A, %broadcast_in_dim3A_45 : vector<512x1xi1>, vector<512x1xf32>
      %get3A_46 = arith.constant 0 : index
      %get3A_47 = arith.constant 0 : index
      %get3A_48 = vector.load %arg2[%get3A_46, %get3A_47] : memref<512x128xf32, #tpu.memory_space<vmem>>, vector<512x128xf32>
      %get3A_49 = arith.constant 0 : index
      %get3A_50 = arith.constant 0 : index
      %get3A_51 = vector.load %arg3[%get3A_49, %get3A_50] : memref<128x256xf32, #tpu.memory_space<vmem>>, vector<128x256xf32>
      %dot_general3A_52 = arith.constant dense<0.000000e+00> : vector<512x256xf32>
      %dot_general3A_53 = tpu.matmul %get3A_48, %get3A_51, %dot_general3A_52 {dimension_numbers = #tpu.dot_dimension_numbers<[1], [0], [0], [1], [0, 0, 1, 1], [], []>, transpose_lhs_hint = false} : vector<512x128xf32>, vector<128x256xf32>, vector<512x256xf32> -> vector<512x256xf32>
      %mul3A_54 = vector.broadcast %select_n3A : vector<512x1xf32> to vector<512x256xf32>
      %mul3A_55 = arith.mulf %mul3A_54, %dot_general3A_53 : vector<512x256xf32>
      %dot_general3A_56 = arith.constant dense<0.000000e+00> : vector<512x256xf32>
      %dot_general3A_57 = tpu.matmul %add3A_41, %mul3A_55, %dot_general3A_56 {dimension_numbers = #tpu.dot_dimension_numbers<[1], [0], [0], [1], [0, 0, 1, 1], [], []>, transpose_lhs_hint = false} : vector<512x512xf32>, vector<512x256xf32>, vector<512x256xf32> -> vector<512x256xf32>
      %mul3A_58 = vector.broadcast %select_n3A : vector<512x1xf32> to vector<512x256xf32>
      %mul3A_59 = arith.mulf %mul3A_58, %dot_general3A_57 : vector<512x256xf32>
      %get3A_60 = arith.constant 0 : index
      %get3A_61 = arith.constant 0 : index
      %get3A_62 = vector.load %arg4[%get3A_60, %get3A_61] : memref<1x256xf32, #tpu.memory_space<vmem>>, vector<1x256xf32>
      %add3A_63 = vector.broadcast %get3A_62 : vector<1x256xf32> to vector<512x256xf32>
      %add3A_64 = arith.addf %mul3A_59, %add3A_63 : vector<512x256xf32>
      %tanh3A = math.tanh %add3A_64 : vector<512x256xf32>
      %get3A_65 = arith.constant 0 : index
      %get3A_66 = arith.constant 0 : index
      %get3A_67 = vector.load %arg5[%get3A_65, %get3A_66] : memref<256x256xf32, #tpu.memory_space<vmem>>, vector<256x256xf32>
      %dot_general3A_68 = arith.constant dense<0.000000e+00> : vector<512x256xf32>
      %dot_general3A_69 = tpu.matmul %tanh3A, %get3A_67, %dot_general3A_68 {dimension_numbers = #tpu.dot_dimension_numbers<[1], [0], [0], [1], [0, 0, 1, 1], [], []>, transpose_lhs_hint = false} : vector<512x256xf32>, vector<256x256xf32>, vector<512x256xf32> -> vector<512x256xf32>
      %mul3A_70 = vector.broadcast %select_n3A : vector<512x1xf32> to vector<512x256xf32>
      %mul3A_71 = arith.mulf %mul3A_70, %dot_general3A_69 : vector<512x256xf32>
      %dot_general3A_72 = arith.constant dense<0.000000e+00> : vector<512x256xf32>
      %dot_general3A_73 = tpu.matmul %add3A_41, %mul3A_71, %dot_general3A_72 {dimension_numbers = #tpu.dot_dimension_numbers<[1], [0], [0], [1], [0, 0, 1, 1], [], []>, transpose_lhs_hint = false} : vector<512x512xf32>, vector<512x256xf32>, vector<512x256xf32> -> vector<512x256xf32>
      %mul3A_74 = vector.broadcast %select_n3A : vector<512x1xf32> to vector<512x256xf32>
      %mul3A_75 = arith.mulf %mul3A_74, %dot_general3A_73 : vector<512x256xf32>
      %get3A_76 = arith.constant 0 : index
      %get3A_77 = arith.constant 0 : index
      %get3A_78 = vector.load %arg6[%get3A_76, %get3A_77] : memref<1x256xf32, #tpu.memory_space<vmem>>, vector<1x256xf32>
      %add3A_79 = vector.broadcast %get3A_78 : vector<1x256xf32> to vector<512x256xf32>
      %add3A_80 = arith.addf %mul3A_75, %add3A_79 : vector<512x256xf32>
      %tanh3A_81 = math.tanh %add3A_80 : vector<512x256xf32>
      %swap3A_82 = arith.constant 0 : index
      %swap3A_83 = arith.constant 0 : index
      %swap3A_84 = vector.load %arg17[%swap3A_82, %swap3A_83] : memref<512x256xf32, #tpu.memory_space<vmem>>, vector<512x256xf32>
      tpu.vector_store %arg17[%swap3A_82, %swap3A_83], %tanh3A_81 {strides = array<i32>} : memref<512x256xf32, #tpu.memory_space<vmem>>, vector<512x256xf32>,
      %get3A_85 = arith.constant 0 : index
      %get3A_86 = arith.constant 0 : index
      %get3A_87 = vector.load %arg7[%get3A_85, %get3A_86] : memref<1x256xf32, #tpu.memory_space<vmem>>, vector<1x256xf32>
      %swap3A_88 = arith.constant 0 : index
      %swap3A_89 = arith.constant 0 : index
      %swap3A_90 = vector.load %arg18[%swap3A_88, %swap3A_89] : memref<1x256xf32, #tpu.memory_space<vmem>>, vector<1x256xf32>
      tpu.vector_store %arg18[%swap3A_88, %swap3A_89], %get3A_87 {strides = array<i32>} : memref<1x256xf32, #tpu.memory_space<vmem>>, vector<1x256xf32>,
      %get3A_91 = arith.constant 0 : index
      %get3A_92 = arith.constant 0 : index
      %get3A_93 = vector.load %arg10[%get3A_91, %get3A_92] : memref<1x256xf32, #tpu.memory_space<vmem>>, vector<1x256xf32>
      %swap3A_94 = arith.constant 0 : index
      %swap3A_95 = arith.constant 0 : index
      %swap3A_96 = vector.load %arg19[%swap3A_94, %swap3A_95] : memref<1x256xf32, #tpu.memory_space<vmem>>, vector<1x256xf32>
      tpu.vector_store %arg19[%swap3A_94, %swap3A_95], %get3A_93 {strides = array<i32>} : memref<1x256xf32, #tpu.memory_space<vmem>>, vector<1x256xf32>,
    } else {
    }
    %mul3A = arith.constant 16 : i32
    %mul3A_2 = arith.muli %arg0, %mul3A : i32
    %get3A = arith.index_cast %mul3A_2 : i32 to index
    %get3A_3 = arith.constant 0 : index
    %get3A_4 = vector.load %arg17[%get3A, %get3A_3] : memref<512x256xf32, #tpu.memory_space<vmem>>, vector<16x256xf32>
    %reshape3A = vector.shape_cast %get3A_4 : vector<16x256xf32> to vector<1x4096xf32>
    %get3A_5 = arith.constant 0 : index
    %get3A_6 = arith.constant 0 : index
    %get3A_7 = vector.load %arg18[%get3A_5, %get3A_6] : memref<1x256xf32, #tpu.memory_space<vmem>>, vector<1x256xf32>
    %get3A_8 = arith.constant 0 : index
    %get3A_9 = arith.constant 0 : index
    %get3A_10 = vector.load %arg13[%get3A_8, %get3A_9] : memref<4096x256xf32, #tpu.memory_space<vmem>>, vector<4096x256xf32>
    %dot_general3A = arith.constant dense<0.000000e+00> : vector<1x256xf32>
    %dot_general3A_11 = tpu.matmul %reshape3A, %get3A_10, %dot_general3A {dimension_numbers = #tpu.dot_dimension_numbers<[1], [0], [0], [1], [0, 0, 1, 1], [], []>, transpose_lhs_hint = false} : vector<1x4096xf32>, vector<4096x256xf32>, vector<1x256xf32> -> vector<1x256xf32>
    %add3A = arith.addf %get3A_7, %dot_general3A_11 : vector<1x256xf32>
    %swap3A = arith.constant 0 : index
    %swap3A_12 = arith.constant 0 : index
    %swap3A_13 = vector.load %arg18[%swap3A, %swap3A_12] : memref<1x256xf32, #tpu.memory_space<vmem>>, vector<1x256xf32>
    tpu.vector_store %arg18[%swap3A, %swap3A_12], %add3A {strides = array<i32>} : memref<1x256xf32, #tpu.memory_space<vmem>>, vector<1x256xf32>,
    %get3A_14 = arith.constant 0 : index
    %get3A_15 = arith.constant 0 : index
    %get3A_16 = vector.load %arg19[%get3A_14, %get3A_15] : memref<1x256xf32, #tpu.memory_space<vmem>>, vector<1x256xf32>
    %get3A_17 = arith.constant 0 : index
    %get3A_18 = arith.constant 0 : index
    %get3A_19 = vector.load %arg14[%get3A_17, %get3A_18] : memref<4096x256xf32, #tpu.memory_space<vmem>>, vector<4096x256xf32>
    %dot_general3A_20 = arith.constant dense<0.000000e+00> : vector<1x256xf32>
    %dot_general3A_21 = tpu.matmul %reshape3A, %get3A_19, %dot_general3A_20 {dimension_numbers = #tpu.dot_dimension_numbers<[1], [0], [0], [1], [0, 0, 1, 1], [], []>, transpose_lhs_hint = false} : vector<1x4096xf32>, vector<4096x256xf32>, vector<1x256xf32> -> vector<1x256xf32>
    %add3A_22 = arith.addf %get3A_16, %dot_general3A_21 : vector<1x256xf32>
    %swap3A_23 = arith.constant 0 : index
    %swap3A_24 = arith.constant 0 : index
    %swap3A_25 = vector.load %arg19[%swap3A_23, %swap3A_24] : memref<1x256xf32, #tpu.memory_space<vmem>>, vector<1x256xf32>
    tpu.vector_store %arg19[%swap3A_23, %swap3A_24], %add3A_22 {strides = array<i32>} : memref<1x256xf32, #tpu.memory_space<vmem>>, vector<1x256xf32>,
    %eq3A_26 = arith.constant 31 : i32
    %eq3A_27 = arith.cmpi eq, %arg0, %eq3A_26 : i32
    %convert_element_type3A_28 = arith.extui %eq3A_27 : i1 to i32
    %cond3A_29 = arith.constant 0 : i32
    %cond3A_30 = arith.cmpi ne, %convert_element_type3A_28, %cond3A_29 : i32
    scf.if %cond3A_30 {
      %get3A_31 = arith.constant 0 : index
      %get3A_32 = arith.constant 0 : index
      %get3A_33 = vector.load %arg18[%get3A_31, %get3A_32] : memref<1x256xf32, #tpu.memory_space<vmem>>, vector<1x256xf32>
      %tanh3A = math.tanh %get3A_33 : vector<1x256xf32>
      %get3A_34 = arith.constant 0 : index
      %get3A_35 = arith.constant 0 : index
      %get3A_36 = vector.load %arg8[%get3A_34, %get3A_35] : memref<256x256xf32, #tpu.memory_space<vmem>>, vector<256x256xf32>
      %dot_general3A_37 = arith.constant dense<0.000000e+00> : vector<1x256xf32>
      %dot_general3A_38 = tpu.matmul %tanh3A, %get3A_36, %dot_general3A_37 {dimension_numbers = #tpu.dot_dimension_numbers<[1], [0], [0], [1], [0, 0, 1, 1], [], []>, transpose_lhs_hint = false} : vector<1x256xf32>, vector<256x256xf32>, vector<1x256xf32> -> vector<1x256xf32>
      %get3A_39 = arith.constant 0 : index
      %get3A_40 = arith.constant 0 : index
      %get3A_41 = vector.load %arg9[%get3A_39, %get3A_40] : memref<1x256xf32, #tpu.memory_space<vmem>>, vector<1x256xf32>
      %add3A_42 = arith.addf %dot_general3A_38, %get3A_41 : vector<1x256xf32>
      %tanh3A_43 = math.tanh %add3A_42 : vector<1x256xf32>
      %swap3A_44 = arith.constant 0 : index
      %swap3A_45 = arith.constant 0 : index
      %swap3A_46 = vector.load %arg15[%swap3A_44, %swap3A_45] : memref<1x256xf32, #tpu.memory_space<vmem>>, vector<1x256xf32>
      tpu.vector_store %arg15[%swap3A_44, %swap3A_45], %tanh3A_43 {strides = array<i32>} : memref<1x256xf32, #tpu.memory_space<vmem>>, vector<1x256xf32>,
      %get3A_47 = arith.constant 0 : index
      %get3A_48 = arith.constant 0 : index
      %get3A_49 = vector.load %arg19[%get3A_47, %get3A_48] : memref<1x256xf32, #tpu.memory_space<vmem>>, vector<1x256xf32>
      %tanh3A_50 = math.tanh %get3A_49 : vector<1x256xf32>
      %get3A_51 = arith.constant 0 : index
      %get3A_52 = arith.constant 0 : index
      %get3A_53 = vector.load %arg11[%get3A_51, %get3A_52] : memref<256x256xf32, #tpu.memory_space<vmem>>, vector<256x256xf32>
      %dot_general3A_54 = arith.constant dense<0.000000e+00> : vector<1x256xf32>
      %dot_general3A_55 = tpu.matmul %tanh3A_50, %get3A_53, %dot_general3A_54 {dimension_numbers = #tpu.dot_dimension_numbers<[1], [0], [0], [1], [0, 0, 1, 1], [], []>, transpose_lhs_hint = false} : vector<1x256xf32>, vector<256x256xf32>, vector<1x256xf32> -> vector<1x256xf32>
      %get3A_56 = arith.constant 0 : index
      %get3A_57 = arith.constant 0 : index
      %get3A_58 = vector.load %arg12[%get3A_56, %get3A_57] : memref<1x256xf32, #tpu.memory_space<vmem>>, vector<1x256xf32>
      %add3A_59 = arith.addf %dot_general3A_55, %get3A_58 : vector<1x256xf32>
      %tanh3A_60 = math.tanh %add3A_59 : vector<1x256xf32>
      %swap3A_61 = arith.constant 0 : index
      %swap3A_62 = arith.constant 0 : index
      %swap3A_63 = vector.load %arg16[%swap3A_61, %swap3A_62] : memref<1x256xf32, #tpu.memory_space<vmem>>, vector<1x256xf32>
      tpu.vector_store %arg16[%swap3A_61, %swap3A_62], %tanh3A_60 {strides = array<i32>} : memref<1x256xf32, #tpu.memory_space<vmem>>, vector<1x256xf32>,
    } else {
    }
    return
  }
  func.func @transform_0(%arg0: i32) -> (i32, i32, i32) {
    %c0_i32 = arith.constant 0 : i32
    %c0_i32_0 = arith.constant 0 : i32
    %c0_i32_1 = arith.constant 0 : i32
    %c0_i32_2 = arith.constant 0 : i32
    return %c0_i32, %c0_i32_0, %c0_i32_1 : i32, i32, i32
  }
  func.func @transform_1(%arg0: i32) -> (i32, i32) {
    %c0_i32 = arith.constant 0 : i32
    %c0_i32_0 = arith.constant 0 : i32
    %c0_i32_1 = arith.constant 0 : i32
    return %c0_i32, %c0_i32_0 : i32, i32
  }
  func.func @transform_2(%arg0: i32) -> (i32, i32) {
    %c0_i32 = arith.constant 0 : i32
    %c0_i32_0 = arith.constant 0 : i32
    %c0_i32_1 = arith.constant 0 : i32
    return %c0_i32, %c0_i32_0 : i32, i32
  }
  func.func @transform_3(%arg0: i32) -> (i32, i32) {
    %c0_i32 = arith.constant 0 : i32
    %c0_i32_0 = arith.constant 0 : i32
    %c0_i32_1 = arith.constant 0 : i32
    return %c0_i32, %c0_i32_0 : i32, i32
  }
  func.func @transform_4(%arg0: i32) -> (i32, i32) {
    %c0_i32 = arith.constant 0 : i32
    %c0_i32_0 = arith.constant 0 : i32
    %c0_i32_1 = arith.constant 0 : i32
    return %c0_i32, %c0_i32_0 : i32, i32
  }
  func.func @transform_5(%arg0: i32) -> (i32, i32) {
    %c0_i32 = arith.constant 0 : i32
    %c0_i32_0 = arith.constant 0 : i32
    %c0_i32_1 = arith.constant 0 : i32
    return %c0_i32, %c0_i32_0 : i32, i32
  }
  func.func @transform_6(%arg0: i32) -> (i32, i32) {
    %c0_i32 = arith.constant 0 : i32
    %c0_i32_0 = arith.constant 0 : i32
    %c0_i32_1 = arith.constant 0 : i32
    return %c0_i32, %c0_i32_0 : i32, i32
  }
  func.func @transform_7(%arg0: i32) -> (i32, i32) {
    %c0_i32 = arith.constant 0 : i32
    %c0_i32_0 = arith.constant 0 : i32
    %c0_i32_1 = arith.constant 0 : i32
    return %c0_i32, %c0_i32_0 : i32, i32
  }
  func.func @transform_8(%arg0: i32) -> (i32, i32) {
    %c0_i32 = arith.constant 0 : i32
    %c0_i32_0 = arith.constant 0 : i32
    %c0_i32_1 = arith.constant 0 : i32
    return %c0_i32, %c0_i32_0 : i32, i32
  }
  func.func @transform_9(%arg0: i32) -> (i32, i32) {
    %c0_i32 = arith.constant 0 : i32
    %c0_i32_0 = arith.constant 0 : i32
    %c0_i32_1 = arith.constant 0 : i32
    return %c0_i32, %c0_i32_0 : i32, i32
  }
  func.func @transform_10(%arg0: i32) -> (i32, i32) {
    %c0_i32 = arith.constant 0 : i32
    %c0_i32_0 = arith.constant 0 : i32
    %c0_i32_1 = arith.constant 0 : i32
    return %c0_i32, %c0_i32_0 : i32, i32
  }
  func.func @transform_11(%arg0: i32) -> (i32, i32) {
    %c0_i32 = arith.constant 0 : i32
    %c0_i32_0 = arith.constant 0 : i32
    %c0_i32_1 = arith.constant 0 : i32
    return %c0_i32, %c0_i32_0 : i32, i32
  }
  func.func @transform_12(%arg0: i32) -> (i32, i32) {
    %c0_i32 = arith.constant 0 : i32
    %c0_i32_0 = arith.constant 0 : i32
    return %arg0, %c0_i32 : i32, i32
  }
  func.func @transform_13(%arg0: i32) -> (i32, i32) {
    %c0_i32 = arith.constant 0 : i32
    %c0_i32_0 = arith.constant 0 : i32
    return %arg0, %c0_i32 : i32, i32
  }
  func.func @transform_14(%arg0: i32) -> (i32, i32) {
    %c0_i32 = arith.constant 0 : i32
    %c0_i32_0 = arith.constant 0 : i32
    %c0_i32_1 = arith.constant 0 : i32
    return %c0_i32, %c0_i32_0 : i32, i32
  }
  func.func @transform_15(%arg0: i32) -> (i32, i32) {
    %c0_i32 = arith.constant 0 : i32
    %c0_i32_0 = arith.constant 0 : i32
    %c0_i32_1 = arith.constant 0 : i32
    return %c0_i32, %c0_i32_0 : i32, i32
  }
}

</mosaic_0001>

<sc_bundles>
// kernel: kernel.4.cloned.1.call-start
scs
__scs_entry_jumppad:
0x0: {  	(pc) =	sbr.rel $0x88, $3  }
0x1: {  	(tag) =	ssettag $0x0;
	lr =	simm.s32 $0x1  }
0x2: {  	[smem:$0x3F92] =	sst lr;
	_ =	strace $0xD0000000  }
0x3: {  	_ = 	snop  }
0x4: {  	_ = 	snop  }
0x5: {  	_ = 	snop  }
0x6: {  	_ = 	snop  }
0x7: {  	_ = 	snop  }
__scs_overlays_trampoline_lowered:
0x8: {  	[smem:$0x3FA1] =	sst s0  }
0x9: {  	[smem:$0x3FA2] =	sst s1  }
0xa: {  	[smem:$0x3FA3] =	sst s2  }
0xb: {  	[smem:$0x3FA4] =	sst s3  }
0xc: {  	[smem:$0x3FA5] =	sst s4  }
0xd: {  	[smem:$0x3FA6] =	sst s5  }
0xe: {  	[smem:$0x3FA7] =	sst s6  }
0xf: {  	[smem:$0x3FA8] =	sst s7  }
0x10: {  	[smem:$0x3FA9] =	sst s8  }
0x11: {  	[smem:$0x3FAA] =	sst s9;
	s0 =	simm.s32 @!p0 $0x0  }
0x12: {  	s1 =	sld [smem:$0x3F90];
	s0 =	simm.s32 @p0 $0x1  }
0x13: {  	[smem:$0x3FAB] =	sst s0;
	s0 =	simm.s32 @!p1 $0x0  }
0x14: {  	s2 =	sld [smem:$0x3F8F];
	s0 =	simm.s32 @p1 $0x1  }
0x15: {  	[smem:$0x3FAC] =	sst s0;
	s0 =	simm.s32 @!p2 $0x0  }
0x16: {  	s3 =	sld [smem:$0x3FDB];
	s0 =	simm.s32 @p2 $0x1  }
0x17: {  	s4 =	simm.s32 $0x1BF5;
	[smem:$0x3FAE] =	sst s0  }
0x18: {  	s0 =	sld [smem:$0x3F91];
	_ =	swait.ge [sflag:s4], $0x0  }
0x19: {  	s7 =	sld [smem:$0x3F92]  }
0x1a: {  	s8 =	sadd.s32 $0xFFFFE003, lr  }
0x1b: {  	s9 =	sadd.s32 $0xFFFFFEF7, lr;
	s5 =	simm.s32 $0xFFFFFFFF;
	p2 =	slt.u32 s8, $0xFFFFF086  }
0x1c: {  	p1 =	slt.u32 s9, $0xF7A;
	s5 =	simm.s32 @!p2 $0x0  }
0x1d: {  	s5 =	simm.s32 @p1 $0x1;
	p0 =	seq.s32 s7, s2  }
0x1e: {  	s7 =	smul.u32 @!p0 $0xF7A, s2;
	p2 =	seq.s32 @!p0 s5, $0x0  }
0x1f: {  	s9 =	smul.u32 $0xF7A, s1;
	s8 =	simm.s32 @!p0 $0x1BF5;
	p2 =	por !p2, p0  }
0x20: {  	[sflag:s8] =	ssyncset.s32 @!p0 $0xFFFFF086;
	s6 =	sadd.s32 @!p0 s3, s7;
	s7 =	simm.s32 @!p0 $0x108  }
0x21: {  	s3 =	sadd.s32 s3, s9;
	s6 =	sadd.s32 @!p0 $0x88, s6;
	s7 =	simm.s32 @p2 $0x1082  }
0x22: {  	[simem:s7], [sflag:s8] =	dma.local @!p0 [hbm:s6], $0xF7A  }
0x23: {  	s9 =	sor.u32 $0xD0000000, s2;
	s6 =	simm.s32 $0x108;
	_ =	swait.ge @!p0 [sflag:s8], $0x0  }
0x24: {  	s3 =	sadd.s32 $0x88, s3;
	s6 =	simm.s32 @!p1 $0x1082;
	[sflag:s4] =	ssyncset.s32 $0xFFFFF086  }
0x25: {  	[simem:s6], [sflag:s4] =	dma.local [hbm:s3], $0xF7A  }
0x26: {  	[smem:$0x3F92] =	sst s1;
	(tag) =	ssettag s2;
	_ =	strace s9  }
0x27: {  	s1 =	sld [smem:$0x3FA2]  }
0x28: {  	s2 =	sld [smem:$0x3FA3]  }
0x29: {  	s4 =	sld [smem:$0x3FA5]  }
0x2a: {  	p0 =	seq.s32 s5, $0x0;
	s5 =	sld [smem:$0x3FA6]  }
0x2b: {  	s6 =	sld [smem:$0x3FA7]  }
0x2c: {  	s7 =	sld [smem:$0x3FA8]  }
0x2d: {  	s3 =	simm.s32 $0x108;
	s8 =	sld [smem:$0x3FA9]  }
0x2e: {  	s3 =	simm.s32 @!p0 $0x1082;
	s9 =	sld [smem:$0x3FAA]  }
0x2f: {  	lr =	sadd.s32 s0, s3;
	s0 =	sld [smem:$0x3FA1]  }
0x30: {  	s3 =	sld [smem:$0x3FA4]  }
0x31: {  	[smem:$0x3FAD] =	sst s10  }
0x32: {  	s10 =	sld [smem:$0x3FAB];
	_ =	sdelay $0x3  }
0x33: {  	p0 =	seq.s32 s10, $0x1;
	s10 =	sld [smem:$0x3FAD];
	_ =	sdelay $0x3  }
0x34: {  	[smem:$0x3FAD] =	sst s10  }
0x35: {  	s10 =	sld [smem:$0x3FAC];
	_ =	sdelay $0x3  }
0x36: {  	p1 =	seq.s32 s10, $0x1;
	s10 =	sld [smem:$0x3FAD];
	_ =	sdelay $0x3  }
0x37: {  	[smem:$0x3FAD] =	sst s10  }
0x38: {  	s10 =	sld [smem:$0x3FAE]  }
0x39: {  	_ = 	snop;
	(pc) =	sbr.ind lr, $3  }
0x3a: {  	_ = 	snop  }
0x3b: {  	_ = 	snop  }
0x3c: {  	p2 =	seq.s32 s10, $0x1;
	s10 =	sld [smem:$0x3FAD]  }
0x3d: {  	_ =	shalt  }
0x3e: {  	_ =	shalt  }
0x3f: {  	_ =	shalt  }
0x40: {  	_ =	shalt  }
0x41: {  	_ =	shalt  }
0x42: {  	_ =	shalt  }
0x43: {  	_ =	shalt  }
0x44: {  	_ =	shalt  }
0x45: {  	_ =	shalt  }
0x46: {  	_ =	shalt  }
0x47: {  	_ =	shalt  }
0x48: {  	_ =	shalt  }
0x49: {  	_ =	shalt  }
0x4a: {  	_ =	shalt  }
0x4b: {  	_ =	shalt  }
0x4c: {  	_ =	shalt  }
0x4d: {  	_ =	shalt  }
0x4e: {  	_ =	shalt  }
0x4f: {  	_ =	shalt  }
0x50: {  	_ =	shalt  }
0x51: {  	_ =	shalt  }
0x52: {  	_ =	shalt  }
0x53: {  	_ =	shalt  }
0x54: {  	_ =	shalt  }
0x55: {  	_ =	shalt  }
0x56: {  	_ =	shalt  }
0x57: {  	_ =	shalt  }
0x58: {  	_ =	shalt  }
0x59: {  	_ =	shalt  }
0x5a: {  	_ =	shalt  }
0x5b: {  	_ =	shalt  }
0x5c: {  	_ =	shalt  }
0x5d: {  	_ =	shalt  }
0x5e: {  	_ =	shalt  }
0x5f: {  	_ =	shalt  }
0x60: {  	_ =	shalt  }
0x61: {  	_ =	shalt  }
0x62: {  	_ =	shalt  }
0x63: {  	_ =	shalt  }
0x64: {  	_ =	shalt  }
0x65: {  	_ =	shalt  }
0x66: {  	_ =	shalt  }
0x67: {  	_ =	shalt  }
0x68: {  	_ =	shalt  }
0x69: {  	_ =	shalt  }
0x6a: {  	_ =	shalt  }
0x6b: {  	_ =	shalt  }
0x6c: {  	_ =	shalt  }
0x6d: {  	_ =	shalt  }
0x6e: {  	_ =	shalt  }
0x6f: {  	_ =	shalt  }
0x70: {  	_ =	shalt  }
0x71: {  	_ =	shalt  }
0x72: {  	_ =	shalt  }
0x73: {  	_ =	shalt  }
0x74: {  	_ =	shalt  }
0x75: {  	_ =	shalt  }
0x76: {  	_ =	shalt  }
0x77: {  	_ =	shalt  }
0x78: {  	_ =	shalt  }
0x79: {  	_ =	shalt  }
0x7a: {  	_ =	shalt  }
0x7b: {  	_ =	shalt  }
0x7c: {  	_ =	shalt  }
0x7d: {  	_ =	shalt  }
0x7e: {  	_ =	shalt  }
0x7f: {  	_ =	shalt  }
0x80: {  	_ =	shalt  }
0x81: {  	_ =	shalt  }
0x82: {  	_ =	shalt  }
0x83: {  	_ =	shalt  }
0x84: {  	_ =	shalt  }
0x85: {  	_ =	shalt  }
0x86: {  	_ =	shalt  }
0x87: {  	_ =	shalt  }
.Lfunc_end0:
.L_simem_size_0:
called_computation_lowered:
.L_overlay_start_0:
0x88: {  	s2 =	sld [smem:$0x3FD9]  }
0x89: {  	s3 =	sld [smem:$0x3FFE];
	_ =	sdelay $0x1  }
0x8a: {  	s1 =	srdreg.scid  }
0x8b: {  	s0 =	sand.u32 $0x1, s1  }
0x8c: {  	s17 =	sshll.u32 s0, $0xA;
	s2 =	sadd.s32 s3, s2  }
0x8d: {  	s2 =	sadd.s32 s2, s17  }
0x8e: {  	[smem:$0x3FB9] =	sst s2  }
0x8f: {  	_ = 	snop  }
0x90: {  	s2 =	sld [smem:$0x3FC9]  }
0x91: {  	s18 =	sld [smem:$0x3FC8];
	(tm) =	ssettm $0x1  }
0x92: {  	s4 =	sld [smem:$0x3FFB];
	_ =	sdelay $0x3  }
0x93: {  	_ =	strace s4  }
0x94: {  	s4 =	sld [smem:$0x3FFC];
	_ =	sdelay $0x3  }
0x95: {  	_ =	strace s4  }
0x96: {  	s4 =	sld [smem:$0x3FFD];
	_ =	sdelay $0x3  }
0x97: {  	_ =	strace s4  }
0x98: {  	_ =	strace $0x8FFFFFFF  }
0x99: {  	s19 =	sld [smem:$0x3FDB];
	_ =	sdelay $0x1  }
0x9a: {  	s5 =	simm.s32 $_scs_section_size  }
0x9b: {  	s6 =	simm.s32 $_size__tile_overlayer_lowered;
	s7 =	simm.s32 $_tile_overlayer_lowered  }
0x9c: {  	s22 =	simm.s32 $0x1BFF;
	s21 =	sshll.u32 s7, $0x1;
	s4 =	sadd.s32 s5, s19  }
0x9d: {  	s8 =	simm.s32 $0x0;
	s20 =	sshll.u32 s6, $0x1;
	s6 =	sadd.s32 s21, s4  }
0x9e: {  	[timem:s8], [sflag:s22] =	dma.local [hbm:s6], s20  }
0x9f: {  	_ =	swait.ge [sflag:s22], s20  }
0xa0: {  	s5 =	ssub.s32 $0x0, s20;
	[sflag:s22] =	ssyncset.done $0x0  }
0xa1: {  	[sflag:s22] =	ssyncadd.s32 s5;
	_ =	sdelay $0x1  }
0xa2: {  	s23 =	simm.s32 $0x1B8B  }
0xa3: {  	_ =	swait.ge [sflag:s23], $0x1  }
0xa4: {  	[sflag:s23] =	ssyncset.done $0x0  }
0xa5: {  	s25 =	simm.s32 $0x1B8E;
	s24 =	sld [smem:$0x3FFE];
	[sflag:s23] =	ssyncadd.s32 $0xFFFFFFFF  }
0xa6: {  	s26 =	simm.s32 $execute0_lowered;
	[smem:$0x3FD2] =	sst s25  }
0xa7: {  	s6 =	sshll.u32 s26, $0x1;
	_ =	strace $0x80000046;
	[dreg:$0x1] =	wrdreg $0xFFFFFFFF  }
0xa8: {  	s28 =	simm.s32 $_size_execute0_lowered;
	s4 =	sadd.s32 s4, s6;
	[dreg:$0x0] =	wrdreg $0x0  }
0xa9: {  	s6 =	sshll.u32 s28, $0x1;
	[dreg:$0x2] =	wrdreg s4  }
0xaa: {  	[dreg:$0x3] =	wrdreg s6  }
0xab: {  	[dreg:$0x4] =	wrdreg $0xC0  }
0xac: {  	_ =	task [dreg:s8], $0x5FFFF  }
0xad: {  	[dreg:$0x1] =	wrdreg $0xFFFFFFFF  }
0xae: {  	[dreg:$0x0] =	wrdreg $0x60  }
0xaf: {  	[dreg:$0x2] =	wrdreg s2  }
0xb0: {  	[dreg:$0x3] =	wrdreg s18  }
0xb1: {  	[dreg:$0x4] =	wrdreg s24  }
0xb2: {  	[dreg:$0x5] =	wrdreg $0x24000  }
0xb3: {  	[dreg:$0x6] =	wrdreg $0x9  }
0xb4: {  	_ =	task.clear_ibuf [dreg:s8], $0x7FFFF;
	_ =	strace $0x90000046  }
0xb5: {  	s29 =	simm.s32 $0x9;
	_ =	strace $0x80000048  }
0xb6: {  	_ =	swait.ge [sflag:s29], $0x1  }
0xb7: {  	[sflag:s29] =	ssyncadd.s32 $0xFFFFFFFF  }
0xb8: {  	_ =	strace $0x90000048  }
0xb9: {  	_ =	sfence  }
0xba: {  	s30 =	sld [smem:$0x0];
	_ =	sdelay $0x2  }
0xbb: {  	s31 =	sshll.u32 s1, $0xD;
	s1 =	sshrl.u32 s1, $0x2  }
0xbc: {  	s3 =	sand.u32 $0x4000, s31;
	s1 =	sadd.s32 s1, s30  }
0xbd: {  	s0 =	sor.u32 s3, s0;
	s1 =	sshll.u32 s1, $0x11  }
0xbe: {  	s0 =	sor.u32 s1, s0  }
0xbf: {  	s0 =	sadd.s32 $0x8F2B, s0  }
0xc0: {  	[sflag:s0] =	ssyncadd.remote.s32 $0x1  }
0xc1: {  	_ =	sfence.sel $0xFFFF  }
0xc2: {  	[dreg:$0x0] =	wrdreg $0xFFFFFFFF;
	(pc) =	sbr.abs _section_cstart, $3  }
0xc3: {  	[dreg:$0x1] =	wrdreg $0xFFFFFFFF  }
0xc4: {  	_ =	task.clear_ibuf [dreg:s8], $0x2FFFF;
	_ =	strace $0x9FFFFFFF  }
0xc5: {  	(tm) =	ssettm $0x7FFFFFFF  }
tec
execute0_lowered:
.L_overlay_start_1:
0x0: {  	(tag) =	ssettag $0x1  }
0x1: {  	s1 =	rddreg [dreg:$0x1];
	s2 =	srdreg.scid  }
0x2: {  	s5 =	rddreg [dreg:$0x2];
	s0 =	stileid.u32  }
0x3: {  	s3 =	rddreg [dreg:$0x3];
	s4 =	simm.s32 $0x0;
	s19 =	simm.s32 $0x1000  }
0x4: {  	s20 =	simm.s32 $0x4;
	s21 =	simm.s32 $0x1C00;
	s24 =	simm.s32 $0x3  }
0x5: {  	s25 =	simm.s32 $0x2;
	s31 =	simm.s32 $0x1B80;
	s22 =	simm.s32 $0x20  }
0x6: {  	s23 =	simm.s32 $0x10;
	s28 =	simm.s32 $0x0;
	s2 =	sand.u32 $0x1, s2  }
0x7: {  	s6 =	sshll.u32 s0, $0x9;
	[smem:$0x7FF] =	sst s4;
	s8 =	sshll.u32 s0, $0xE  }
0x8: {  	s30 =	sshll.u32 s0, $0xC;
	s7 =	sshll.u32 s2, $0x8;
	_ =	strace $0x80000047  }
0x9: {  	s26 =	sshll.u32 s2, $0x4;
	s2 =	ssub.s32 $0x2, s2;
	s6 =	sor.u32 s7, s6  }
0xa: {  	s17 =	sadd.s32 s26, s5;
	s29 =	sshrl.u32 s2, $0x1;
	s26 =	simm.s32 $0x80  }
0xb: {  	s7 =	sshrl.u32 s6, $0x3;
	s16 =	sadd.s32 s6, s5;
	s2 =	ssub.s32 s2, s29  }
0xc: {  	s6 =	sadd.s32 s1, s6;
	s1 =	sadd.s32 s30, s17;
	s15 =	sadd.s32 s7, s5  }
0xd: {  	s5 =	sadd.s32 s8, s3;
	s16 =	sadd.s32 $0x12800, s16;
	s17 =	sadd.s32 $0x2800, s1  }
0xe: {  	s18 =	smax.u32 s2, $0x1;
	s2 =	simm.s32 $0x1;
	s1 =	simm.s32 $0x800  }
0xf: {  	s7 =	sadd.s32 $0x800, s5;
	s8 =	sadd.s32 $0x1000, s5;
	s9 =	sadd.s32 $0x1800, s5  }
0x10: {  	s10 =	sadd.s32 $0x2000, s5;
	s11 =	sadd.s32 $0x2800, s5;
	s12 =	sadd.s32 $0x3000, s5  }
0x11: {  	v0 =	vimm.f32 $0.0e+00;
	v1 =	vimm.f32 $1.000000000e+00;
	s13 =	sadd.s32 $0x3800, s5;
	s14 =	sadd.s32 $0x2400, s15;
	s15 =	sadd.s32 $0x2000, s15  }
.LBB2_1:
0x12: {  	s29 =	rddreg [dreg:$0x0]  }
0x13: {  	[tilespmem:s19], [sflag:$0x1] =	stream.linear.gather [hbm4b:s29+s4], $0x800, $0x38;
	[tilespmem:$0x6400] =	vst v63  }
0x14: {  	_ = 	snop  }
0x15: {  	[tilespmem:s4], [sflag:$0x4] =	stream.linear.gather [hbm4b:s6+s4], $0x800, $0x38;
	[tilespmem:$0x6400] =	vst v63  }
0x16: {  	_ =	swait.ge [sflag:s20], $0x800  }
0x17: {  	[sflag:s20] =	ssyncset.done $0x0  }
0x18: {  	s30 =	simm.s32 $0x200;
	s29 =	simm.s32 $0x0;
	[sflag:s20] =	ssyncadd.s32 $0xFFFFF800  }
.LBB2_2:
0x19: {  	p0 =	sne.s32 s30, $0x1E00;
	[tilespmem:s29+$0x1C70] =	vst v0  }
0x1a: {  	[tilespmem:s29+$0x1C00] =	vst v0  }
0x1b: {  	[tilespmem:s29+$0x1C10] =	vst v0  }
.Ltmp0:
0x1c: {  	[tilespmem:s29+$0x1C20] =	vst v0;
	(pc) =	sbr.rel @p0 .LBB2_2-.Ltmp0, $4  }
0x1d: {  	[tilespmem:s29+$0x1C30] =	vst v0  }
0x1e: {  	[tilespmem:s29+$0x1C40] =	vst v0  }
0x1f: {  	[tilespmem:s29+$0x1C50] =	vst v0  }
0x20: {  	[tilespmem:s29+$0x1C60] =	vst v0;
	s29 =	sshra.s32 s30, $0x2;
	s30 =	sadd.s32 $0x200, s30  }
0x21: {  	[tilespmem:s29+$0x1C70] =	vst v0  }
0x22: {  	[tilespmem:s29+$0x1C00] =	vst v0  }
0x23: {  	[tilespmem:s29+$0x1C10] =	vst v0  }
0x24: {  	[tilespmem:s29+$0x1C20] =	vst v0  }
0x25: {  	[tilespmem:s29+$0x1C30] =	vst v0  }
0x26: {  	[tilespmem:s29+$0x1C40] =	vst v0  }
0x27: {  	[tilespmem:s29+$0x1C50] =	vst v0  }
0x28: {  	[tilespmem:s29+$0x1C60] =	vst v0  }
0x29: {  	[spmem:s5] =	stream.linear.scatter [tilespmem:s21], [sflag:$0x2], $0x800, $0x38;
	[tilespmem:$0x6400] =	vst v63  }
0x2a: {  	_ = 	snop  }
0x2b: {  	[spmem:s7] =	stream.linear.scatter [tilespmem:s21], [sflag:$0x2], $0x800, $0x38;
	[tilespmem:$0x6400] =	vst v63  }
0x2c: {  	_ = 	snop  }
0x2d: {  	[spmem:s8] =	stream.linear.scatter [tilespmem:s21], [sflag:$0x2], $0x800, $0x38;
	[tilespmem:$0x6400] =	vst v63  }
0x2e: {  	_ = 	snop  }
0x2f: {  	[spmem:s9] =	stream.linear.scatter [tilespmem:s21], [sflag:$0x2], $0x800, $0x38;
	[tilespmem:$0x6400] =	vst v63  }
0x30: {  	_ = 	snop  }
0x31: {  	[spmem:s10] =	stream.linear.scatter [tilespmem:s21], [sflag:$0x2], $0x800, $0x38;
	[tilespmem:$0x6400] =	vst v63  }
0x32: {  	_ = 	snop  }
0x33: {  	[spmem:s11] =	stream.linear.scatter [tilespmem:s21], [sflag:$0x2], $0x800, $0x38;
	[tilespmem:$0x6400] =	vst v63  }
0x34: {  	_ = 	snop  }
0x35: {  	[spmem:s12] =	stream.linear.scatter [tilespmem:s21], [sflag:$0x2], $0x800, $0x38;
	[tilespmem:$0x6400] =	vst v63  }
0x36: {  	_ = 	snop  }
0x37: {  	[spmem:s13] =	stream.linear.scatter [tilespmem:s21], [sflag:$0x2], $0x800, $0x38;
	[tilespmem:$0x6400] =	vst v63  }
0x38: {  	s30 =	simm.s32 $0x1800  }
0x39: {  	[tilespmem:s30], [sflag:$0x3] =	stream.linear.gather [hbm4b:s14+s4], $0x100, $0x38;
	[tilespmem:$0x6400] =	vst v63  }
0x3a: {  	s30 =	simm.s32 $0x1900  }
0x3b: {  	[tilespmem:s30], [sflag:$0x3] =	stream.linear.gather [hbm4b:s15+s4], $0x100, $0x38;
	[tilespmem:$0x6400] =	vst v63  }
0x3c: {  	[tilespmem:$0x1B00] =	vst v1  }
0x3d: {  	[tilespmem:$0x1B10] =	vst v1  }
0x3e: {  	[tilespmem:$0x1B20] =	vst v1  }
0x3f: {  	[tilespmem:$0x1B30] =	vst v1  }
0x40: {  	[tilespmem:$0x1B40] =	vst v1  }
0x41: {  	[tilespmem:$0x1B50] =	vst v1  }
0x42: {  	[tilespmem:$0x1B60] =	vst v1  }
0x43: {  	[tilespmem:$0x1B70] =	vst v1  }
0x44: {  	[tilespmem:$0x1B80] =	vst v1  }
0x45: {  	[tilespmem:$0x1B90] =	vst v1  }
0x46: {  	[tilespmem:$0x1BA0] =	vst v1  }
0x47: {  	[tilespmem:$0x1BB0] =	vst v1  }
0x48: {  	[tilespmem:$0x1BC0] =	vst v1  }
0x49: {  	[tilespmem:$0x1BD0] =	vst v1  }
0x4a: {  	[tilespmem:$0x1BE0] =	vst v1  }
0x4b: {  	[tilespmem:$0x1BF0] =	vst v1  }
0x4c: {  	_ =	swait.ge [sflag:s24], $0x100  }
0x4d: {  	[sflag:s24] =	ssyncset.done $0x0  }
0x4e: {  	[sflag:s24] =	ssyncadd.s32 $0xFFFFFF00  }
0x4f: {  	_ =	swait.ge [sflag:s24], $0x100  }
0x50: {  	[sflag:s24] =	ssyncset.done $0x0  }
0x51: {  	[sflag:s24] =	ssyncadd.s32 $0xFFFFFF00  }
0x52: {  	v2 =	vld [tilespmem:$0x1900]  }
0x53: {  	v3 =	vld [tilespmem:$0x1800]  }
0x54: {  	v4 =	vld [tilespmem:$0x1910]  }
0x55: {  	v5 =	vld [tilespmem:$0x1810]  }
0x56: {  	v6 =	vld [tilespmem:$0x1920]  }
0x57: {  	v7 =	vld [tilespmem:$0x1820]  }
0x58: {  	v8 =	vld [tilespmem:$0x1930]  }
0x59: {  	v9 =	vld [tilespmem:$0x1830]  }
0x5a: {  	v10 =	vld [tilespmem:$0x1940]  }
0x5b: {  	v11 =	vld [tilespmem:$0x1840]  }
0x5c: {  	v12 =	vld [tilespmem:$0x1950]  }
0x5d: {  	v13 =	vld [tilespmem:$0x1850]  }
0x5e: {  	v14 =	vld [tilespmem:$0x1960]  }
0x5f: {  	v15 =	vld [tilespmem:$0x1860]  }
0x60: {  	v16 =	vld [tilespmem:$0x1970]  }
0x61: {  	v17 =	vld [tilespmem:$0x1870]  }
0x62: {  	v18 =	vld [tilespmem:$0x1980]  }
0x63: {  	v19 =	vld [tilespmem:$0x1880]  }
0x64: {  	v20 =	vld [tilespmem:$0x1990]  }
0x65: {  	v21 =	vld [tilespmem:$0x1890]  }
0x66: {  	v22 =	vld [tilespmem:$0x19A0];
	v2 =	vshll.u32 v2, $0x9  }
0x67: {  	v46 =	vld [tilespmem:$0x18A0];
	v2 =	vadd.s32 v3, v2;
	v3 =	vshll.u32 v4, $0x9  }
0x68: {  	v47 =	vld [tilespmem:$0x19B0];
	[tilespmem:$0x1A00] =	vst v2;
	v2 =	vadd.s32 v5, v3;
	v3 =	vshll.u32 v6, $0x9  }
0x69: {  	v48 =	vld [tilespmem:$0x18B0];
	[tilespmem:$0x1A10] =	vst v2;
	v2 =	vadd.s32 v7, v3;
	v3 =	vshll.u32 v8, $0x9  }
0x6a: {  	v49 =	vld [tilespmem:$0x19C0];
	[tilespmem:$0x1A20] =	vst v2;
	v2 =	vadd.s32 v9, v3;
	v3 =	vshll.u32 v10, $0x9  }
0x6b: {  	v50 =	vld [tilespmem:$0x18C0];
	[tilespmem:$0x1A30] =	vst v2;
	v2 =	vadd.s32 v11, v3;
	v3 =	vshll.u32 v12, $0x9  }
0x6c: {  	v51 =	vld [tilespmem:$0x19D0];
	[tilespmem:$0x1A40] =	vst v2;
	v2 =	vadd.s32 v13, v3;
	v3 =	vshll.u32 v14, $0x9  }
0x6d: {  	v52 =	vld [tilespmem:$0x18D0];
	[tilespmem:$0x1A50] =	vst v2;
	v2 =	vadd.s32 v15, v3;
	v3 =	vshll.u32 v16, $0x9  }
0x6e: {  	v53 =	vld [tilespmem:$0x19E0];
	[tilespmem:$0x1A60] =	vst v2;
	v2 =	vadd.s32 v17, v3;
	v3 =	vshll.u32 v18, $0x9  }
0x6f: {  	v54 =	vld [tilespmem:$0x18E0];
	[tilespmem:$0x1A70] =	vst v2;
	v2 =	vadd.s32 v19, v3;
	v3 =	vshll.u32 v20, $0x9  }
0x70: {  	v55 =	vld [tilespmem:$0x19F0];
	[tilespmem:$0x1A80] =	vst v2;
	v2 =	vadd.s32 v21, v3;
	v3 =	vshll.u32 v22, $0x9  }
0x71: {  	v56 =	vld [tilespmem:$0x18F0];
	[tilespmem:$0x1A90] =	vst v2;
	v2 =	vadd.s32 v46, v3;
	v3 =	vshll.u32 v47, $0x9  }
0x72: {  	[tilespmem:$0x1AA0] =	vst v2;
	v2 =	vadd.s32 v48, v3;
	v3 =	vshll.u32 v49, $0x9  }
0x73: {  	[tilespmem:$0x1AB0] =	vst v2;
	v2 =	vadd.s32 v50, v3;
	v3 =	vshll.u32 v51, $0x9  }
0x74: {  	[tilespmem:$0x1AC0] =	vst v2;
	v2 =	vadd.s32 v52, v3;
	v3 =	vshll.u32 v53, $0x9  }
0x75: {  	[tilespmem:$0x1AD0] =	vst v2;
	v2 =	vadd.s32 v54, v3;
	v3 =	vshll.u32 v55, $0x9  }
0x76: {  	[tilespmem:$0x1AE0] =	vst v2;
	v2 =	vadd.s32 v56, v3  }
0x77: {  	[tilespmem:$0x1AF0] =	vst v2  }
0x78: {  	_ =	swait.ge [sflag:s25], $0x800  }
0x79: {  	[sflag:s25] =	ssyncset.done $0x0  }
0x7a: {  	[sflag:s25] =	ssyncadd.s32 $0xFFFFF800  }
0x7b: {  	_ =	swait.ge [sflag:s25], $0x800  }
0x7c: {  	[sflag:s25] =	ssyncset.done $0x0  }
0x7d: {  	[sflag:s25] =	ssyncadd.s32 $0xFFFFF800  }
0x7e: {  	_ =	swait.ge [sflag:s25], $0x800  }
0x7f: {  	[sflag:s25] =	ssyncset.done $0x0  }
0x80: {  	[sflag:s25] =	ssyncadd.s32 $0xFFFFF800  }
0x81: {  	_ =	swait.ge [sflag:s25], $0x800  }
0x82: {  	[sflag:s25] =	ssyncset.done $0x0  }
0x83: {  	[sflag:s25] =	ssyncadd.s32 $0xFFFFF800  }
0x84: {  	_ =	swait.ge [sflag:s25], $0x800  }
0x85: {  	[sflag:s25] =	ssyncset.done $0x0  }
0x86: {  	[sflag:s25] =	ssyncadd.s32 $0xFFFFF800  }
0x87: {  	_ =	swait.ge [sflag:s25], $0x800  }
0x88: {  	[sflag:s25] =	ssyncset.done $0x0  }
0x89: {  	[sflag:s25] =	ssyncadd.s32 $0xFFFFF800  }
0x8a: {  	_ =	swait.ge [sflag:s25], $0x800  }
0x8b: {  	[sflag:s25] =	ssyncset.done $0x0  }
0x8c: {  	[sflag:s25] =	ssyncadd.s32 $0xFFFFF800  }
0x8d: {  	_ =	swait.ge [sflag:s25], $0x800  }
0x8e: {  	[sflag:s25] =	ssyncset.done $0x0  }
0x8f: {  	[sflag:s25] =	ssyncadd.s32 $0xFFFFF800  }
0x90: {  	s29 =	simm.s32 $0x1A00;
	s30 =	simm.s32 $0x1B00;
	[bflag:$0x0] =	sbarrier.arrive $0xFFFF  }
0x91: {  	[spmem:s3] =	stream.indirect.scatter.add.f32 [tilespmem:s30], [sflag:$0x4], $0x1, s29, s26, $0xb8;
	[tilespmem:$0x6400] =	vst v63  }
0x92: {  	_ =	swait.ge [sflag:s20], $0x80  }
0x93: {  	[sflag:s20] =	ssyncset.done $0x0  }
0x94: {  	s30 =	simm.s32 $0x1A80;
	[sflag:s20] =	ssyncadd.s32 $0xFFFFFF80  }
0x95: {  	[spmem:s3] =	stream.indirect.scatter.add.f32 [tilespmem:s31], [sflag:$0x4], $0x1, s30, s26, $0xb8;
	[tilespmem:$0x6400] =	vst v63  }
0x96: {  	_ =	swait.ge [sflag:s20], $0x80  }
0x97: {  	[sflag:s20] =	ssyncset.done $0x0  }
0x98: {  	[sflag:s20] =	ssyncadd.s32 $0xFFFFFF80  }
0x99: {  	_ =	swait.ge [sflag:s2], $0x800  }
0x9a: {  	[sflag:s2] =	ssyncset.done $0x0  }
0x9b: {  	[sflag:s2] =	ssyncadd.s32 $0xFFFFF800  }
0x9c: {  	v2 =	vld [tilespmem:$0x0];
	_ =	sdelay $0x5  }
0x9d: {  	v3 =	vld [tilespmem:$0x10];
	_ =	sdelay $0x1  }
0x9e: {  	v2 =	vld.idx.msk [tilespmem:v2+s19+$0x0], $0xffff;
	_ =	sdelay $0x3  }
0x9f: {  	v57 =	vld [tilespmem:$0x20]  }
0xa0: {  	[tilespmem:$0x800] =	vst v2  }
0xa1: {  	v2 =	vld.idx.msk [tilespmem:v3+s19+$0x0], $0xffff;
	_ =	sdelay $0x3  }
0xa2: {  	v3 =	vld [tilespmem:$0x30]  }
0xa3: {  	[tilespmem:$0x810] =	vst v2  }
0xa4: {  	v2 =	vld.idx.msk [tilespmem:v57+s19+$0x0], $0xffff;
	_ =	sdelay $0x3  }
0xa5: {  	v58 =	vld [tilespmem:$0x40]  }
0xa6: {  	[tilespmem:$0x820] =	vst v2  }
0xa7: {  	v2 =	vld.idx.msk [tilespmem:v3+s19+$0x0], $0xffff;
	_ =	sdelay $0x3  }
0xa8: {  	v3 =	vld [tilespmem:$0x50]  }
0xa9: {  	[tilespmem:$0x830] =	vst v2  }
0xaa: {  	v2 =	vld.idx.msk [tilespmem:v58+s19+$0x0], $0xffff;
	_ =	sdelay $0x3  }
0xab: {  	v59 =	vld [tilespmem:$0x60]  }
0xac: {  	[tilespmem:$0x840] =	vst v2  }
0xad: {  	v2 =	vld.idx.msk [tilespmem:v3+s19+$0x0], $0xffff;
	_ =	sdelay $0x3  }
0xae: {  	v3 =	vld [tilespmem:$0x70]  }
0xaf: {  	[tilespmem:$0x850] =	vst v2  }
0xb0: {  	v2 =	vld.idx.msk [tilespmem:v59+s19+$0x0], $0xffff;
	_ =	sdelay $0x3  }
0xb1: {  	v60 =	vld [tilespmem:$0x80]  }
0xb2: {  	[tilespmem:$0x860] =	vst v2  }
0xb3: {  	v2 =	vld.idx.msk [tilespmem:v3+s19+$0x0], $0xffff;
	_ =	sdelay $0x3  }
0xb4: {  	v3 =	vld [tilespmem:$0x90]  }
0xb5: {  	[tilespmem:$0x870] =	vst v2  }
0xb6: {  	v2 =	vld.idx.msk [tilespmem:v60+s19+$0x0], $0xffff;
	_ =	sdelay $0x3  }
0xb7: {  	v61 =	vld [tilespmem:$0xA0]  }
0xb8: {  	[tilespmem:$0x880] =	vst v2  }
0xb9: {  	v2 =	vld.idx.msk [tilespmem:v3+s19+$0x0], $0xffff;
	_ =	sdelay $0x3  }
0xba: {  	v3 =	vld [tilespmem:$0xB0]  }
0xbb: {  	[tilespmem:$0x890] =	vst v2  }
0xbc: {  	v2 =	vld.idx.msk [tilespmem:v61+s19+$0x0], $0xffff;
	_ =	sdelay $0x3  }
0xbd: {  	v62 =	vld [tilespmem:$0xC0]  }
0xbe: {  	[tilespmem:$0x8A0] =	vst v2  }
0xbf: {  	v2 =	vld.idx.msk [tilespmem:v3+s19+$0x0], $0xffff;
	_ =	sdelay $0x3  }
0xc0: {  	v3 =	vld [tilespmem:$0xD0]  }
0xc1: {  	[tilespmem:$0x8B0] =	vst v2  }
0xc2: {  	v2 =	vld.idx.msk [tilespmem:v62+s19+$0x0], $0xffff;
	_ =	sdelay $0x3  }
0xc3: {  	v63 =	vld [tilespmem:$0xE0]  }
0xc4: {  	[tilespmem:$0x8C0] =	vst v2  }
0xc5: {  	v2 =	vld.idx.msk [tilespmem:v3+s19+$0x0], $0xffff;
	_ =	sdelay $0x3  }
0xc6: {  	v3 =	vld [tilespmem:$0xF0]  }
0xc7: {  	[tilespmem:$0x8D0] =	vst v2  }
0xc8: {  	v2 =	vld.idx.msk [tilespmem:v63+s19+$0x0], $0xffff;
	_ =	sdelay $0x3  }
0xc9: {  	v8 =	vld [tilespmem:$0x100]  }
0xca: {  	[tilespmem:$0x8E0] =	vst v2  }
0xcb: {  	v2 =	vld.idx.msk [tilespmem:v3+s19+$0x0], $0xffff;
	_ =	sdelay $0x3  }
0xcc: {  	v3 =	vld [tilespmem:$0x110]  }
0xcd: {  	[tilespmem:$0x8F0] =	vst v2  }
0xce: {  	v2 =	vld.idx.msk [tilespmem:v8+s19+$0x0], $0xffff;
	_ =	sdelay $0x3  }
0xcf: {  	v9 =	vld [tilespmem:$0x120]  }
0xd0: {  	[tilespmem:$0x900] =	vst v2  }
0xd1: {  	v2 =	vld.idx.msk [tilespmem:v3+s19+$0x0], $0xffff;
	_ =	sdelay $0x3  }
0xd2: {  	v3 =	vld [tilespmem:$0x130]  }
0xd3: {  	[tilespmem:$0x910] =	vst v2  }
0xd4: {  	v2 =	vld.idx.msk [tilespmem:v9+s19+$0x0], $0xffff;
	_ =	sdelay $0x3  }
0xd5: {  	v10 =	vld [tilespmem:$0x140]  }
0xd6: {  	[tilespmem:$0x920] =	vst v2  }
0xd7: {  	v2 =	vld.idx.msk [tilespmem:v3+s19+$0x0], $0xffff;
	_ =	sdelay $0x3  }
0xd8: {  	v3 =	vld [tilespmem:$0x150]  }
0xd9: {  	[tilespmem:$0x930] =	vst v2  }
0xda: {  	v2 =	vld.idx.msk [tilespmem:v10+s19+$0x0], $0xffff;
	_ =	sdelay $0x3  }
0xdb: {  	v11 =	vld [tilespmem:$0x160]  }
0xdc: {  	[tilespmem:$0x940] =	vst v2  }
0xdd: {  	v2 =	vld.idx.msk [tilespmem:v3+s19+$0x0], $0xffff;
	_ =	sdelay $0x3  }
0xde: {  	v3 =	vld [tilespmem:$0x170]  }
0xdf: {  	[tilespmem:$0x950] =	vst v2  }
0xe0: {  	v2 =	vld.idx.msk [tilespmem:v11+s19+$0x0], $0xffff;
	_ =	sdelay $0x3  }
0xe1: {  	v12 =	vld [tilespmem:$0x180]  }
0xe2: {  	[tilespmem:$0x960] =	vst v2  }
0xe3: {  	v2 =	vld.idx.msk [tilespmem:v3+s19+$0x0], $0xffff;
	_ =	sdelay $0x3  }
0xe4: {  	v3 =	vld [tilespmem:$0x190]  }
0xe5: {  	[tilespmem:$0x970] =	vst v2  }
0xe6: {  	v2 =	vld.idx.msk [tilespmem:v12+s19+$0x0], $0xffff;
	_ =	sdelay $0x3  }
0xe7: {  	v13 =	vld [tilespmem:$0x1A0]  }
0xe8: {  	[tilespmem:$0x980] =	vst v2  }
0xe9: {  	v2 =	vld.idx.msk [tilespmem:v3+s19+$0x0], $0xffff;
	_ =	sdelay $0x3  }
0xea: {  	v3 =	vld [tilespmem:$0x1B0]  }
0xeb: {  	[tilespmem:$0x990] =	vst v2  }
0xec: {  	v2 =	vld.idx.msk [tilespmem:v13+s19+$0x0], $0xffff;
	_ =	sdelay $0x3  }
0xed: {  	v14 =	vld [tilespmem:$0x1C0]  }
0xee: {  	[tilespmem:$0x9A0] =	vst v2  }
0xef: {  	v2 =	vld.idx.msk [tilespmem:v3+s19+$0x0], $0xffff;
	_ =	sdelay $0x3  }
0xf0: {  	v3 =	vld [tilespmem:$0x1D0]  }
0xf1: {  	[tilespmem:$0x9B0] =	vst v2  }
0xf2: {  	v2 =	vld.idx.msk [tilespmem:v14+s19+$0x0], $0xffff;
	_ =	sdelay $0x3  }
0xf3: {  	v15 =	vld [tilespmem:$0x1E0]  }
0xf4: {  	[tilespmem:$0x9C0] =	vst v2  }
0xf5: {  	v2 =	vld.idx.msk [tilespmem:v3+s19+$0x0], $0xffff;
	_ =	sdelay $0x3  }
0xf6: {  	v3 =	vld [tilespmem:$0x1F0]  }
0xf7: {  	[tilespmem:$0x9D0] =	vst v2  }
0xf8: {  	v2 =	vld.idx.msk [tilespmem:v15+s19+$0x0], $0xffff;
	_ =	sdelay $0x3  }
0xf9: {  	v16 =	vld [tilespmem:$0x200]  }
0xfa: {  	[tilespmem:$0x9E0] =	vst v2  }
0xfb: {  	v2 =	vld.idx.msk [tilespmem:v3+s19+$0x0], $0xffff;
	_ =	sdelay $0x3  }
0xfc: {  	v3 =	vld [tilespmem:$0x210]  }
0xfd: {  	[tilespmem:$0x9F0] =	vst v2  }
0xfe: {  	v2 =	vld.idx.msk [tilespmem:v16+s19+$0x0], $0xffff;
	_ =	sdelay $0x3  }
0xff: {  	v17 =	vld [tilespmem:$0x220]  }
0x100: {  	[tilespmem:$0xA00] =	vst v2  }
0x101: {  	v2 =	vld.idx.msk [tilespmem:v3+s19+$0x0], $0xffff;
	_ =	sdelay $0x3  }
0x102: {  	v3 =	vld [tilespmem:$0x230]  }
0x103: {  	[tilespmem:$0xA10] =	vst v2  }
0x104: {  	v2 =	vld.idx.msk [tilespmem:v17+s19+$0x0], $0xffff;
	_ =	sdelay $0x3  }
0x105: {  	v18 =	vld [tilespmem:$0x240]  }
0x106: {  	[tilespmem:$0xA20] =	vst v2  }
0x107: {  	v2 =	vld.idx.msk [tilespmem:v3+s19+$0x0], $0xffff;
	_ =	sdelay $0x3  }
0x108: {  	v3 =	vld [tilespmem:$0x250]  }
0x109: {  	[tilespmem:$0xA30] =	vst v2  }
0x10a: {  	v2 =	vld.idx.msk [tilespmem:v18+s19+$0x0], $0xffff;
	_ =	sdelay $0x3  }
0x10b: {  	v19 =	vld [tilespmem:$0x260]  }
0x10c: {  	[tilespmem:$0xA40] =	vst v2  }
0x10d: {  	v2 =	vld.idx.msk [tilespmem:v3+s19+$0x0], $0xffff;
	_ =	sdelay $0x3  }
0x10e: {  	v3 =	vld [tilespmem:$0x270]  }
0x10f: {  	[tilespmem:$0xA50] =	vst v2  }
0x110: {  	v2 =	vld.idx.msk [tilespmem:v19+s19+$0x0], $0xffff;
	_ =	sdelay $0x3  }
0x111: {  	v20 =	vld [tilespmem:$0x280]  }
0x112: {  	[tilespmem:$0xA60] =	vst v2  }
0x113: {  	v2 =	vld.idx.msk [tilespmem:v3+s19+$0x0], $0xffff;
	_ =	sdelay $0x3  }
0x114: {  	v3 =	vld [tilespmem:$0x290]  }
0x115: {  	[tilespmem:$0xA70] =	vst v2  }
0x116: {  	v2 =	vld.idx.msk [tilespmem:v20+s19+$0x0], $0xffff;
	_ =	sdelay $0x3  }
0x117: {  	v21 =	vld [tilespmem:$0x2A0]  }
0x118: {  	[tilespmem:$0xA80] =	vst v2  }
0x119: {  	v2 =	vld.idx.msk [tilespmem:v3+s19+$0x0], $0xffff;
	_ =	sdelay $0x3  }
0x11a: {  	v3 =	vld [tilespmem:$0x2B0]  }
0x11b: {  	[tilespmem:$0xA90] =	vst v2  }
0x11c: {  	v2 =	vld.idx.msk [tilespmem:v21+s19+$0x0], $0xffff;
	_ =	sdelay $0x3  }
0x11d: {  	v22 =	vld [tilespmem:$0x2C0]  }
0x11e: {  	[tilespmem:$0xAA0] =	vst v2  }
0x11f: {  	v2 =	vld.idx.msk [tilespmem:v3+s19+$0x0], $0xffff;
	_ =	sdelay $0x3  }
0x120: {  	v3 =	vld [tilespmem:$0x2D0]  }
0x121: {  	[tilespmem:$0xAB0] =	vst v2  }
0x122: {  	v2 =	vld.idx.msk [tilespmem:v22+s19+$0x0], $0xffff;
	_ =	sdelay $0x3  }
0x123: {  	v23 =	vld [tilespmem:$0x2E0]  }
0x124: {  	[tilespmem:$0xAC0] =	vst v2  }
0x125: {  	v2 =	vld.idx.msk [tilespmem:v3+s19+$0x0], $0xffff;
	_ =	sdelay $0x3  }
0x126: {  	v3 =	vld [tilespmem:$0x2F0]  }
0x127: {  	[tilespmem:$0xAD0] =	vst v2  }
0x128: {  	v2 =	vld.idx.msk [tilespmem:v23+s19+$0x0], $0xffff;
	_ =	sdelay $0x3  }
0x129: {  	v24 =	vld [tilespmem:$0x300]  }
0x12a: {  	[tilespmem:$0xAE0] =	vst v2  }
0x12b: {  	v2 =	vld.idx.msk [tilespmem:v3+s19+$0x0], $0xffff;
	_ =	sdelay $0x3  }
0x12c: {  	v3 =	vld [tilespmem:$0x310]  }
0x12d: {  	[tilespmem:$0xAF0] =	vst v2  }
0x12e: {  	v2 =	vld.idx.msk [tilespmem:v24+s19+$0x0], $0xffff;
	_ =	sdelay $0x3  }
0x12f: {  	v25 =	vld [tilespmem:$0x320]  }
0x130: {  	[tilespmem:$0xB00] =	vst v2  }
0x131: {  	v2 =	vld.idx.msk [tilespmem:v3+s19+$0x0], $0xffff;
	_ =	sdelay $0x3  }
0x132: {  	v3 =	vld [tilespmem:$0x330]  }
0x133: {  	[tilespmem:$0xB10] =	vst v2  }
0x134: {  	v2 =	vld.idx.msk [tilespmem:v25+s19+$0x0], $0xffff;
	_ =	sdelay $0x3  }
0x135: {  	v26 =	vld [tilespmem:$0x340]  }
0x136: {  	[tilespmem:$0xB20] =	vst v2  }
0x137: {  	v2 =	vld.idx.msk [tilespmem:v3+s19+$0x0], $0xffff;
	_ =	sdelay $0x3  }
0x138: {  	v3 =	vld [tilespmem:$0x350]  }
0x139: {  	[tilespmem:$0xB30] =	vst v2  }
0x13a: {  	v2 =	vld.idx.msk [tilespmem:v26+s19+$0x0], $0xffff;
	_ =	sdelay $0x3  }
0x13b: {  	v27 =	vld [tilespmem:$0x360]  }
0x13c: {  	[tilespmem:$0xB40] =	vst v2  }
0x13d: {  	v2 =	vld.idx.msk [tilespmem:v3+s19+$0x0], $0xffff;
	_ =	sdelay $0x3  }
0x13e: {  	v3 =	vld [tilespmem:$0x370]  }
0x13f: {  	[tilespmem:$0xB50] =	vst v2  }
0x140: {  	v2 =	vld.idx.msk [tilespmem:v27+s19+$0x0], $0xffff;
	_ =	sdelay $0x3  }
0x141: {  	v28 =	vld [tilespmem:$0x380]  }
0x142: {  	[tilespmem:$0xB60] =	vst v2  }
0x143: {  	v2 =	vld.idx.msk [tilespmem:v3+s19+$0x0], $0xffff;
	_ =	sdelay $0x3  }
0x144: {  	v3 =	vld [tilespmem:$0x390]  }
0x145: {  	[tilespmem:$0xB70] =	vst v2  }
0x146: {  	v2 =	vld.idx.msk [tilespmem:v28+s19+$0x0], $0xffff;
	_ =	sdelay $0x3  }
0x147: {  	v29 =	vld [tilespmem:$0x3A0]  }
0x148: {  	[tilespmem:$0xB80] =	vst v2  }
0x149: {  	v2 =	vld.idx.msk [tilespmem:v3+s19+$0x0], $0xffff;
	_ =	sdelay $0x3  }
0x14a: {  	v3 =	vld [tilespmem:$0x3B0]  }
0x14b: {  	[tilespmem:$0xB90] =	vst v2  }
0x14c: {  	v2 =	vld.idx.msk [tilespmem:v29+s19+$0x0], $0xffff;
	_ =	sdelay $0x3  }
0x14d: {  	v30 =	vld [tilespmem:$0x3C0]  }
0x14e: {  	[tilespmem:$0xBA0] =	vst v2  }
0x14f: {  	v2 =	vld.idx.msk [tilespmem:v3+s19+$0x0], $0xffff;
	_ =	sdelay $0x3  }
0x150: {  	v3 =	vld [tilespmem:$0x3D0]  }
0x151: {  	[tilespmem:$0xBB0] =	vst v2  }
0x152: {  	v2 =	vld.idx.msk [tilespmem:v30+s19+$0x0], $0xffff;
	_ =	sdelay $0x3  }
0x153: {  	v31 =	vld [tilespmem:$0x3E0]  }
0x154: {  	[tilespmem:$0xBC0] =	vst v2  }
0x155: {  	v2 =	vld.idx.msk [tilespmem:v3+s19+$0x0], $0xffff;
	_ =	sdelay $0x3  }
0x156: {  	v3 =	vld [tilespmem:$0x3F0]  }
0x157: {  	[tilespmem:$0xBD0] =	vst v2  }
0x158: {  	v2 =	vld.idx.msk [tilespmem:v31+s19+$0x0], $0xffff;
	_ =	sdelay $0x3  }
0x159: {  	v32 =	vld [tilespmem:$0x400]  }
0x15a: {  	[tilespmem:$0xBE0] =	vst v2  }
0x15b: {  	v2 =	vld.idx.msk [tilespmem:v3+s19+$0x0], $0xffff;
	_ =	sdelay $0x3  }
0x15c: {  	v3 =	vld [tilespmem:$0x410]  }
0x15d: {  	[tilespmem:$0xBF0] =	vst v2  }
0x15e: {  	v2 =	vld.idx.msk [tilespmem:v32+s19+$0x0], $0xffff;
	_ =	sdelay $0x3  }
0x15f: {  	v33 =	vld [tilespmem:$0x420]  }
0x160: {  	[tilespmem:$0xC00] =	vst v2  }
0x161: {  	v2 =	vld.idx.msk [tilespmem:v3+s19+$0x0], $0xffff;
	_ =	sdelay $0x3  }
0x162: {  	v3 =	vld [tilespmem:$0x430]  }
0x163: {  	[tilespmem:$0xC10] =	vst v2  }
0x164: {  	v2 =	vld.idx.msk [tilespmem:v33+s19+$0x0], $0xffff;
	_ =	sdelay $0x3  }
0x165: {  	v34 =	vld [tilespmem:$0x440]  }
0x166: {  	[tilespmem:$0xC20] =	vst v2  }
0x167: {  	v2 =	vld.idx.msk [tilespmem:v3+s19+$0x0], $0xffff;
	_ =	sdelay $0x3  }
0x168: {  	v3 =	vld [tilespmem:$0x450]  }
0x169: {  	[tilespmem:$0xC30] =	vst v2  }
0x16a: {  	v2 =	vld.idx.msk [tilespmem:v34+s19+$0x0], $0xffff;
	_ =	sdelay $0x3  }
0x16b: {  	v35 =	vld [tilespmem:$0x460]  }
0x16c: {  	[tilespmem:$0xC40] =	vst v2  }
0x16d: {  	v2 =	vld.idx.msk [tilespmem:v3+s19+$0x0], $0xffff;
	_ =	sdelay $0x3  }
0x16e: {  	v3 =	vld [tilespmem:$0x470]  }
0x16f: {  	[tilespmem:$0xC50] =	vst v2  }
0x170: {  	v2 =	vld.idx.msk [tilespmem:v35+s19+$0x0], $0xffff;
	_ =	sdelay $0x3  }
0x171: {  	v36 =	vld [tilespmem:$0x480]  }
0x172: {  	[tilespmem:$0xC60] =	vst v2  }
0x173: {  	v2 =	vld.idx.msk [tilespmem:v3+s19+$0x0], $0xffff;
	_ =	sdelay $0x3  }
0x174: {  	v3 =	vld [tilespmem:$0x490]  }
0x175: {  	[tilespmem:$0xC70] =	vst v2  }
0x176: {  	v2 =	vld.idx.msk [tilespmem:v36+s19+$0x0], $0xffff;
	_ =	sdelay $0x3  }
0x177: {  	v37 =	vld [tilespmem:$0x4A0]  }
0x178: {  	[tilespmem:$0xC80] =	vst v2  }
0x179: {  	v2 =	vld.idx.msk [tilespmem:v3+s19+$0x0], $0xffff;
	_ =	sdelay $0x3  }
0x17a: {  	v3 =	vld [tilespmem:$0x4B0]  }
0x17b: {  	[tilespmem:$0xC90] =	vst v2  }
0x17c: {  	v2 =	vld.idx.msk [tilespmem:v37+s19+$0x0], $0xffff;
	_ =	sdelay $0x3  }
0x17d: {  	v38 =	vld [tilespmem:$0x4C0]  }
0x17e: {  	[tilespmem:$0xCA0] =	vst v2  }
0x17f: {  	v2 =	vld.idx.msk [tilespmem:v3+s19+$0x0], $0xffff;
	_ =	sdelay $0x3  }
0x180: {  	v3 =	vld [tilespmem:$0x4D0]  }
0x181: {  	[tilespmem:$0xCB0] =	vst v2  }
0x182: {  	v2 =	vld.idx.msk [tilespmem:v38+s19+$0x0], $0xffff;
	_ =	sdelay $0x3  }
0x183: {  	v39 =	vld [tilespmem:$0x4E0]  }
0x184: {  	[tilespmem:$0xCC0] =	vst v2  }
0x185: {  	v2 =	vld.idx.msk [tilespmem:v3+s19+$0x0], $0xffff;
	_ =	sdelay $0x3  }
0x186: {  	v3 =	vld [tilespmem:$0x4F0]  }
0x187: {  	[tilespmem:$0xCD0] =	vst v2  }
0x188: {  	v2 =	vld.idx.msk [tilespmem:v39+s19+$0x0], $0xffff;
	_ =	sdelay $0x3  }
0x189: {  	v40 =	vld [tilespmem:$0x500]  }
0x18a: {  	[tilespmem:$0xCE0] =	vst v2  }
0x18b: {  	v2 =	vld.idx.msk [tilespmem:v3+s19+$0x0], $0xffff;
	_ =	sdelay $0x3  }
0x18c: {  	v3 =	vld [tilespmem:$0x510]  }
0x18d: {  	[tilespmem:$0xCF0] =	vst v2  }
0x18e: {  	v2 =	vld.idx.msk [tilespmem:v40+s19+$0x0], $0xffff;
	_ =	sdelay $0x3  }
0x18f: {  	v41 =	vld [tilespmem:$0x520]  }
0x190: {  	[tilespmem:$0xD00] =	vst v2  }
0x191: {  	v2 =	vld.idx.msk [tilespmem:v3+s19+$0x0], $0xffff;
	_ =	sdelay $0x3  }
0x192: {  	v3 =	vld [tilespmem:$0x530]  }
0x193: {  	[tilespmem:$0xD10] =	vst v2  }
0x194: {  	v2 =	vld.idx.msk [tilespmem:v41+s19+$0x0], $0xffff;
	_ =	sdelay $0x3  }
0x195: {  	v42 =	vld [tilespmem:$0x540]  }
0x196: {  	[tilespmem:$0xD20] =	vst v2  }
0x197: {  	v2 =	vld.idx.msk [tilespmem:v3+s19+$0x0], $0xffff;
	_ =	sdelay $0x3  }
0x198: {  	v3 =	vld [tilespmem:$0x550]  }
0x199: {  	[tilespmem:$0xD30] =	vst v2  }
0x19a: {  	v2 =	vld.idx.msk [tilespmem:v42+s19+$0x0], $0xffff;
	_ =	sdelay $0x3  }
0x19b: {  	v43 =	vld [tilespmem:$0x560]  }
0x19c: {  	[tilespmem:$0xD40] =	vst v2  }
0x19d: {  	v2 =	vld.idx.msk [tilespmem:v3+s19+$0x0], $0xffff;
	_ =	sdelay $0x3  }
0x19e: {  	v3 =	vld [tilespmem:$0x570]  }
0x19f: {  	[tilespmem:$0xD50] =	vst v2  }
0x1a0: {  	v2 =	vld.idx.msk [tilespmem:v43+s19+$0x0], $0xffff;
	_ =	sdelay $0x3  }
0x1a1: {  	v44 =	vld [tilespmem:$0x580]  }
0x1a2: {  	[tilespmem:$0xD60] =	vst v2  }
0x1a3: {  	v2 =	vld.idx.msk [tilespmem:v3+s19+$0x0], $0xffff;
	_ =	sdelay $0x3  }
0x1a4: {  	v3 =	vld [tilespmem:$0x590]  }
0x1a5: {  	[tilespmem:$0xD70] =	vst v2  }
0x1a6: {  	v2 =	vld.idx.msk [tilespmem:v44+s19+$0x0], $0xffff;
	_ =	sdelay $0x3  }
0x1a7: {  	v45 =	vld [tilespmem:$0x5A0]  }
0x1a8: {  	[tilespmem:$0xD80] =	vst v2  }
0x1a9: {  	v2 =	vld.idx.msk [tilespmem:v3+s19+$0x0], $0xffff;
	_ =	sdelay $0x3  }
0x1aa: {  	v3 =	vld [tilespmem:$0x5B0]  }
0x1ab: {  	[tilespmem:$0xD90] =	vst v2  }
0x1ac: {  	v2 =	vld.idx.msk [tilespmem:v45+s19+$0x0], $0xffff;
	_ =	sdelay $0x3  }
0x1ad: {  	v46 =	vld [tilespmem:$0x5C0]  }
0x1ae: {  	[tilespmem:$0xDA0] =	vst v2  }
0x1af: {  	v2 =	vld.idx.msk [tilespmem:v3+s19+$0x0], $0xffff;
	_ =	sdelay $0x3  }
0x1b0: {  	v3 =	vld [tilespmem:$0x5D0]  }
0x1b1: {  	[tilespmem:$0xDB0] =	vst v2  }
0x1b2: {  	v2 =	vld.idx.msk [tilespmem:v46+s19+$0x0], $0xffff;
	_ =	sdelay $0x3  }
0x1b3: {  	v47 =	vld [tilespmem:$0x5E0]  }
0x1b4: {  	[tilespmem:$0xDC0] =	vst v2  }
0x1b5: {  	v2 =	vld.idx.msk [tilespmem:v3+s19+$0x0], $0xffff;
	_ =	sdelay $0x3  }
0x1b6: {  	v3 =	vld [tilespmem:$0x5F0]  }
0x1b7: {  	[tilespmem:$0xDD0] =	vst v2  }
0x1b8: {  	v2 =	vld.idx.msk [tilespmem:v47+s19+$0x0], $0xffff;
	_ =	sdelay $0x3  }
0x1b9: {  	v48 =	vld [tilespmem:$0x600]  }
0x1ba: {  	[tilespmem:$0xDE0] =	vst v2  }
0x1bb: {  	v2 =	vld.idx.msk [tilespmem:v3+s19+$0x0], $0xffff;
	_ =	sdelay $0x3  }
0x1bc: {  	v3 =	vld [tilespmem:$0x610]  }
0x1bd: {  	[tilespmem:$0xDF0] =	vst v2  }
0x1be: {  	v2 =	vld.idx.msk [tilespmem:v48+s19+$0x0], $0xffff;
	_ =	sdelay $0x3  }
0x1bf: {  	v49 =	vld [tilespmem:$0x620]  }
0x1c0: {  	[tilespmem:$0xE00] =	vst v2  }
0x1c1: {  	v2 =	vld.idx.msk [tilespmem:v3+s19+$0x0], $0xffff;
	_ =	sdelay $0x3  }
0x1c2: {  	v3 =	vld [tilespmem:$0x630]  }
0x1c3: {  	[tilespmem:$0xE10] =	vst v2  }
0x1c4: {  	v2 =	vld.idx.msk [tilespmem:v49+s19+$0x0], $0xffff;
	_ =	sdelay $0x3  }
0x1c5: {  	v50 =	vld [tilespmem:$0x640]  }
0x1c6: {  	[tilespmem:$0xE20] =	vst v2  }
0x1c7: {  	v2 =	vld.idx.msk [tilespmem:v3+s19+$0x0], $0xffff;
	_ =	sdelay $0x3  }
0x1c8: {  	v3 =	vld [tilespmem:$0x650]  }
0x1c9: {  	[tilespmem:$0xE30] =	vst v2  }
0x1ca: {  	v2 =	vld.idx.msk [tilespmem:v50+s19+$0x0], $0xffff;
	_ =	sdelay $0x3  }
0x1cb: {  	v51 =	vld [tilespmem:$0x660]  }
0x1cc: {  	[tilespmem:$0xE40] =	vst v2  }
0x1cd: {  	v2 =	vld.idx.msk [tilespmem:v3+s19+$0x0], $0xffff;
	_ =	sdelay $0x3  }
0x1ce: {  	v3 =	vld [tilespmem:$0x670]  }
0x1cf: {  	[tilespmem:$0xE50] =	vst v2  }
0x1d0: {  	v2 =	vld.idx.msk [tilespmem:v51+s19+$0x0], $0xffff;
	_ =	sdelay $0x3  }
0x1d1: {  	v52 =	vld [tilespmem:$0x680]  }
0x1d2: {  	[tilespmem:$0xE60] =	vst v2  }
0x1d3: {  	v2 =	vld.idx.msk [tilespmem:v3+s19+$0x0], $0xffff;
	_ =	sdelay $0x3  }
0x1d4: {  	v3 =	vld [tilespmem:$0x690]  }
0x1d5: {  	[tilespmem:$0xE70] =	vst v2  }
0x1d6: {  	v2 =	vld.idx.msk [tilespmem:v52+s19+$0x0], $0xffff;
	_ =	sdelay $0x3  }
0x1d7: {  	v53 =	vld [tilespmem:$0x6A0]  }
0x1d8: {  	[tilespmem:$0xE80] =	vst v2  }
0x1d9: {  	v2 =	vld.idx.msk [tilespmem:v3+s19+$0x0], $0xffff;
	_ =	sdelay $0x3  }
0x1da: {  	v3 =	vld [tilespmem:$0x6B0]  }
0x1db: {  	[tilespmem:$0xE90] =	vst v2  }
0x1dc: {  	v2 =	vld.idx.msk [tilespmem:v53+s19+$0x0], $0xffff;
	_ =	sdelay $0x3  }
0x1dd: {  	v54 =	vld [tilespmem:$0x6C0]  }
0x1de: {  	[tilespmem:$0xEA0] =	vst v2  }
0x1df: {  	v2 =	vld.idx.msk [tilespmem:v3+s19+$0x0], $0xffff;
	_ =	sdelay $0x3  }
0x1e0: {  	v3 =	vld [tilespmem:$0x6D0]  }
0x1e1: {  	[tilespmem:$0xEB0] =	vst v2  }
0x1e2: {  	v2 =	vld.idx.msk [tilespmem:v54+s19+$0x0], $0xffff;
	_ =	sdelay $0x3  }
0x1e3: {  	v55 =	vld [tilespmem:$0x6E0]  }
0x1e4: {  	[tilespmem:$0xEC0] =	vst v2  }
0x1e5: {  	v2 =	vld.idx.msk [tilespmem:v3+s19+$0x0], $0xffff;
	_ =	sdelay $0x3  }
0x1e6: {  	v3 =	vld [tilespmem:$0x6F0]  }
0x1e7: {  	[tilespmem:$0xED0] =	vst v2  }
0x1e8: {  	v2 =	vld.idx.msk [tilespmem:v55+s19+$0x0], $0xffff;
	_ =	sdelay $0x3  }
0x1e9: {  	v56 =	vld [tilespmem:$0x700]  }
0x1ea: {  	[tilespmem:$0xEE0] =	vst v2  }
0x1eb: {  	v2 =	vld.idx.msk [tilespmem:v3+s19+$0x0], $0xffff;
	_ =	sdelay $0x3  }
0x1ec: {  	v3 =	vld [tilespmem:$0x710]  }
0x1ed: {  	[tilespmem:$0xEF0] =	vst v2  }
0x1ee: {  	v2 =	vld.idx.msk [tilespmem:v56+s19+$0x0], $0xffff;
	_ =	sdelay $0x3  }
0x1ef: {  	v57 =	vld [tilespmem:$0x720]  }
0x1f0: {  	[tilespmem:$0xF00] =	vst v2  }
0x1f1: {  	v2 =	vld.idx.msk [tilespmem:v3+s19+$0x0], $0xffff;
	_ =	sdelay $0x3  }
0x1f2: {  	v3 =	vld [tilespmem:$0x730]  }
0x1f3: {  	[tilespmem:$0xF10] =	vst v2  }
0x1f4: {  	v2 =	vld.idx.msk [tilespmem:v57+s19+$0x0], $0xffff;
	_ =	sdelay $0x3  }
0x1f5: {  	v58 =	vld [tilespmem:$0x740]  }
0x1f6: {  	[tilespmem:$0xF20] =	vst v2  }
0x1f7: {  	v2 =	vld.idx.msk [tilespmem:v3+s19+$0x0], $0xffff;
	_ =	sdelay $0x3  }
0x1f8: {  	v3 =	vld [tilespmem:$0x750]  }
0x1f9: {  	[tilespmem:$0xF30] =	vst v2  }
0x1fa: {  	v2 =	vld.idx.msk [tilespmem:v58+s19+$0x0], $0xffff;
	_ =	sdelay $0x3  }
0x1fb: {  	v59 =	vld [tilespmem:$0x760]  }
0x1fc: {  	[tilespmem:$0xF40] =	vst v2  }
0x1fd: {  	v2 =	vld.idx.msk [tilespmem:v3+s19+$0x0], $0xffff;
	_ =	sdelay $0x3  }
0x1fe: {  	v3 =	vld [tilespmem:$0x770]  }
0x1ff: {  	[tilespmem:$0xF50] =	vst v2  }
0x200: {  	v2 =	vld.idx.msk [tilespmem:v59+s19+$0x0], $0xffff;
	_ =	sdelay $0x3  }
0x201: {  	v60 =	vld [tilespmem:$0x780]  }
0x202: {  	[tilespmem:$0xF60] =	vst v2  }
0x203: {  	v2 =	vld.idx.msk [tilespmem:v3+s19+$0x0], $0xffff;
	_ =	sdelay $0x3  }
0x204: {  	v3 =	vld [tilespmem:$0x790]  }
0x205: {  	[tilespmem:$0xF70] =	vst v2  }
0x206: {  	v2 =	vld.idx.msk [tilespmem:v60+s19+$0x0], $0xffff;
	_ =	sdelay $0x3  }
0x207: {  	v61 =	vld [tilespmem:$0x7A0]  }
0x208: {  	[tilespmem:$0xF80] =	vst v2  }
0x209: {  	v2 =	vld.idx.msk [tilespmem:v3+s19+$0x0], $0xffff;
	_ =	sdelay $0x3  }
0x20a: {  	v3 =	vld [tilespmem:$0x7B0]  }
0x20b: {  	[tilespmem:$0xF90] =	vst v2  }
0x20c: {  	v2 =	vld.idx.msk [tilespmem:v61+s19+$0x0], $0xffff;
	_ =	sdelay $0x3  }
0x20d: {  	v62 =	vld [tilespmem:$0x7C0]  }
0x20e: {  	[tilespmem:$0xFA0] =	vst v2  }
0x20f: {  	v2 =	vld.idx.msk [tilespmem:v3+s19+$0x0], $0xffff;
	_ =	sdelay $0x3  }
0x210: {  	v3 =	vld [tilespmem:$0x7D0]  }
0x211: {  	[tilespmem:$0xFB0] =	vst v2  }
0x212: {  	v2 =	vld.idx.msk [tilespmem:v62+s19+$0x0], $0xffff;
	_ =	sdelay $0x3  }
0x213: {  	v63 =	vld [tilespmem:$0x7E0]  }
0x214: {  	[tilespmem:$0xFC0] =	vst v2  }
0x215: {  	v2 =	vld.idx.msk [tilespmem:v3+s19+$0x0], $0xffff;
	_ =	sdelay $0x3  }
0x216: {  	v3 =	vld [tilespmem:$0x7F0]  }
0x217: {  	[tilespmem:$0xFD0] =	vst v2  }
0x218: {  	v2 =	vld.idx.msk [tilespmem:v63+s19+$0x0], $0xffff;
	_ =	sdelay $0x4  }
0x219: {  	[tilespmem:$0xFE0] =	vst v2  }
0x21a: {  	v2 =	vld.idx.msk [tilespmem:v3+s19+$0x0], $0xffff;
	_ =	sdelay $0x4  }
0x21b: {  	[tilespmem:$0xFF0] =	vst v2  }
0x21c: {  	[hbm4b:s16+s4] =	stream.linear.scatter [tilespmem:s1], [sflag:$0x4], $0x800, $0x38;
	[tilespmem:$0x6400] =	vst v63  }
0x21d: {  	_ =	swait.ge [sflag:s20], $0x800  }
0x21e: {  	s28 =	sadd.s32 $0x1, s28;
	s30 =	sshll.u32 s0, $0x6;
	[sflag:s20] =	ssyncset.done $0x0  }
0x21f: {  	p0 =	sne.s32 s28, s18;
	s29 =	sor.u32 $0x1C04, s30;
	[sflag:s20] =	ssyncadd.s32 $0xFFFFF800  }
.Ltmp1:
0x220: {  	s30 =	sshrl.u32 s5, $0x3;
	[bflag:$0x0] =	sbarrier.arrive $0xFFFF;
	(pc) =	sbr.rel @p0 .LBB2_1-.Ltmp1, $4  }
0x221: {  	[hbm:s17@s22], [sflag:s29] =	dma.strided [spmem:s30@s23], $0x800, s2, $0x10   }
0x222: {  	_ =	swait.ge [sflag:s20], $0x800  }
0x223: {  	[sflag:s20] =	ssyncset.done $0x0  }
0x224: {  	[sflag:s20] =	ssyncadd.s32 $0xFFFFF800  }
0x225: {  	_ =	sfence.sel $0x180000  }
0x226: {  	[bflag:$0x0] =	sbarrier.arrive $0xFFFF  }
0x227: {  	_ =	strace $0x90000047  }
0x228: {  	[bflag:$0x2] =	sbarrier.arrive $0xFFFF  }
0x229: {  	p0 =	sne.s32 s0, $0x0;
	s0 =	rddreg [dreg:$0x4]  }
0x22a: {  	s0 =	sadd.s32 @!p0 $0x100000, s0  }
0x22b: {  	[sflag:s0] =	ssyncadd.tile.s32 @!p0 $0x1;
	_ =	shalt  }
.Lfunc_end2:
_tile_overlayer_lowered:
.L_overlay_start_2:
0x22c: {  	(tag) =	ssettag $0x2  }
0x22d: {  	s0 =	rddreg [dreg:$0x0];
	s2 =	stileid.u32  }
0x22e: {  	s1 =	rddreg [dreg:$0x1];
	p0 =	sne.s32 s2, $0x0  }
0x22f: {  	s3 =	rddreg [dreg:$0x2];
	[bflag:$0x3] =	sbarrier.arrive $0xFFFF;
	s2 =	simm.s32 @!p0 $0x1C04  }
0x230: {  	[timem:s3], [sflag:s2] =	dma.local @!p0 [hbm:s0], s1  }
0x231: {  	s0 =	simm.s32 @!p0 $0x4  }
0x232: {  	_ =	swait.ge @!p0 [sflag:s0], s1  }
0x233: {  	s1 =	ssub.s32 @!p0 $0x0, s1;
	[sflag:s0] =	ssyncset.done @!p0 $0x0  }
0x234: {  	[sflag:s0] =	ssyncadd.s32 @!p0 s1  }
0x235: {  	[bflag:$0x3] =	sbarrier.arrive $0xFFFF  }
0x236: {  	_ =	shalt  }

</sc_bundles>
